<compile_context>
chip_gen: v7x
topology: tpu7x:2x2x1
jax: 0.10.2.dev20260603
libtpu: 0.0.44.dev20260713+nightly
codegen_flags: <defaults>
</compile_context>

<pallas_src>
import numpy as np
import jax
import jax.numpy as jnp
from jax import lax
from jax.experimental import pallas as pl
from jax.experimental.pallas import tpu as pltpu
from jax.experimental.pallas import tpu_sc as plsc

_NN = 4
_S = 200
_D = 64
_B = 4096
_T = _S * _NN

_NC = 2
_NS = 16
_NW = _NC * _NS

_BPW = _B // _NW
_BG = _BPW // 16


def _pe_flat_np():
    i_num = np.arange(0.0, _S, dtype=np.float32).reshape(-1, 1)
    j_denom = np.power(
        10000.0, np.arange(0.0, _D, 2.0, dtype=np.float32) / _D
    )
    pe = np.zeros((_S, _D), dtype=np.float32)
    pe[:, 0::2] = np.sin(i_num / j_denom)
    pe[:, 1::2] = np.cos(i_num / j_denom)
    return pe.reshape(-1)


def _sc_body(x_hbm, pe_hbm, emb_hbm, out_hbm,
             x_all, tt_v, pe_v, emb_v, obuf0, obuf1, sem_o0, sem_o1):
    cid = lax.axis_index("c")
    sid = lax.axis_index("s")
    wid = sid * _NC + cid
    b0 = wid * _BPW

    lane = lax.iota(jnp.int32, 16)

    pltpu.sync_copy(x_hbm.at[pl.ds(b0 * _S, _BPW * _S)], x_all)
    pltpu.sync_copy(pe_hbm, pe_v)
    pltpu.sync_copy(emb_hbm, emb_v)

    @plsc.parallel_loop(0, _D, unroll=4)
    def build_d(d):
        for tc in range(_T // 16):
            t16 = tc * 16 + lane
            s16 = lax.shift_right_logical(t16, 2)
            v16 = lax.bitwise_and(t16, 3)
            pe16 = plsc.load_gather(pe_v, [s16 * _D + d])
            e16 = plsc.load_gather(emb_v, [v16 * _D + d])
            tt_v[pl.ds(d * _T + tc * 16, 16)] = pe16 + e16

    lane200 = lane * _S

    def do_s(s, i, obuf, sem_o):
        @pl.when(i > 0)
        def _():
            pltpu.make_async_copy(
                obuf, out_hbm.at[pl.ds(0, 1), :, pl.ds(b0, _BPW)], sem_o
            ).wait()
        idxs = tuple(
            s * _NN
            + plsc.load_gather(x_all, [lane200 + (bg * 16 * _S + s)])
            for bg in range(_BG)
        )

        @plsc.parallel_loop(0, _D, unroll=4, carry=idxs)
        def gather_d(d, idxs):
            for bg in range(_BG):
                g16 = plsc.load_gather(tt_v, [idxs[bg]])
                obuf[0, d, pl.ds(bg * 16, 16)] = g16
            return tuple(idx + _T for idx in idxs)
        pltpu.async_copy(
            obuf, out_hbm.at[pl.ds(s, 1), :, pl.ds(b0, _BPW)], sem_o
        )

    def pair_body(i, carry):
        do_s(2 * i, i, obuf0, sem_o0)
        do_s(2 * i + 1, i, obuf1, sem_o1)
        return carry

    lax.fori_loop(0, _S // 2, pair_body, 0)
    for obuf, sem_o in ((obuf0, sem_o0), (obuf1, sem_o1)):
        pltpu.make_async_copy(
            obuf, out_hbm.at[pl.ds(0, 1), :, pl.ds(b0, _BPW)], sem_o
        ).wait()


@jax.jit
def kernel(X, emb):
    X = X.astype(jnp.int32).reshape(-1)
    pe_flat = jnp.asarray(_pe_flat_np())
    emb_flat = emb.reshape(-1)
    mesh = plsc.VectorSubcoreMesh(core_axis_name="c", subcore_axis_name="s")
    out = pl.kernel(
        _sc_body,
        mesh=mesh,
        compiler_params=pltpu.CompilerParams(
            use_tc_tiling_on_sc=True, needs_layout_passes=False
        ),
        out_type=jax.ShapeDtypeStruct((_S, _D, _B), jnp.float32),
        scratch_types=[
            pltpu.VMEM((_BPW * _S,), jnp.int32),
            pltpu.VMEM((_D * _T,), jnp.float32),
            pltpu.VMEM((_S * _D,), jnp.float32),
            pltpu.VMEM((_NN * _D,), jnp.float32),
            pltpu.VMEM((1, _D, _BPW), jnp.float32),
            pltpu.VMEM((1, _D, _BPW), jnp.float32),
            pltpu.SemaphoreType.DMA,
            pltpu.SemaphoreType.DMA,
        ],
    )(X, pe_flat, emb_flat)
    return jnp.transpose(out, (2, 0, 1))

# --- scband reference (transcript-rebuilt; emitter-appended) ---
"""Pipeline reference for scband-nucleo-pos-encoding-75763223102077 (READ-ONLY COPY).

The authoritative reference and input builder live on the scoring server;
editing this copy changes nothing except your own understanding.
"""

import jax, jax.numpy as jnp
import numpy as np

NUM_NUCLEOTIDES = 4
SEQ_LEN = 200
EMBED_DIM = 64
BATCH = 4096


def _pe_matrix():
    # Sinusoidal positional encoding, identical math to the torch module.
    i_num = jnp.arange(0.0, SEQ_LEN, dtype=jnp.float32).reshape(-1, 1)
    j_denom = jnp.power(10000.0, jnp.arange(0.0, EMBED_DIM, 2.0, dtype=jnp.float32) / EMBED_DIM)
    pe = jnp.zeros((1, SEQ_LEN, EMBED_DIM), dtype=jnp.float32)
    pe = pe.at[:, :, 0::2].set(jnp.sin(i_num / j_denom))
    pe = pe.at[:, :, 1::2].set(jnp.cos(i_num / j_denom))
    return pe


def setup_inputs(seed: int = 0) -> dict:
    key = jax.random.key(seed)
    k1, k2 = jax.random.split(key)
    X = jax.random.randint(k1, (BATCH, SEQ_LEN), 0, NUM_NUCLEOTIDES)
    # Learned embedding table (nn.Embedding weight), N(0,1) init like torch default.
    emb = jax.random.normal(k2, (NUM_NUCLEOTIDES, EMBED_DIM), dtype=jnp.float32)
    return {"X": X, "emb": emb}


def reference(X, emb):
    # nn.Embedding lookup -> gather
    X_emb = jnp.take(emb, X, axis=0)  # (B, S, D)
    X_embpos = X_emb + _pe_matrix()   # broadcast add of PE buffer
    # Dropout is identity in eval mode (reference is deterministic forward).
    return X_embpos

if __name__ == "__main__":
    import jax
    _d = setup_inputs()
    print(jax.jit(kernel)(*tuple(_d.values())))

</pallas_src>

<mosaic_0001>
#map = affine_map<(d0, d1) -> (0)>
#map1 = affine_map<(d0, d1) -> (0, 0, 0)>
module attributes {stable_mosaic.version = 14 : i64} {
  func.func @_sc_body(%arg0: i32, %arg1: i32, %arg2: memref<819200xi32, #tpu.memory_space<hbm>>, %arg3: memref<12800xf32, #tpu.memory_space<hbm>>, %arg4: memref<256xf32, #tpu.memory_space<hbm>>, %arg5: memref<200x64x4096xf32, #tpu.memory_space<hbm>>, %arg6: memref<25600xi32, #tpu.memory_space<vmem>>, %arg7: memref<51200xf32, #tpu.memory_space<vmem>>, %arg8: memref<12800xf32, #tpu.memory_space<vmem>>, %arg9: memref<256xf32, #tpu.memory_space<vmem>>, %arg10: memref<1x64x128xf32, #tpu.memory_space<vmem>>, %arg11: memref<1x64x128xf32, #tpu.memory_space<vmem>>, %arg12: memref<!tpu.dma_semaphore, #tpu.memory_space<semaphore_mem>>, %arg13: memref<!tpu.dma_semaphore, #tpu.memory_space<semaphore_mem>>) attributes {dimension_semantics = [#tpu.dimension_semantics<core_parallel>, #tpu.dimension_semantics<subcore_parallel>], iteration_bounds = array<i64: 2, 16>, scalar_prefetch = 0 : i64, scratch_operands = 8 : i64, tpu.core_type = #tpu.core_type<sc_vector_subcore>, window_params = [{transform_indices = #map}, {transform_indices = #map}, {transform_indices = #map}, {transform_indices = #map1}]} {
    %mul3A = arith.constant 2 : i32
    %mul3A_0 = arith.muli %arg1, %mul3A : i32
    %add3A = arith.addi %mul3A_0, %arg0 : i32
    %mul3A_1 = arith.constant 128 : i32
    %mul3A_2 = arith.muli %add3A, %mul3A_1 : i32
    %iota3A = tpu.iota {dimensions = array<i32: 0>} : vector<16xi32>
    %mul3A_3 = arith.constant 200 : i32
    %mul3A_4 = arith.muli %mul3A_2, %mul3A_3 : i32
    "tpu.region"() ({
      %run_scoped3A = tpu.sem_alloc : memref<!tpu.dma_semaphore, #tpu.memory_space<semaphore_mem>>
      %dma_start3A = tpu.memref_slice %arg2[%mul3A_4] : memref<819200xi32, #tpu.memory_space<hbm>> -> memref<25600xi32, #tpu.memory_space<hbm>>
      %dma_start3A_26 = tpu.memref_slice %arg2[%mul3A_4] : memref<819200xi32, #tpu.memory_space<hbm>> -> memref<25600xi32, #tpu.memory_space<hbm>>
      tpu.enqueue_dma source(%dma_start3A_26 : memref<25600xi32, #tpu.memory_space<hbm>>) target(%arg6 : memref<25600xi32, #tpu.memory_space<vmem>>) target_semaphore(%run_scoped3A : memref<!tpu.dma_semaphore, #tpu.memory_space<semaphore_mem>>)
      %dma_wait3A_27 = tpu.memref_slice %arg2[%mul3A_4] : memref<819200xi32, #tpu.memory_space<hbm>> -> memref<25600xi32, #tpu.memory_space<hbm>>
      %dma_wait3A_28 = tpu.memref_slice %arg2[%mul3A_4] : memref<819200xi32, #tpu.memory_space<hbm>> -> memref<25600xi32, #tpu.memory_space<hbm>>
      tpu.wait_dma2 semaphore(%run_scoped3A : memref<!tpu.dma_semaphore, #tpu.memory_space<semaphore_mem>>) src(%dma_wait3A_28 : memref<25600xi32, #tpu.memory_space<hbm>>) dst(%arg6 : memref<25600xi32, #tpu.memory_space<vmem>>)
      tpu.yield
    }) : () -> ()
    "tpu.region"() ({
      %run_scoped3A = tpu.sem_alloc : memref<!tpu.dma_semaphore, #tpu.memory_space<semaphore_mem>>
      tpu.enqueue_dma source(%arg3 : memref<12800xf32, #tpu.memory_space<hbm>>) target(%arg8 : memref<12800xf32, #tpu.memory_space<vmem>>) target_semaphore(%run_scoped3A : memref<!tpu.dma_semaphore, #tpu.memory_space<semaphore_mem>>)
      tpu.wait_dma2 semaphore(%run_scoped3A : memref<!tpu.dma_semaphore, #tpu.memory_space<semaphore_mem>>) src(%arg3 : memref<12800xf32, #tpu.memory_space<hbm>>) dst(%arg8 : memref<12800xf32, #tpu.memory_space<vmem>>)
      tpu.yield
    }) : () -> ()
    "tpu.region"() ({
      %run_scoped3A = tpu.sem_alloc : memref<!tpu.dma_semaphore, #tpu.memory_space<semaphore_mem>>
      tpu.enqueue_dma source(%arg4 : memref<256xf32, #tpu.memory_space<hbm>>) target(%arg9 : memref<256xf32, #tpu.memory_space<vmem>>) target_semaphore(%run_scoped3A : memref<!tpu.dma_semaphore, #tpu.memory_space<semaphore_mem>>)
      tpu.wait_dma2 semaphore(%run_scoped3A : memref<!tpu.dma_semaphore, #tpu.memory_space<semaphore_mem>>) src(%arg4 : memref<256xf32, #tpu.memory_space<hbm>>) dst(%arg9 : memref<256xf32, #tpu.memory_space<vmem>>)
      tpu.yield
    }) : () -> ()
    %parallel_loop3A = arith.constant 0 : i32
    %parallel_loop3A_5 = arith.constant 64 : i32
    %parallel_loop3A_6 = arith.constant 1 : i32
    scf.for %parallel_loop3A_26 = %parallel_loop3A to %parallel_loop3A_5 step %parallel_loop3A_6  : i32 {
      %parallel_loop3A_27 = arith.constant 0 : i32
      %parallel_loop3A_28 = vector.broadcast %parallel_loop3A_27 : i32 to vector<16xi32>
      %parallel_loop3A_29 = arith.addi %parallel_loop3A_28, %iota3A : vector<16xi32>
      %parallel_loop3A_30 = arith.constant 2 : i32
      %parallel_loop3A_31 = vector.broadcast %parallel_loop3A_30 : i32 to vector<16xi32>
      %parallel_loop3A_32 = arith.shrui %parallel_loop3A_29, %parallel_loop3A_31 : vector<16xi32>
      %parallel_loop3A_33 = arith.constant 3 : i32
      %parallel_loop3A_34 = vector.broadcast %parallel_loop3A_33 : i32 to vector<16xi32>
      %parallel_loop3A_35 = arith.andi %parallel_loop3A_29, %parallel_loop3A_34 : vector<16xi32>
      %parallel_loop3A_36 = arith.constant 64 : i32
      %parallel_loop3A_37 = vector.broadcast %parallel_loop3A_36 : i32 to vector<16xi32>
      %parallel_loop3A_38 = arith.muli %parallel_loop3A_32, %parallel_loop3A_37 : vector<16xi32>
      %parallel_loop3A_39 = vector.broadcast %parallel_loop3A_26 : i32 to vector<16xi32>
      %parallel_loop3A_40 = arith.addi %parallel_loop3A_38, %parallel_loop3A_39 : vector<16xi32>
      %parallel_loop3A_41 = tpu.vector_load_idx %arg8[%parallel_loop3A_40] : memref<12800xf32, #tpu.memory_space<vmem>>[vector<16xi32>], vector<16xf32>,
      %parallel_loop3A_42 = arith.constant 64 : i32
      %parallel_loop3A_43 = vector.broadcast %parallel_loop3A_42 : i32 to vector<16xi32>
      %parallel_loop3A_44 = arith.muli %parallel_loop3A_35, %parallel_loop3A_43 : vector<16xi32>
      %parallel_loop3A_45 = vector.broadcast %parallel_loop3A_26 : i32 to vector<16xi32>
      %parallel_loop3A_46 = arith.addi %parallel_loop3A_44, %parallel_loop3A_45 : vector<16xi32>
      %parallel_loop3A_47 = tpu.vector_load_idx %arg9[%parallel_loop3A_46] : memref<256xf32, #tpu.memory_space<vmem>>[vector<16xi32>], vector<16xf32>,
      %parallel_loop3A_48 = arith.addf %parallel_loop3A_41, %parallel_loop3A_47 : vector<16xf32>
      %parallel_loop3A_49 = arith.constant 800 : i32
      %parallel_loop3A_50 = arith.muli %parallel_loop3A_26, %parallel_loop3A_49 : i32
      %parallel_loop3A_51 = arith.constant 0 : i32
      %parallel_loop3A_52 = arith.addi %parallel_loop3A_50, %parallel_loop3A_51 : i32
      %parallel_loop3A_53 = arith.index_cast %parallel_loop3A_52 : i32 to index
      %parallel_loop3A_54 = tpu.vector_load %arg7[%parallel_loop3A_53] {strides = array<i32>} : memref<51200xf32, #tpu.memory_space<vmem>>, vector<16xf32>,
      tpu.vector_store %arg7[%parallel_loop3A_53], %parallel_loop3A_48 {strides = array<i32>} : memref<51200xf32, #tpu.memory_space<vmem>>, vector<16xf32>,
      %parallel_loop3A_55 = arith.constant 16 : i32
      %parallel_loop3A_56 = vector.broadcast %parallel_loop3A_55 : i32 to vector<16xi32>
      %parallel_loop3A_57 = arith.addi %parallel_loop3A_56, %iota3A : vector<16xi32>
      %parallel_loop3A_58 = arith.constant 2 : i32
      %parallel_loop3A_59 = vector.broadcast %parallel_loop3A_58 : i32 to vector<16xi32>
      %parallel_loop3A_60 = arith.shrui %parallel_loop3A_57, %parallel_loop3A_59 : vector<16xi32>
      %parallel_loop3A_61 = arith.constant 3 : i32
      %parallel_loop3A_62 = vector.broadcast %parallel_loop3A_61 : i32 to vector<16xi32>
      %parallel_loop3A_63 = arith.andi %parallel_loop3A_57, %parallel_loop3A_62 : vector<16xi32>
      %parallel_loop3A_64 = arith.constant 64 : i32
      %parallel_loop3A_65 = vector.broadcast %parallel_loop3A_64 : i32 to vector<16xi32>
      %parallel_loop3A_66 = arith.muli %parallel_loop3A_60, %parallel_loop3A_65 : vector<16xi32>
      %parallel_loop3A_67 = vector.broadcast %parallel_loop3A_26 : i32 to vector<16xi32>
      %parallel_loop3A_68 = arith.addi %parallel_loop3A_66, %parallel_loop3A_67 : vector<16xi32>
      %parallel_loop3A_69 = tpu.vector_load_idx %arg8[%parallel_loop3A_68] : memref<12800xf32, #tpu.memory_space<vmem>>[vector<16xi32>], vector<16xf32>,
      %parallel_loop3A_70 = arith.constant 64 : i32
      %parallel_loop3A_71 = vector.broadcast %parallel_loop3A_70 : i32 to vector<16xi32>
      %parallel_loop3A_72 = arith.muli %parallel_loop3A_63, %parallel_loop3A_71 : vector<16xi32>
      %parallel_loop3A_73 = vector.broadcast %parallel_loop3A_26 : i32 to vector<16xi32>
      %parallel_loop3A_74 = arith.addi %parallel_loop3A_72, %parallel_loop3A_73 : vector<16xi32>
      %parallel_loop3A_75 = tpu.vector_load_idx %arg9[%parallel_loop3A_74] : memref<256xf32, #tpu.memory_space<vmem>>[vector<16xi32>], vector<16xf32>,
      %parallel_loop3A_76 = arith.addf %parallel_loop3A_69, %parallel_loop3A_75 : vector<16xf32>
      %parallel_loop3A_77 = arith.constant 800 : i32
      %parallel_loop3A_78 = arith.muli %parallel_loop3A_26, %parallel_loop3A_77 : i32
      %parallel_loop3A_79 = arith.constant 16 : i32
      %parallel_loop3A_80 = arith.addi %parallel_loop3A_78, %parallel_loop3A_79 : i32
      %parallel_loop3A_81 = arith.index_cast %parallel_loop3A_80 : i32 to index
      %parallel_loop3A_82 = tpu.vector_load %arg7[%parallel_loop3A_81] {strides = array<i32>} : memref<51200xf32, #tpu.memory_space<vmem>>, vector<16xf32>,
      tpu.vector_store %arg7[%parallel_loop3A_81], %parallel_loop3A_76 {strides = array<i32>} : memref<51200xf32, #tpu.memory_space<vmem>>, vector<16xf32>,
      %parallel_loop3A_83 = arith.constant 32 : i32
      %parallel_loop3A_84 = vector.broadcast %parallel_loop3A_83 : i32 to vector<16xi32>
      %parallel_loop3A_85 = arith.addi %parallel_loop3A_84, %iota3A : vector<16xi32>
      %parallel_loop3A_86 = arith.constant 2 : i32
      %parallel_loop3A_87 = vector.broadcast %parallel_loop3A_86 : i32 to vector<16xi32>
      %parallel_loop3A_88 = arith.shrui %parallel_loop3A_85, %parallel_loop3A_87 : vector<16xi32>
      %parallel_loop3A_89 = arith.constant 3 : i32
      %parallel_loop3A_90 = vector.broadcast %parallel_loop3A_89 : i32 to vector<16xi32>
      %parallel_loop3A_91 = arith.andi %parallel_loop3A_85, %parallel_loop3A_90 : vector<16xi32>
      %parallel_loop3A_92 = arith.constant 64 : i32
      %parallel_loop3A_93 = vector.broadcast %parallel_loop3A_92 : i32 to vector<16xi32>
      %parallel_loop3A_94 = arith.muli %parallel_loop3A_88, %parallel_loop3A_93 : vector<16xi32>
      %parallel_loop3A_95 = vector.broadcast %parallel_loop3A_26 : i32 to vector<16xi32>
      %parallel_loop3A_96 = arith.addi %parallel_loop3A_94, %parallel_loop3A_95 : vector<16xi32>
      %parallel_loop3A_97 = tpu.vector_load_idx %arg8[%parallel_loop3A_96] : memref<12800xf32, #tpu.memory_space<vmem>>[vector<16xi32>], vector<16xf32>,
      %parallel_loop3A_98 = arith.constant 64 : i32
      %parallel_loop3A_99 = vector.broadcast %parallel_loop3A_98 : i32 to vector<16xi32>
      %parallel_loop3A_100 = arith.muli %parallel_loop3A_91, %parallel_loop3A_99 : vector<16xi32>
      %parallel_loop3A_101 = vector.broadcast %parallel_loop3A_26 : i32 to vector<16xi32>
      %parallel_loop3A_102 = arith.addi %parallel_loop3A_100, %parallel_loop3A_101 : vector<16xi32>
      %parallel_loop3A_103 = tpu.vector_load_idx %arg9[%parallel_loop3A_102] : memref<256xf32, #tpu.memory_space<vmem>>[vector<16xi32>], vector<16xf32>,
      %parallel_loop3A_104 = arith.addf %parallel_loop3A_97, %parallel_loop3A_103 : vector<16xf32>
      %parallel_loop3A_105 = arith.constant 800 : i32
      %parallel_loop3A_106 = arith.muli %parallel_loop3A_26, %parallel_loop3A_105 : i32
      %parallel_loop3A_107 = arith.constant 32 : i32
      %parallel_loop3A_108 = arith.addi %parallel_loop3A_106, %parallel_loop3A_107 : i32
      %parallel_loop3A_109 = arith.index_cast %parallel_loop3A_108 : i32 to index
      %parallel_loop3A_110 = tpu.vector_load %arg7[%parallel_loop3A_109] {strides = array<i32>} : memref<51200xf32, #tpu.memory_space<vmem>>, vector<16xf32>,
      tpu.vector_store %arg7[%parallel_loop3A_109], %parallel_loop3A_104 {strides = array<i32>} : memref<51200xf32, #tpu.memory_space<vmem>>, vector<16xf32>,
      %parallel_loop3A_111 = arith.constant 48 : i32
      %parallel_loop3A_112 = vector.broadcast %parallel_loop3A_111 : i32 to vector<16xi32>
      %parallel_loop3A_113 = arith.addi %parallel_loop3A_112, %iota3A : vector<16xi32>
      %parallel_loop3A_114 = arith.constant 2 : i32
      %parallel_loop3A_115 = vector.broadcast %parallel_loop3A_114 : i32 to vector<16xi32>
      %parallel_loop3A_116 = arith.shrui %parallel_loop3A_113, %parallel_loop3A_115 : vector<16xi32>
      %parallel_loop3A_117 = arith.constant 3 : i32
      %parallel_loop3A_118 = vector.broadcast %parallel_loop3A_117 : i32 to vector<16xi32>
      %parallel_loop3A_119 = arith.andi %parallel_loop3A_113, %parallel_loop3A_118 : vector<16xi32>
      %parallel_loop3A_120 = arith.constant 64 : i32
      %parallel_loop3A_121 = vector.broadcast %parallel_loop3A_120 : i32 to vector<16xi32>
      %parallel_loop3A_122 = arith.muli %parallel_loop3A_116, %parallel_loop3A_121 : vector<16xi32>
      %parallel_loop3A_123 = vector.broadcast %parallel_loop3A_26 : i32 to vector<16xi32>
      %parallel_loop3A_124 = arith.addi %parallel_loop3A_122, %parallel_loop3A_123 : vector<16xi32>
      %parallel_loop3A_125 = tpu.vector_load_idx %arg8[%parallel_loop3A_124] : memref<12800xf32, #tpu.memory_space<vmem>>[vector<16xi32>], vector<16xf32>,
      %parallel_loop3A_126 = arith.constant 64 : i32
      %parallel_loop3A_127 = vector.broadcast %parallel_loop3A_126 : i32 to vector<16xi32>
      %parallel_loop3A_128 = arith.muli %parallel_loop3A_119, %parallel_loop3A_127 : vector<16xi32>
      %parallel_loop3A_129 = vector.broadcast %parallel_loop3A_26 : i32 to vector<16xi32>
      %parallel_loop3A_130 = arith.addi %parallel_loop3A_128, %parallel_loop3A_129 : vector<16xi32>
      %parallel_loop3A_131 = tpu.vector_load_idx %arg9[%parallel_loop3A_130] : memref<256xf32, #tpu.memory_space<vmem>>[vector<16xi32>], vector<16xf32>,
      %parallel_loop3A_132 = arith.addf %parallel_loop3A_125, %parallel_loop3A_131 : vector<16xf32>
      %parallel_loop3A_133 = arith.constant 800 : i32
      %parallel_loop3A_134 = arith.muli %parallel_loop3A_26, %parallel_loop3A_133 : i32
      %parallel_loop3A_135 = arith.constant 48 : i32
      %parallel_loop3A_136 = arith.addi %parallel_loop3A_134, %parallel_loop3A_135 : i32
      %parallel_loop3A_137 = arith.index_cast %parallel_loop3A_136 : i32 to index
      %parallel_loop3A_138 = tpu.vector_load %arg7[%parallel_loop3A_137] {strides = array<i32>} : memref<51200xf32, #tpu.memory_space<vmem>>, vector<16xf32>,
      tpu.vector_store %arg7[%parallel_loop3A_137], %parallel_loop3A_132 {strides = array<i32>} : memref<51200xf32, #tpu.memory_space<vmem>>, vector<16xf32>,
      %parallel_loop3A_139 = arith.constant 64 : i32
      %parallel_loop3A_140 = vector.broadcast %parallel_loop3A_139 : i32 to vector<16xi32>
      %parallel_loop3A_141 = arith.addi %parallel_loop3A_140, %iota3A : vector<16xi32>
      %parallel_loop3A_142 = arith.constant 2 : i32
      %parallel_loop3A_143 = vector.broadcast %parallel_loop3A_142 : i32 to vector<16xi32>
      %parallel_loop3A_144 = arith.shrui %parallel_loop3A_141, %parallel_loop3A_143 : vector<16xi32>
      %parallel_loop3A_145 = arith.constant 3 : i32
      %parallel_loop3A_146 = vector.broadcast %parallel_loop3A_145 : i32 to vector<16xi32>
      %parallel_loop3A_147 = arith.andi %parallel_loop3A_141, %parallel_loop3A_146 : vector<16xi32>
      %parallel_loop3A_148 = arith.constant 64 : i32
      %parallel_loop3A_149 = vector.broadcast %parallel_loop3A_148 : i32 to vector<16xi32>
      %parallel_loop3A_150 = arith.muli %parallel_loop3A_144, %parallel_loop3A_149 : vector<16xi32>
      %parallel_loop3A_151 = vector.broadcast %parallel_loop3A_26 : i32 to vector<16xi32>
      %parallel_loop3A_152 = arith.addi %parallel_loop3A_150, %parallel_loop3A_151 : vector<16xi32>
      %parallel_loop3A_153 = tpu.vector_load_idx %arg8[%parallel_loop3A_152] : memref<12800xf32, #tpu.memory_space<vmem>>[vector<16xi32>], vector<16xf32>,
      %parallel_loop3A_154 = arith.constant 64 : i32
      %parallel_loop3A_155 = vector.broadcast %parallel_loop3A_154 : i32 to vector<16xi32>
      %parallel_loop3A_156 = arith.muli %parallel_loop3A_147, %parallel_loop3A_155 : vector<16xi32>
      %parallel_loop3A_157 = vector.broadcast %parallel_loop3A_26 : i32 to vector<16xi32>
      %parallel_loop3A_158 = arith.addi %parallel_loop3A_156, %parallel_loop3A_157 : vector<16xi32>
      %parallel_loop3A_159 = tpu.vector_load_idx %arg9[%parallel_loop3A_158] : memref<256xf32, #tpu.memory_space<vmem>>[vector<16xi32>], vector<16xf32>,
      %parallel_loop3A_160 = arith.addf %parallel_loop3A_153, %parallel_loop3A_159 : vector<16xf32>
      %parallel_loop3A_161 = arith.constant 800 : i32
      %parallel_loop3A_162 = arith.muli %parallel_loop3A_26, %parallel_loop3A_161 : i32
      %parallel_loop3A_163 = arith.constant 64 : i32
      %parallel_loop3A_164 = arith.addi %parallel_loop3A_162, %parallel_loop3A_163 : i32
      %parallel_loop3A_165 = arith.index_cast %parallel_loop3A_164 : i32 to index
      %parallel_loop3A_166 = tpu.vector_load %arg7[%parallel_loop3A_165] {strides = array<i32>} : memref<51200xf32, #tpu.memory_space<vmem>>, vector<16xf32>,
      tpu.vector_store %arg7[%parallel_loop3A_165], %parallel_loop3A_160 {strides = array<i32>} : memref<51200xf32, #tpu.memory_space<vmem>>, vector<16xf32>,
      %parallel_loop3A_167 = arith.constant 80 : i32
      %parallel_loop3A_168 = vector.broadcast %parallel_loop3A_167 : i32 to vector<16xi32>
      %parallel_loop3A_169 = arith.addi %parallel_loop3A_168, %iota3A : vector<16xi32>
      %parallel_loop3A_170 = arith.constant 2 : i32
      %parallel_loop3A_171 = vector.broadcast %parallel_loop3A_170 : i32 to vector<16xi32>
      %parallel_loop3A_172 = arith.shrui %parallel_loop3A_169, %parallel_loop3A_171 : vector<16xi32>
      %parallel_loop3A_173 = arith.constant 3 : i32
      %parallel_loop3A_174 = vector.broadcast %parallel_loop3A_173 : i32 to vector<16xi32>
      %parallel_loop3A_175 = arith.andi %parallel_loop3A_169, %parallel_loop3A_174 : vector<16xi32>
      %parallel_loop3A_176 = arith.constant 64 : i32
      %parallel_loop3A_177 = vector.broadcast %parallel_loop3A_176 : i32 to vector<16xi32>
      %parallel_loop3A_178 = arith.muli %parallel_loop3A_172, %parallel_loop3A_177 : vector<16xi32>
      %parallel_loop3A_179 = vector.broadcast %parallel_loop3A_26 : i32 to vector<16xi32>
      %parallel_loop3A_180 = arith.addi %parallel_loop3A_178, %parallel_loop3A_179 : vector<16xi32>
      %parallel_loop3A_181 = tpu.vector_load_idx %arg8[%parallel_loop3A_180] : memref<12800xf32, #tpu.memory_space<vmem>>[vector<16xi32>], vector<16xf32>,
      %parallel_loop3A_182 = arith.constant 64 : i32
      %parallel_loop3A_183 = vector.broadcast %parallel_loop3A_182 : i32 to vector<16xi32>
      %parallel_loop3A_184 = arith.muli %parallel_loop3A_175, %parallel_loop3A_183 : vector<16xi32>
      %parallel_loop3A_185 = vector.broadcast %parallel_loop3A_26 : i32 to vector<16xi32>
      %parallel_loop3A_186 = arith.addi %parallel_loop3A_184, %parallel_loop3A_185 : vector<16xi32>
      %parallel_loop3A_187 = tpu.vector_load_idx %arg9[%parallel_loop3A_186] : memref<256xf32, #tpu.memory_space<vmem>>[vector<16xi32>], vector<16xf32>,
      %parallel_loop3A_188 = arith.addf %parallel_loop3A_181, %parallel_loop3A_187 : vector<16xf32>
      %parallel_loop3A_189 = arith.constant 800 : i32
      %parallel_loop3A_190 = arith.muli %parallel_loop3A_26, %parallel_loop3A_189 : i32
      %parallel_loop3A_191 = arith.constant 80 : i32
      %parallel_loop3A_192 = arith.addi %parallel_loop3A_190, %parallel_loop3A_191 : i32
      %parallel_loop3A_193 = arith.index_cast %parallel_loop3A_192 : i32 to index
      %parallel_loop3A_194 = tpu.vector_load %arg7[%parallel_loop3A_193] {strides = array<i32>} : memref<51200xf32, #tpu.memory_space<vmem>>, vector<16xf32>,
      tpu.vector_store %arg7[%parallel_loop3A_193], %parallel_loop3A_188 {strides = array<i32>} : memref<51200xf32, #tpu.memory_space<vmem>>, vector<16xf32>,
      %parallel_loop3A_195 = arith.constant 96 : i32
      %parallel_loop3A_196 = vector.broadcast %parallel_loop3A_195 : i32 to vector<16xi32>
      %parallel_loop3A_197 = arith.addi %parallel_loop3A_196, %iota3A : vector<16xi32>
      %parallel_loop3A_198 = arith.constant 2 : i32
      %parallel_loop3A_199 = vector.broadcast %parallel_loop3A_198 : i32 to vector<16xi32>
      %parallel_loop3A_200 = arith.shrui %parallel_loop3A_197, %parallel_loop3A_199 : vector<16xi32>
      %parallel_loop3A_201 = arith.constant 3 : i32
      %parallel_loop3A_202 = vector.broadcast %parallel_loop3A_201 : i32 to vector<16xi32>
      %parallel_loop3A_203 = arith.andi %parallel_loop3A_197, %parallel_loop3A_202 : vector<16xi32>
      %parallel_loop3A_204 = arith.constant 64 : i32
      %parallel_loop3A_205 = vector.broadcast %parallel_loop3A_204 : i32 to vector<16xi32>
      %parallel_loop3A_206 = arith.muli %parallel_loop3A_200, %parallel_loop3A_205 : vector<16xi32>
      %parallel_loop3A_207 = vector.broadcast %parallel_loop3A_26 : i32 to vector<16xi32>
      %parallel_loop3A_208 = arith.addi %parallel_loop3A_206, %parallel_loop3A_207 : vector<16xi32>
      %parallel_loop3A_209 = tpu.vector_load_idx %arg8[%parallel_loop3A_208] : memref<12800xf32, #tpu.memory_space<vmem>>[vector<16xi32>], vector<16xf32>,
      %parallel_loop3A_210 = arith.constant 64 : i32
      %parallel_loop3A_211 = vector.broadcast %parallel_loop3A_210 : i32 to vector<16xi32>
      %parallel_loop3A_212 = arith.muli %parallel_loop3A_203, %parallel_loop3A_211 : vector<16xi32>
      %parallel_loop3A_213 = vector.broadcast %parallel_loop3A_26 : i32 to vector<16xi32>
      %parallel_loop3A_214 = arith.addi %parallel_loop3A_212, %parallel_loop3A_213 : vector<16xi32>
      %parallel_loop3A_215 = tpu.vector_load_idx %arg9[%parallel_loop3A_214] : memref<256xf32, #tpu.memory_space<vmem>>[vector<16xi32>], vector<16xf32>,
      %parallel_loop3A_216 = arith.addf %parallel_loop3A_209, %parallel_loop3A_215 : vector<16xf32>
      %parallel_loop3A_217 = arith.constant 800 : i32
      %parallel_loop3A_218 = arith.muli %parallel_loop3A_26, %parallel_loop3A_217 : i32
      %parallel_loop3A_219 = arith.constant 96 : i32
      %parallel_loop3A_220 = arith.addi %parallel_loop3A_218, %parallel_loop3A_219 : i32
      %parallel_loop3A_221 = arith.index_cast %parallel_loop3A_220 : i32 to index
      %parallel_loop3A_222 = tpu.vector_load %arg7[%parallel_loop3A_221] {strides = array<i32>} : memref<51200xf32, #tpu.memory_space<vmem>>, vector<16xf32>,
      tpu.vector_store %arg7[%parallel_loop3A_221], %parallel_loop3A_216 {strides = array<i32>} : memref<51200xf32, #tpu.memory_space<vmem>>, vector<16xf32>,
      %parallel_loop3A_223 = arith.constant 112 : i32
      %parallel_loop3A_224 = vector.broadcast %parallel_loop3A_223 : i32 to vector<16xi32>
      %parallel_loop3A_225 = arith.addi %parallel_loop3A_224, %iota3A : vector<16xi32>
      %parallel_loop3A_226 = arith.constant 2 : i32
      %parallel_loop3A_227 = vector.broadcast %parallel_loop3A_226 : i32 to vector<16xi32>
      %parallel_loop3A_228 = arith.shrui %parallel_loop3A_225, %parallel_loop3A_227 : vector<16xi32>
      %parallel_loop3A_229 = arith.constant 3 : i32
      %parallel_loop3A_230 = vector.broadcast %parallel_loop3A_229 : i32 to vector<16xi32>
      %parallel_loop3A_231 = arith.andi %parallel_loop3A_225, %parallel_loop3A_230 : vector<16xi32>
      %parallel_loop3A_232 = arith.constant 64 : i32
      %parallel_loop3A_233 = vector.broadcast %parallel_loop3A_232 : i32 to vector<16xi32>
      %parallel_loop3A_234 = arith.muli %parallel_loop3A_228, %parallel_loop3A_233 : vector<16xi32>
      %parallel_loop3A_235 = vector.broadcast %parallel_loop3A_26 : i32 to vector<16xi32>
      %parallel_loop3A_236 = arith.addi %parallel_loop3A_234, %parallel_loop3A_235 : vector<16xi32>
      %parallel_loop3A_237 = tpu.vector_load_idx %arg8[%parallel_loop3A_236] : memref<12800xf32, #tpu.memory_space<vmem>>[vector<16xi32>], vector<16xf32>,
      %parallel_loop3A_238 = arith.constant 64 : i32
      %parallel_loop3A_239 = vector.broadcast %parallel_loop3A_238 : i32 to vector<16xi32>
      %parallel_loop3A_240 = arith.muli %parallel_loop3A_231, %parallel_loop3A_239 : vector<16xi32>
      %parallel_loop3A_241 = vector.broadcast %parallel_loop3A_26 : i32 to vector<16xi32>
      %parallel_loop3A_242 = arith.addi %parallel_loop3A_240, %parallel_loop3A_241 : vector<16xi32>
      %parallel_loop3A_243 = tpu.vector_load_idx %arg9[%parallel_loop3A_242] : memref<256xf32, #tpu.memory_space<vmem>>[vector<16xi32>], vector<16xf32>,
      %parallel_loop3A_244 = arith.addf %parallel_loop3A_237, %parallel_loop3A_243 : vector<16xf32>
      %parallel_loop3A_245 = arith.constant 800 : i32
      %parallel_loop3A_246 = arith.muli %parallel_loop3A_26, %parallel_loop3A_245 : i32
      %parallel_loop3A_247 = arith.constant 112 : i32
      %parallel_loop3A_248 = arith.addi %parallel_loop3A_246, %parallel_loop3A_247 : i32
      %parallel_loop3A_249 = arith.index_cast %parallel_loop3A_248 : i32 to index
      %parallel_loop3A_250 = tpu.vector_load %arg7[%parallel_loop3A_249] {strides = array<i32>} : memref<51200xf32, #tpu.memory_space<vmem>>, vector<16xf32>,
      tpu.vector_store %arg7[%parallel_loop3A_249], %parallel_loop3A_244 {strides = array<i32>} : memref<51200xf32, #tpu.memory_space<vmem>>, vector<16xf32>,
      %parallel_loop3A_251 = arith.constant 128 : i32
      %parallel_loop3A_252 = vector.broadcast %parallel_loop3A_251 : i32 to vector<16xi32>
      %parallel_loop3A_253 = arith.addi %parallel_loop3A_252, %iota3A : vector<16xi32>
      %parallel_loop3A_254 = arith.constant 2 : i32
      %parallel_loop3A_255 = vector.broadcast %parallel_loop3A_254 : i32 to vector<16xi32>
      %parallel_loop3A_256 = arith.shrui %parallel_loop3A_253, %parallel_loop3A_255 : vector<16xi32>
      %parallel_loop3A_257 = arith.constant 3 : i32
      %parallel_loop3A_258 = vector.broadcast %parallel_loop3A_257 : i32 to vector<16xi32>
      %parallel_loop3A_259 = arith.andi %parallel_loop3A_253, %parallel_loop3A_258 : vector<16xi32>
      %parallel_loop3A_260 = arith.constant 64 : i32
      %parallel_loop3A_261 = vector.broadcast %parallel_loop3A_260 : i32 to vector<16xi32>
      %parallel_loop3A_262 = arith.muli %parallel_loop3A_256, %parallel_loop3A_261 : vector<16xi32>
      %parallel_loop3A_263 = vector.broadcast %parallel_loop3A_26 : i32 to vector<16xi32>
      %parallel_loop3A_264 = arith.addi %parallel_loop3A_262, %parallel_loop3A_263 : vector<16xi32>
      %parallel_loop3A_265 = tpu.vector_load_idx %arg8[%parallel_loop3A_264] : memref<12800xf32, #tpu.memory_space<vmem>>[vector<16xi32>], vector<16xf32>,
      %parallel_loop3A_266 = arith.constant 64 : i32
      %parallel_loop3A_267 = vector.broadcast %parallel_loop3A_266 : i32 to vector<16xi32>
      %parallel_loop3A_268 = arith.muli %parallel_loop3A_259, %parallel_loop3A_267 : vector<16xi32>
      %parallel_loop3A_269 = vector.broadcast %parallel_loop3A_26 : i32 to vector<16xi32>
      %parallel_loop3A_270 = arith.addi %parallel_loop3A_268, %parallel_loop3A_269 : vector<16xi32>
      %parallel_loop3A_271 = tpu.vector_load_idx %arg9[%parallel_loop3A_270] : memref<256xf32, #tpu.memory_space<vmem>>[vector<16xi32>], vector<16xf32>,
      %parallel_loop3A_272 = arith.addf %parallel_loop3A_265, %parallel_loop3A_271 : vector<16xf32>
      %parallel_loop3A_273 = arith.constant 800 : i32
      %parallel_loop3A_274 = arith.muli %parallel_loop3A_26, %parallel_loop3A_273 : i32
      %parallel_loop3A_275 = arith.constant 128 : i32
      %parallel_loop3A_276 = arith.addi %parallel_loop3A_274, %parallel_loop3A_275 : i32
      %parallel_loop3A_277 = arith.index_cast %parallel_loop3A_276 : i32 to index
      %parallel_loop3A_278 = tpu.vector_load %arg7[%parallel_loop3A_277] {strides = array<i32>} : memref<51200xf32, #tpu.memory_space<vmem>>, vector<16xf32>,
      tpu.vector_store %arg7[%parallel_loop3A_277], %parallel_loop3A_272 {strides = array<i32>} : memref<51200xf32, #tpu.memory_space<vmem>>, vector<16xf32>,
      %parallel_loop3A_279 = arith.constant 144 : i32
      %parallel_loop3A_280 = vector.broadcast %parallel_loop3A_279 : i32 to vector<16xi32>
      %parallel_loop3A_281 = arith.addi %parallel_loop3A_280, %iota3A : vector<16xi32>
      %parallel_loop3A_282 = arith.constant 2 : i32
      %parallel_loop3A_283 = vector.broadcast %parallel_loop3A_282 : i32 to vector<16xi32>
      %parallel_loop3A_284 = arith.shrui %parallel_loop3A_281, %parallel_loop3A_283 : vector<16xi32>
      %parallel_loop3A_285 = arith.constant 3 : i32
      %parallel_loop3A_286 = vector.broadcast %parallel_loop3A_285 : i32 to vector<16xi32>
      %parallel_loop3A_287 = arith.andi %parallel_loop3A_281, %parallel_loop3A_286 : vector<16xi32>
      %parallel_loop3A_288 = arith.constant 64 : i32
      %parallel_loop3A_289 = vector.broadcast %parallel_loop3A_288 : i32 to vector<16xi32>
      %parallel_loop3A_290 = arith.muli %parallel_loop3A_284, %parallel_loop3A_289 : vector<16xi32>
      %parallel_loop3A_291 = vector.broadcast %parallel_loop3A_26 : i32 to vector<16xi32>
      %parallel_loop3A_292 = arith.addi %parallel_loop3A_290, %parallel_loop3A_291 : vector<16xi32>
      %parallel_loop3A_293 = tpu.vector_load_idx %arg8[%parallel_loop3A_292] : memref<12800xf32, #tpu.memory_space<vmem>>[vector<16xi32>], vector<16xf32>,
      %parallel_loop3A_294 = arith.constant 64 : i32
      %parallel_loop3A_295 = vector.broadcast %parallel_loop3A_294 : i32 to vector<16xi32>
      %parallel_loop3A_296 = arith.muli %parallel_loop3A_287, %parallel_loop3A_295 : vector<16xi32>
      %parallel_loop3A_297 = vector.broadcast %parallel_loop3A_26 : i32 to vector<16xi32>
      %parallel_loop3A_298 = arith.addi %parallel_loop3A_296, %parallel_loop3A_297 : vector<16xi32>
      %parallel_loop3A_299 = tpu.vector_load_idx %arg9[%parallel_loop3A_298] : memref<256xf32, #tpu.memory_space<vmem>>[vector<16xi32>], vector<16xf32>,
      %parallel_loop3A_300 = arith.addf %parallel_loop3A_293, %parallel_loop3A_299 : vector<16xf32>
      %parallel_loop3A_301 = arith.constant 800 : i32
      %parallel_loop3A_302 = arith.muli %parallel_loop3A_26, %parallel_loop3A_301 : i32
      %parallel_loop3A_303 = arith.constant 144 : i32
      %parallel_loop3A_304 = arith.addi %parallel_loop3A_302, %parallel_loop3A_303 : i32
      %parallel_loop3A_305 = arith.index_cast %parallel_loop3A_304 : i32 to index
      %parallel_loop3A_306 = tpu.vector_load %arg7[%parallel_loop3A_305] {strides = array<i32>} : memref<51200xf32, #tpu.memory_space<vmem>>, vector<16xf32>,
      tpu.vector_store %arg7[%parallel_loop3A_305], %parallel_loop3A_300 {strides = array<i32>} : memref<51200xf32, #tpu.memory_space<vmem>>, vector<16xf32>,
      %parallel_loop3A_307 = arith.constant 160 : i32
      %parallel_loop3A_308 = vector.broadcast %parallel_loop3A_307 : i32 to vector<16xi32>
      %parallel_loop3A_309 = arith.addi %parallel_loop3A_308, %iota3A : vector<16xi32>
      %parallel_loop3A_310 = arith.constant 2 : i32
      %parallel_loop3A_311 = vector.broadcast %parallel_loop3A_310 : i32 to vector<16xi32>
      %parallel_loop3A_312 = arith.shrui %parallel_loop3A_309, %parallel_loop3A_311 : vector<16xi32>
      %parallel_loop3A_313 = arith.constant 3 : i32
      %parallel_loop3A_314 = vector.broadcast %parallel_loop3A_313 : i32 to vector<16xi32>
      %parallel_loop3A_315 = arith.andi %parallel_loop3A_309, %parallel_loop3A_314 : vector<16xi32>
      %parallel_loop3A_316 = arith.constant 64 : i32
      %parallel_loop3A_317 = vector.broadcast %parallel_loop3A_316 : i32 to vector<16xi32>
      %parallel_loop3A_318 = arith.muli %parallel_loop3A_312, %parallel_loop3A_317 : vector<16xi32>
      %parallel_loop3A_319 = vector.broadcast %parallel_loop3A_26 : i32 to vector<16xi32>
      %parallel_loop3A_320 = arith.addi %parallel_loop3A_318, %parallel_loop3A_319 : vector<16xi32>
      %parallel_loop3A_321 = tpu.vector_load_idx %arg8[%parallel_loop3A_320] : memref<12800xf32, #tpu.memory_space<vmem>>[vector<16xi32>], vector<16xf32>,
      %parallel_loop3A_322 = arith.constant 64 : i32
      %parallel_loop3A_323 = vector.broadcast %parallel_loop3A_322 : i32 to vector<16xi32>
      %parallel_loop3A_324 = arith.muli %parallel_loop3A_315, %parallel_loop3A_323 : vector<16xi32>
      %parallel_loop3A_325 = vector.broadcast %parallel_loop3A_26 : i32 to vector<16xi32>
      %parallel_loop3A_326 = arith.addi %parallel_loop3A_324, %parallel_loop3A_325 : vector<16xi32>
      %parallel_loop3A_327 = tpu.vector_load_idx %arg9[%parallel_loop3A_326] : memref<256xf32, #tpu.memory_space<vmem>>[vector<16xi32>], vector<16xf32>,
      %parallel_loop3A_328 = arith.addf %parallel_loop3A_321, %parallel_loop3A_327 : vector<16xf32>
      %parallel_loop3A_329 = arith.constant 800 : i32
      %parallel_loop3A_330 = arith.muli %parallel_loop3A_26, %parallel_loop3A_329 : i32
      %parallel_loop3A_331 = arith.constant 160 : i32
      %parallel_loop3A_332 = arith.addi %parallel_loop3A_330, %parallel_loop3A_331 : i32
      %parallel_loop3A_333 = arith.index_cast %parallel_loop3A_332 : i32 to index
      %parallel_loop3A_334 = tpu.vector_load %arg7[%parallel_loop3A_333] {strides = array<i32>} : memref<51200xf32, #tpu.memory_space<vmem>>, vector<16xf32>,
      tpu.vector_store %arg7[%parallel_loop3A_333], %parallel_loop3A_328 {strides = array<i32>} : memref<51200xf32, #tpu.memory_space<vmem>>, vector<16xf32>,
      %parallel_loop3A_335 = arith.constant 176 : i32
      %parallel_loop3A_336 = vector.broadcast %parallel_loop3A_335 : i32 to vector<16xi32>
      %parallel_loop3A_337 = arith.addi %parallel_loop3A_336, %iota3A : vector<16xi32>
      %parallel_loop3A_338 = arith.constant 2 : i32
      %parallel_loop3A_339 = vector.broadcast %parallel_loop3A_338 : i32 to vector<16xi32>
      %parallel_loop3A_340 = arith.shrui %parallel_loop3A_337, %parallel_loop3A_339 : vector<16xi32>
      %parallel_loop3A_341 = arith.constant 3 : i32
      %parallel_loop3A_342 = vector.broadcast %parallel_loop3A_341 : i32 to vector<16xi32>
      %parallel_loop3A_343 = arith.andi %parallel_loop3A_337, %parallel_loop3A_342 : vector<16xi32>
      %parallel_loop3A_344 = arith.constant 64 : i32
      %parallel_loop3A_345 = vector.broadcast %parallel_loop3A_344 : i32 to vector<16xi32>
      %parallel_loop3A_346 = arith.muli %parallel_loop3A_340, %parallel_loop3A_345 : vector<16xi32>
      %parallel_loop3A_347 = vector.broadcast %parallel_loop3A_26 : i32 to vector<16xi32>
      %parallel_loop3A_348 = arith.addi %parallel_loop3A_346, %parallel_loop3A_347 : vector<16xi32>
      %parallel_loop3A_349 = tpu.vector_load_idx %arg8[%parallel_loop3A_348] : memref<12800xf32, #tpu.memory_space<vmem>>[vector<16xi32>], vector<16xf32>,
      %parallel_loop3A_350 = arith.constant 64 : i32
      %parallel_loop3A_351 = vector.broadcast %parallel_loop3A_350 : i32 to vector<16xi32>
      %parallel_loop3A_352 = arith.muli %parallel_loop3A_343, %parallel_loop3A_351 : vector<16xi32>
      %parallel_loop3A_353 = vector.broadcast %parallel_loop3A_26 : i32 to vector<16xi32>
      %parallel_loop3A_354 = arith.addi %parallel_loop3A_352, %parallel_loop3A_353 : vector<16xi32>
      %parallel_loop3A_355 = tpu.vector_load_idx %arg9[%parallel_loop3A_354] : memref<256xf32, #tpu.memory_space<vmem>>[vector<16xi32>], vector<16xf32>,
      %parallel_loop3A_356 = arith.addf %parallel_loop3A_349, %parallel_loop3A_355 : vector<16xf32>
      %parallel_loop3A_357 = arith.constant 800 : i32
      %parallel_loop3A_358 = arith.muli %parallel_loop3A_26, %parallel_loop3A_357 : i32
      %parallel_loop3A_359 = arith.constant 176 : i32
      %parallel_loop3A_360 = arith.addi %parallel_loop3A_358, %parallel_loop3A_359 : i32
      %parallel_loop3A_361 = arith.index_cast %parallel_loop3A_360 : i32 to index
      %parallel_loop3A_362 = tpu.vector_load %arg7[%parallel_loop3A_361] {strides = array<i32>} : memref<51200xf32, #tpu.memory_space<vmem>>, vector<16xf32>,
      tpu.vector_store %arg7[%parallel_loop3A_361], %parallel_loop3A_356 {strides = array<i32>} : memref<51200xf32, #tpu.memory_space<vmem>>, vector<16xf32>,
      %parallel_loop3A_363 = arith.constant 192 : i32
      %parallel_loop3A_364 = vector.broadcast %parallel_loop3A_363 : i32 to vector<16xi32>
      %parallel_loop3A_365 = arith.addi %parallel_loop3A_364, %iota3A : vector<16xi32>
      %parallel_loop3A_366 = arith.constant 2 : i32
      %parallel_loop3A_367 = vector.broadcast %parallel_loop3A_366 : i32 to vector<16xi32>
      %parallel_loop3A_368 = arith.shrui %parallel_loop3A_365, %parallel_loop3A_367 : vector<16xi32>
      %parallel_loop3A_369 = arith.constant 3 : i32
      %parallel_loop3A_370 = vector.broadcast %parallel_loop3A_369 : i32 to vector<16xi32>
      %parallel_loop3A_371 = arith.andi %parallel_loop3A_365, %parallel_loop3A_370 : vector<16xi32>
      %parallel_loop3A_372 = arith.constant 64 : i32
      %parallel_loop3A_373 = vector.broadcast %parallel_loop3A_372 : i32 to vector<16xi32>
      %parallel_loop3A_374 = arith.muli %parallel_loop3A_368, %parallel_loop3A_373 : vector<16xi32>
      %parallel_loop3A_375 = vector.broadcast %parallel_loop3A_26 : i32 to vector<16xi32>
      %parallel_loop3A_376 = arith.addi %parallel_loop3A_374, %parallel_loop3A_375 : vector<16xi32>
      %parallel_loop3A_377 = tpu.vector_load_idx %arg8[%parallel_loop3A_376] : memref<12800xf32, #tpu.memory_space<vmem>>[vector<16xi32>], vector<16xf32>,
      %parallel_loop3A_378 = arith.constant 64 : i32
      %parallel_loop3A_379 = vector.broadcast %parallel_loop3A_378 : i32 to vector<16xi32>
      %parallel_loop3A_380 = arith.muli %parallel_loop3A_371, %parallel_loop3A_379 : vector<16xi32>
      %parallel_loop3A_381 = vector.broadcast %parallel_loop3A_26 : i32 to vector<16xi32>
      %parallel_loop3A_382 = arith.addi %parallel_loop3A_380, %parallel_loop3A_381 : vector<16xi32>
      %parallel_loop3A_383 = tpu.vector_load_idx %arg9[%parallel_loop3A_382] : memref<256xf32, #tpu.memory_space<vmem>>[vector<16xi32>], vector<16xf32>,
      %parallel_loop3A_384 = arith.addf %parallel_loop3A_377, %parallel_loop3A_383 : vector<16xf32>
      %parallel_loop3A_385 = arith.constant 800 : i32
      %parallel_loop3A_386 = arith.muli %parallel_loop3A_26, %parallel_loop3A_385 : i32
      %parallel_loop3A_387 = arith.constant 192 : i32
      %parallel_loop3A_388 = arith.addi %parallel_loop3A_386, %parallel_loop3A_387 : i32
      %parallel_loop3A_389 = arith.index_cast %parallel_loop3A_388 : i32 to index
      %parallel_loop3A_390 = tpu.vector_load %arg7[%parallel_loop3A_389] {strides = array<i32>} : memref<51200xf32, #tpu.memory_space<vmem>>, vector<16xf32>,
      tpu.vector_store %arg7[%parallel_loop3A_389], %parallel_loop3A_384 {strides = array<i32>} : memref<51200xf32, #tpu.memory_space<vmem>>, vector<16xf32>,
      %parallel_loop3A_391 = arith.constant 208 : i32
      %parallel_loop3A_392 = vector.broadcast %parallel_loop3A_391 : i32 to vector<16xi32>
      %parallel_loop3A_393 = arith.addi %parallel_loop3A_392, %iota3A : vector<16xi32>
      %parallel_loop3A_394 = arith.constant 2 : i32
      %parallel_loop3A_395 = vector.broadcast %parallel_loop3A_394 : i32 to vector<16xi32>
      %parallel_loop3A_396 = arith.shrui %parallel_loop3A_393, %parallel_loop3A_395 : vector<16xi32>
      %parallel_loop3A_397 = arith.constant 3 : i32
      %parallel_loop3A_398 = vector.broadcast %parallel_loop3A_397 : i32 to vector<16xi32>
      %parallel_loop3A_399 = arith.andi %parallel_loop3A_393, %parallel_loop3A_398 : vector<16xi32>
      %parallel_loop3A_400 = arith.constant 64 : i32
      %parallel_loop3A_401 = vector.broadcast %parallel_loop3A_400 : i32 to vector<16xi32>
      %parallel_loop3A_402 = arith.muli %parallel_loop3A_396, %parallel_loop3A_401 : vector<16xi32>
      %parallel_loop3A_403 = vector.broadcast %parallel_loop3A_26 : i32 to vector<16xi32>
      %parallel_loop3A_404 = arith.addi %parallel_loop3A_402, %parallel_loop3A_403 : vector<16xi32>
      %parallel_loop3A_405 = tpu.vector_load_idx %arg8[%parallel_loop3A_404] : memref<12800xf32, #tpu.memory_space<vmem>>[vector<16xi32>], vector<16xf32>,
      %parallel_loop3A_406 = arith.constant 64 : i32
      %parallel_loop3A_407 = vector.broadcast %parallel_loop3A_406 : i32 to vector<16xi32>
      %parallel_loop3A_408 = arith.muli %parallel_loop3A_399, %parallel_loop3A_407 : vector<16xi32>
      %parallel_loop3A_409 = vector.broadcast %parallel_loop3A_26 : i32 to vector<16xi32>
      %parallel_loop3A_410 = arith.addi %parallel_loop3A_408, %parallel_loop3A_409 : vector<16xi32>
      %parallel_loop3A_411 = tpu.vector_load_idx %arg9[%parallel_loop3A_410] : memref<256xf32, #tpu.memory_space<vmem>>[vector<16xi32>], vector<16xf32>,
      %parallel_loop3A_412 = arith.addf %parallel_loop3A_405, %parallel_loop3A_411 : vector<16xf32>
      %parallel_loop3A_413 = arith.constant 800 : i32
      %parallel_loop3A_414 = arith.muli %parallel_loop3A_26, %parallel_loop3A_413 : i32
      %parallel_loop3A_415 = arith.constant 208 : i32
      %parallel_loop3A_416 = arith.addi %parallel_loop3A_414, %parallel_loop3A_415 : i32
      %parallel_loop3A_417 = arith.index_cast %parallel_loop3A_416 : i32 to index
      %parallel_loop3A_418 = tpu.vector_load %arg7[%parallel_loop3A_417] {strides = array<i32>} : memref<51200xf32, #tpu.memory_space<vmem>>, vector<16xf32>,
      tpu.vector_store %arg7[%parallel_loop3A_417], %parallel_loop3A_412 {strides = array<i32>} : memref<51200xf32, #tpu.memory_space<vmem>>, vector<16xf32>,
      %parallel_loop3A_419 = arith.constant 224 : i32
      %parallel_loop3A_420 = vector.broadcast %parallel_loop3A_419 : i32 to vector<16xi32>
      %parallel_loop3A_421 = arith.addi %parallel_loop3A_420, %iota3A : vector<16xi32>
      %parallel_loop3A_422 = arith.constant 2 : i32
      %parallel_loop3A_423 = vector.broadcast %parallel_loop3A_422 : i32 to vector<16xi32>
      %parallel_loop3A_424 = arith.shrui %parallel_loop3A_421, %parallel_loop3A_423 : vector<16xi32>
      %parallel_loop3A_425 = arith.constant 3 : i32
      %parallel_loop3A_426 = vector.broadcast %parallel_loop3A_425 : i32 to vector<16xi32>
      %parallel_loop3A_427 = arith.andi %parallel_loop3A_421, %parallel_loop3A_426 : vector<16xi32>
      %parallel_loop3A_428 = arith.constant 64 : i32
      %parallel_loop3A_429 = vector.broadcast %parallel_loop3A_428 : i32 to vector<16xi32>
      %parallel_loop3A_430 = arith.muli %parallel_loop3A_424, %parallel_loop3A_429 : vector<16xi32>
      %parallel_loop3A_431 = vector.broadcast %parallel_loop3A_26 : i32 to vector<16xi32>
      %parallel_loop3A_432 = arith.addi %parallel_loop3A_430, %parallel_loop3A_431 : vector<16xi32>
      %parallel_loop3A_433 = tpu.vector_load_idx %arg8[%parallel_loop3A_432] : memref<12800xf32, #tpu.memory_space<vmem>>[vector<16xi32>], vector<16xf32>,
      %parallel_loop3A_434 = arith.constant 64 : i32
      %parallel_loop3A_435 = vector.broadcast %parallel_loop3A_434 : i32 to vector<16xi32>
      %parallel_loop3A_436 = arith.muli %parallel_loop3A_427, %parallel_loop3A_435 : vector<16xi32>
      %parallel_loop3A_437 = vector.broadcast %parallel_loop3A_26 : i32 to vector<16xi32>
      %parallel_loop3A_438 = arith.addi %parallel_loop3A_436, %parallel_loop3A_437 : vector<16xi32>
      %parallel_loop3A_439 = tpu.vector_load_idx %arg9[%parallel_loop3A_438] : memref<256xf32, #tpu.memory_space<vmem>>[vector<16xi32>], vector<16xf32>,
      %parallel_loop3A_440 = arith.addf %parallel_loop3A_433, %parallel_loop3A_439 : vector<16xf32>
      %parallel_loop3A_441 = arith.constant 800 : i32
      %parallel_loop3A_442 = arith.muli %parallel_loop3A_26, %parallel_loop3A_441 : i32
      %parallel_loop3A_443 = arith.constant 224 : i32
      %parallel_loop3A_444 = arith.addi %parallel_loop3A_442, %parallel_loop3A_443 : i32
      %parallel_loop3A_445 = arith.index_cast %parallel_loop3A_444 : i32 to index
      %parallel_loop3A_446 = tpu.vector_load %arg7[%parallel_loop3A_445] {strides = array<i32>} : memref<51200xf32, #tpu.memory_space<vmem>>, vector<16xf32>,
      tpu.vector_store %arg7[%parallel_loop3A_445], %parallel_loop3A_440 {strides = array<i32>} : memref<51200xf32, #tpu.memory_space<vmem>>, vector<16xf32>,
      %parallel_loop3A_447 = arith.constant 240 : i32
      %parallel_loop3A_448 = vector.broadcast %parallel_loop3A_447 : i32 to vector<16xi32>
      %parallel_loop3A_449 = arith.addi %parallel_loop3A_448, %iota3A : vector<16xi32>
      %parallel_loop3A_450 = arith.constant 2 : i32
      %parallel_loop3A_451 = vector.broadcast %parallel_loop3A_450 : i32 to vector<16xi32>
      %parallel_loop3A_452 = arith.shrui %parallel_loop3A_449, %parallel_loop3A_451 : vector<16xi32>
      %parallel_loop3A_453 = arith.constant 3 : i32
      %parallel_loop3A_454 = vector.broadcast %parallel_loop3A_453 : i32 to vector<16xi32>
      %parallel_loop3A_455 = arith.andi %parallel_loop3A_449, %parallel_loop3A_454 : vector<16xi32>
      %parallel_loop3A_456 = arith.constant 64 : i32
      %parallel_loop3A_457 = vector.broadcast %parallel_loop3A_456 : i32 to vector<16xi32>
      %parallel_loop3A_458 = arith.muli %parallel_loop3A_452, %parallel_loop3A_457 : vector<16xi32>
      %parallel_loop3A_459 = vector.broadcast %parallel_loop3A_26 : i32 to vector<16xi32>
      %parallel_loop3A_460 = arith.addi %parallel_loop3A_458, %parallel_loop3A_459 : vector<16xi32>
      %parallel_loop3A_461 = tpu.vector_load_idx %arg8[%parallel_loop3A_460] : memref<12800xf32, #tpu.memory_space<vmem>>[vector<16xi32>], vector<16xf32>,
      %parallel_loop3A_462 = arith.constant 64 : i32
      %parallel_loop3A_463 = vector.broadcast %parallel_loop3A_462 : i32 to vector<16xi32>
      %parallel_loop3A_464 = arith.muli %parallel_loop3A_455, %parallel_loop3A_463 : vector<16xi32>
      %parallel_loop3A_465 = vector.broadcast %parallel_loop3A_26 : i32 to vector<16xi32>
      %parallel_loop3A_466 = arith.addi %parallel_loop3A_464, %parallel_loop3A_465 : vector<16xi32>
      %parallel_loop3A_467 = tpu.vector_load_idx %arg9[%parallel_loop3A_466] : memref<256xf32, #tpu.memory_space<vmem>>[vector<16xi32>], vector<16xf32>,
      %parallel_loop3A_468 = arith.addf %parallel_loop3A_461, %parallel_loop3A_467 : vector<16xf32>
      %parallel_loop3A_469 = arith.constant 800 : i32
      %parallel_loop3A_470 = arith.muli %parallel_loop3A_26, %parallel_loop3A_469 : i32
      %parallel_loop3A_471 = arith.constant 240 : i32
      %parallel_loop3A_472 = arith.addi %parallel_loop3A_470, %parallel_loop3A_471 : i32
      %parallel_loop3A_473 = arith.index_cast %parallel_loop3A_472 : i32 to index
      %parallel_loop3A_474 = tpu.vector_load %arg7[%parallel_loop3A_473] {strides = array<i32>} : memref<51200xf32, #tpu.memory_space<vmem>>, vector<16xf32>,
      tpu.vector_store %arg7[%parallel_loop3A_473], %parallel_loop3A_468 {strides = array<i32>} : memref<51200xf32, #tpu.memory_space<vmem>>, vector<16xf32>,
      %parallel_loop3A_475 = arith.constant 256 : i32
      %parallel_loop3A_476 = vector.broadcast %parallel_loop3A_475 : i32 to vector<16xi32>
      %parallel_loop3A_477 = arith.addi %parallel_loop3A_476, %iota3A : vector<16xi32>
      %parallel_loop3A_478 = arith.constant 2 : i32
      %parallel_loop3A_479 = vector.broadcast %parallel_loop3A_478 : i32 to vector<16xi32>
      %parallel_loop3A_480 = arith.shrui %parallel_loop3A_477, %parallel_loop3A_479 : vector<16xi32>
      %parallel_loop3A_481 = arith.constant 3 : i32
      %parallel_loop3A_482 = vector.broadcast %parallel_loop3A_481 : i32 to vector<16xi32>
      %parallel_loop3A_483 = arith.andi %parallel_loop3A_477, %parallel_loop3A_482 : vector<16xi32>
      %parallel_loop3A_484 = arith.constant 64 : i32
      %parallel_loop3A_485 = vector.broadcast %parallel_loop3A_484 : i32 to vector<16xi32>
      %parallel_loop3A_486 = arith.muli %parallel_loop3A_480, %parallel_loop3A_485 : vector<16xi32>
      %parallel_loop3A_487 = vector.broadcast %parallel_loop3A_26 : i32 to vector<16xi32>
      %parallel_loop3A_488 = arith.addi %parallel_loop3A_486, %parallel_loop3A_487 : vector<16xi32>
      %parallel_loop3A_489 = tpu.vector_load_idx %arg8[%parallel_loop3A_488] : memref<12800xf32, #tpu.memory_space<vmem>>[vector<16xi32>], vector<16xf32>,
      %parallel_loop3A_490 = arith.constant 64 : i32
      %parallel_loop3A_491 = vector.broadcast %parallel_loop3A_490 : i32 to vector<16xi32>
      %parallel_loop3A_492 = arith.muli %parallel_loop3A_483, %parallel_loop3A_491 : vector<16xi32>
      %parallel_loop3A_493 = vector.broadcast %parallel_loop3A_26 : i32 to vector<16xi32>
      %parallel_loop3A_494 = arith.addi %parallel_loop3A_492, %parallel_loop3A_493 : vector<16xi32>
      %parallel_loop3A_495 = tpu.vector_load_idx %arg9[%parallel_loop3A_494] : memref<256xf32, #tpu.memory_space<vmem>>[vector<16xi32>], vector<16xf32>,
      %parallel_loop3A_496 = arith.addf %parallel_loop3A_489, %parallel_loop3A_495 : vector<16xf32>
      %parallel_loop3A_497 = arith.constant 800 : i32
      %parallel_loop3A_498 = arith.muli %parallel_loop3A_26, %parallel_loop3A_497 : i32
      %parallel_loop3A_499 = arith.constant 256 : i32
      %parallel_loop3A_500 = arith.addi %parallel_loop3A_498, %parallel_loop3A_499 : i32
      %parallel_loop3A_501 = arith.index_cast %parallel_loop3A_500 : i32 to index
      %parallel_loop3A_502 = tpu.vector_load %arg7[%parallel_loop3A_501] {strides = array<i32>} : memref<51200xf32, #tpu.memory_space<vmem>>, vector<16xf32>,
      tpu.vector_store %arg7[%parallel_loop3A_501], %parallel_loop3A_496 {strides = array<i32>} : memref<51200xf32, #tpu.memory_space<vmem>>, vector<16xf32>,
      %parallel_loop3A_503 = arith.constant 272 : i32
      %parallel_loop3A_504 = vector.broadcast %parallel_loop3A_503 : i32 to vector<16xi32>
      %parallel_loop3A_505 = arith.addi %parallel_loop3A_504, %iota3A : vector<16xi32>
      %parallel_loop3A_506 = arith.constant 2 : i32
      %parallel_loop3A_507 = vector.broadcast %parallel_loop3A_506 : i32 to vector<16xi32>
      %parallel_loop3A_508 = arith.shrui %parallel_loop3A_505, %parallel_loop3A_507 : vector<16xi32>
      %parallel_loop3A_509 = arith.constant 3 : i32
      %parallel_loop3A_510 = vector.broadcast %parallel_loop3A_509 : i32 to vector<16xi32>
      %parallel_loop3A_511 = arith.andi %parallel_loop3A_505, %parallel_loop3A_510 : vector<16xi32>
      %parallel_loop3A_512 = arith.constant 64 : i32
      %parallel_loop3A_513 = vector.broadcast %parallel_loop3A_512 : i32 to vector<16xi32>
      %parallel_loop3A_514 = arith.muli %parallel_loop3A_508, %parallel_loop3A_513 : vector<16xi32>
      %parallel_loop3A_515 = vector.broadcast %parallel_loop3A_26 : i32 to vector<16xi32>
      %parallel_loop3A_516 = arith.addi %parallel_loop3A_514, %parallel_loop3A_515 : vector<16xi32>
      %parallel_loop3A_517 = tpu.vector_load_idx %arg8[%parallel_loop3A_516] : memref<12800xf32, #tpu.memory_space<vmem>>[vector<16xi32>], vector<16xf32>,
      %parallel_loop3A_518 = arith.constant 64 : i32
      %parallel_loop3A_519 = vector.broadcast %parallel_loop3A_518 : i32 to vector<16xi32>
      %parallel_loop3A_520 = arith.muli %parallel_loop3A_511, %parallel_loop3A_519 : vector<16xi32>
      %parallel_loop3A_521 = vector.broadcast %parallel_loop3A_26 : i32 to vector<16xi32>
      %parallel_loop3A_522 = arith.addi %parallel_loop3A_520, %parallel_loop3A_521 : vector<16xi32>
      %parallel_loop3A_523 = tpu.vector_load_idx %arg9[%parallel_loop3A_522] : memref<256xf32, #tpu.memory_space<vmem>>[vector<16xi32>], vector<16xf32>,
      %parallel_loop3A_524 = arith.addf %parallel_loop3A_517, %parallel_loop3A_523 : vector<16xf32>
      %parallel_loop3A_525 = arith.constant 800 : i32
      %parallel_loop3A_526 = arith.muli %parallel_loop3A_26, %parallel_loop3A_525 : i32
      %parallel_loop3A_527 = arith.constant 272 : i32
      %parallel_loop3A_528 = arith.addi %parallel_loop3A_526, %parallel_loop3A_527 : i32
      %parallel_loop3A_529 = arith.index_cast %parallel_loop3A_528 : i32 to index
      %parallel_loop3A_530 = tpu.vector_load %arg7[%parallel_loop3A_529] {strides = array<i32>} : memref<51200xf32, #tpu.memory_space<vmem>>, vector<16xf32>,
      tpu.vector_store %arg7[%parallel_loop3A_529], %parallel_loop3A_524 {strides = array<i32>} : memref<51200xf32, #tpu.memory_space<vmem>>, vector<16xf32>,
      %parallel_loop3A_531 = arith.constant 288 : i32
      %parallel_loop3A_532 = vector.broadcast %parallel_loop3A_531 : i32 to vector<16xi32>
      %parallel_loop3A_533 = arith.addi %parallel_loop3A_532, %iota3A : vector<16xi32>
      %parallel_loop3A_534 = arith.constant 2 : i32
      %parallel_loop3A_535 = vector.broadcast %parallel_loop3A_534 : i32 to vector<16xi32>
      %parallel_loop3A_536 = arith.shrui %parallel_loop3A_533, %parallel_loop3A_535 : vector<16xi32>
      %parallel_loop3A_537 = arith.constant 3 : i32
      %parallel_loop3A_538 = vector.broadcast %parallel_loop3A_537 : i32 to vector<16xi32>
      %parallel_loop3A_539 = arith.andi %parallel_loop3A_533, %parallel_loop3A_538 : vector<16xi32>
      %parallel_loop3A_540 = arith.constant 64 : i32
      %parallel_loop3A_541 = vector.broadcast %parallel_loop3A_540 : i32 to vector<16xi32>
      %parallel_loop3A_542 = arith.muli %parallel_loop3A_536, %parallel_loop3A_541 : vector<16xi32>
      %parallel_loop3A_543 = vector.broadcast %parallel_loop3A_26 : i32 to vector<16xi32>
      %parallel_loop3A_544 = arith.addi %parallel_loop3A_542, %parallel_loop3A_543 : vector<16xi32>
      %parallel_loop3A_545 = tpu.vector_load_idx %arg8[%parallel_loop3A_544] : memref<12800xf32, #tpu.memory_space<vmem>>[vector<16xi32>], vector<16xf32>,
      %parallel_loop3A_546 = arith.constant 64 : i32
      %parallel_loop3A_547 = vector.broadcast %parallel_loop3A_546 : i32 to vector<16xi32>
      %parallel_loop3A_548 = arith.muli %parallel_loop3A_539, %parallel_loop3A_547 : vector<16xi32>
      %parallel_loop3A_549 = vector.broadcast %parallel_loop3A_26 : i32 to vector<16xi32>
      %parallel_loop3A_550 = arith.addi %parallel_loop3A_548, %parallel_loop3A_549 : vector<16xi32>
      %parallel_loop3A_551 = tpu.vector_load_idx %arg9[%parallel_loop3A_550] : memref<256xf32, #tpu.memory_space<vmem>>[vector<16xi32>], vector<16xf32>,
      %parallel_loop3A_552 = arith.addf %parallel_loop3A_545, %parallel_loop3A_551 : vector<16xf32>
      %parallel_loop3A_553 = arith.constant 800 : i32
      %parallel_loop3A_554 = arith.muli %parallel_loop3A_26, %parallel_loop3A_553 : i32
      %parallel_loop3A_555 = arith.constant 288 : i32
      %parallel_loop3A_556 = arith.addi %parallel_loop3A_554, %parallel_loop3A_555 : i32
      %parallel_loop3A_557 = arith.index_cast %parallel_loop3A_556 : i32 to index
      %parallel_loop3A_558 = tpu.vector_load %arg7[%parallel_loop3A_557] {strides = array<i32>} : memref<51200xf32, #tpu.memory_space<vmem>>, vector<16xf32>,
      tpu.vector_store %arg7[%parallel_loop3A_557], %parallel_loop3A_552 {strides = array<i32>} : memref<51200xf32, #tpu.memory_space<vmem>>, vector<16xf32>,
      %parallel_loop3A_559 = arith.constant 304 : i32
      %parallel_loop3A_560 = vector.broadcast %parallel_loop3A_559 : i32 to vector<16xi32>
      %parallel_loop3A_561 = arith.addi %parallel_loop3A_560, %iota3A : vector<16xi32>
      %parallel_loop3A_562 = arith.constant 2 : i32
      %parallel_loop3A_563 = vector.broadcast %parallel_loop3A_562 : i32 to vector<16xi32>
      %parallel_loop3A_564 = arith.shrui %parallel_loop3A_561, %parallel_loop3A_563 : vector<16xi32>
      %parallel_loop3A_565 = arith.constant 3 : i32
      %parallel_loop3A_566 = vector.broadcast %parallel_loop3A_565 : i32 to vector<16xi32>
      %parallel_loop3A_567 = arith.andi %parallel_loop3A_561, %parallel_loop3A_566 : vector<16xi32>
      %parallel_loop3A_568 = arith.constant 64 : i32
      %parallel_loop3A_569 = vector.broadcast %parallel_loop3A_568 : i32 to vector<16xi32>
      %parallel_loop3A_570 = arith.muli %parallel_loop3A_564, %parallel_loop3A_569 : vector<16xi32>
      %parallel_loop3A_571 = vector.broadcast %parallel_loop3A_26 : i32 to vector<16xi32>
      %parallel_loop3A_572 = arith.addi %parallel_loop3A_570, %parallel_loop3A_571 : vector<16xi32>
      %parallel_loop3A_573 = tpu.vector_load_idx %arg8[%parallel_loop3A_572] : memref<12800xf32, #tpu.memory_space<vmem>>[vector<16xi32>], vector<16xf32>,
      %parallel_loop3A_574 = arith.constant 64 : i32
      %parallel_loop3A_575 = vector.broadcast %parallel_loop3A_574 : i32 to vector<16xi32>
      %parallel_loop3A_576 = arith.muli %parallel_loop3A_567, %parallel_loop3A_575 : vector<16xi32>
      %parallel_loop3A_577 = vector.broadcast %parallel_loop3A_26 : i32 to vector<16xi32>
      %parallel_loop3A_578 = arith.addi %parallel_loop3A_576, %parallel_loop3A_577 : vector<16xi32>
      %parallel_loop3A_579 = tpu.vector_load_idx %arg9[%parallel_loop3A_578] : memref<256xf32, #tpu.memory_space<vmem>>[vector<16xi32>], vector<16xf32>,
      %parallel_loop3A_580 = arith.addf %parallel_loop3A_573, %parallel_loop3A_579 : vector<16xf32>
      %parallel_loop3A_581 = arith.constant 800 : i32
      %parallel_loop3A_582 = arith.muli %parallel_loop3A_26, %parallel_loop3A_581 : i32
      %parallel_loop3A_583 = arith.constant 304 : i32
      %parallel_loop3A_584 = arith.addi %parallel_loop3A_582, %parallel_loop3A_583 : i32
      %parallel_loop3A_585 = arith.index_cast %parallel_loop3A_584 : i32 to index
      %parallel_loop3A_586 = tpu.vector_load %arg7[%parallel_loop3A_585] {strides = array<i32>} : memref<51200xf32, #tpu.memory_space<vmem>>, vector<16xf32>,
      tpu.vector_store %arg7[%parallel_loop3A_585], %parallel_loop3A_580 {strides = array<i32>} : memref<51200xf32, #tpu.memory_space<vmem>>, vector<16xf32>,
      %parallel_loop3A_587 = arith.constant 320 : i32
      %parallel_loop3A_588 = vector.broadcast %parallel_loop3A_587 : i32 to vector<16xi32>
      %parallel_loop3A_589 = arith.addi %parallel_loop3A_588, %iota3A : vector<16xi32>
      %parallel_loop3A_590 = arith.constant 2 : i32
      %parallel_loop3A_591 = vector.broadcast %parallel_loop3A_590 : i32 to vector<16xi32>
      %parallel_loop3A_592 = arith.shrui %parallel_loop3A_589, %parallel_loop3A_591 : vector<16xi32>
      %parallel_loop3A_593 = arith.constant 3 : i32
      %parallel_loop3A_594 = vector.broadcast %parallel_loop3A_593 : i32 to vector<16xi32>
      %parallel_loop3A_595 = arith.andi %parallel_loop3A_589, %parallel_loop3A_594 : vector<16xi32>
      %parallel_loop3A_596 = arith.constant 64 : i32
      %parallel_loop3A_597 = vector.broadcast %parallel_loop3A_596 : i32 to vector<16xi32>
      %parallel_loop3A_598 = arith.muli %parallel_loop3A_592, %parallel_loop3A_597 : vector<16xi32>
      %parallel_loop3A_599 = vector.broadcast %parallel_loop3A_26 : i32 to vector<16xi32>
      %parallel_loop3A_600 = arith.addi %parallel_loop3A_598, %parallel_loop3A_599 : vector<16xi32>
      %parallel_loop3A_601 = tpu.vector_load_idx %arg8[%parallel_loop3A_600] : memref<12800xf32, #tpu.memory_space<vmem>>[vector<16xi32>], vector<16xf32>,
      %parallel_loop3A_602 = arith.constant 64 : i32
      %parallel_loop3A_603 = vector.broadcast %parallel_loop3A_602 : i32 to vector<16xi32>
      %parallel_loop3A_604 = arith.muli %parallel_loop3A_595, %parallel_loop3A_603 : vector<16xi32>
      %parallel_loop3A_605 = vector.broadcast %parallel_loop3A_26 : i32 to vector<16xi32>
      %parallel_loop3A_606 = arith.addi %parallel_loop3A_604, %parallel_loop3A_605 : vector<16xi32>
      %parallel_loop3A_607 = tpu.vector_load_idx %arg9[%parallel_loop3A_606] : memref<256xf32, #tpu.memory_space<vmem>>[vector<16xi32>], vector<16xf32>,
      %parallel_loop3A_608 = arith.addf %parallel_loop3A_601, %parallel_loop3A_607 : vector<16xf32>
      %parallel_loop3A_609 = arith.constant 800 : i32
      %parallel_loop3A_610 = arith.muli %parallel_loop3A_26, %parallel_loop3A_609 : i32
      %parallel_loop3A_611 = arith.constant 320 : i32
      %parallel_loop3A_612 = arith.addi %parallel_loop3A_610, %parallel_loop3A_611 : i32
      %parallel_loop3A_613 = arith.index_cast %parallel_loop3A_612 : i32 to index
      %parallel_loop3A_614 = tpu.vector_load %arg7[%parallel_loop3A_613] {strides = array<i32>} : memref<51200xf32, #tpu.memory_space<vmem>>, vector<16xf32>,
      tpu.vector_store %arg7[%parallel_loop3A_613], %parallel_loop3A_608 {strides = array<i32>} : memref<51200xf32, #tpu.memory_space<vmem>>, vector<16xf32>,
      %parallel_loop3A_615 = arith.constant 336 : i32
      %parallel_loop3A_616 = vector.broadcast %parallel_loop3A_615 : i32 to vector<16xi32>
      %parallel_loop3A_617 = arith.addi %parallel_loop3A_616, %iota3A : vector<16xi32>
      %parallel_loop3A_618 = arith.constant 2 : i32
      %parallel_loop3A_619 = vector.broadcast %parallel_loop3A_618 : i32 to vector<16xi32>
      %parallel_loop3A_620 = arith.shrui %parallel_loop3A_617, %parallel_loop3A_619 : vector<16xi32>
      %parallel_loop3A_621 = arith.constant 3 : i32
      %parallel_loop3A_622 = vector.broadcast %parallel_loop3A_621 : i32 to vector<16xi32>
      %parallel_loop3A_623 = arith.andi %parallel_loop3A_617, %parallel_loop3A_622 : vector<16xi32>
      %parallel_loop3A_624 = arith.constant 64 : i32
      %parallel_loop3A_625 = vector.broadcast %parallel_loop3A_624 : i32 to vector<16xi32>
      %parallel_loop3A_626 = arith.muli %parallel_loop3A_620, %parallel_loop3A_625 : vector<16xi32>
      %parallel_loop3A_627 = vector.broadcast %parallel_loop3A_26 : i32 to vector<16xi32>
      %parallel_loop3A_628 = arith.addi %parallel_loop3A_626, %parallel_loop3A_627 : vector<16xi32>
      %parallel_loop3A_629 = tpu.vector_load_idx %arg8[%parallel_loop3A_628] : memref<12800xf32, #tpu.memory_space<vmem>>[vector<16xi32>], vector<16xf32>,
      %parallel_loop3A_630 = arith.constant 64 : i32
      %parallel_loop3A_631 = vector.broadcast %parallel_loop3A_630 : i32 to vector<16xi32>
      %parallel_loop3A_632 = arith.muli %parallel_loop3A_623, %parallel_loop3A_631 : vector<16xi32>
      %parallel_loop3A_633 = vector.broadcast %parallel_loop3A_26 : i32 to vector<16xi32>
      %parallel_loop3A_634 = arith.addi %parallel_loop3A_632, %parallel_loop3A_633 : vector<16xi32>
      %parallel_loop3A_635 = tpu.vector_load_idx %arg9[%parallel_loop3A_634] : memref<256xf32, #tpu.memory_space<vmem>>[vector<16xi32>], vector<16xf32>,
      %parallel_loop3A_636 = arith.addf %parallel_loop3A_629, %parallel_loop3A_635 : vector<16xf32>
      %parallel_loop3A_637 = arith.constant 800 : i32
      %parallel_loop3A_638 = arith.muli %parallel_loop3A_26, %parallel_loop3A_637 : i32
      %parallel_loop3A_639 = arith.constant 336 : i32
      %parallel_loop3A_640 = arith.addi %parallel_loop3A_638, %parallel_loop3A_639 : i32
      %parallel_loop3A_641 = arith.index_cast %parallel_loop3A_640 : i32 to index
      %parallel_loop3A_642 = tpu.vector_load %arg7[%parallel_loop3A_641] {strides = array<i32>} : memref<51200xf32, #tpu.memory_space<vmem>>, vector<16xf32>,
      tpu.vector_store %arg7[%parallel_loop3A_641], %parallel_loop3A_636 {strides = array<i32>} : memref<51200xf32, #tpu.memory_space<vmem>>, vector<16xf32>,
      %parallel_loop3A_643 = arith.constant 352 : i32
      %parallel_loop3A_644 = vector.broadcast %parallel_loop3A_643 : i32 to vector<16xi32>
      %parallel_loop3A_645 = arith.addi %parallel_loop3A_644, %iota3A : vector<16xi32>
      %parallel_loop3A_646 = arith.constant 2 : i32
      %parallel_loop3A_647 = vector.broadcast %parallel_loop3A_646 : i32 to vector<16xi32>
      %parallel_loop3A_648 = arith.shrui %parallel_loop3A_645, %parallel_loop3A_647 : vector<16xi32>
      %parallel_loop3A_649 = arith.constant 3 : i32
      %parallel_loop3A_650 = vector.broadcast %parallel_loop3A_649 : i32 to vector<16xi32>
      %parallel_loop3A_651 = arith.andi %parallel_loop3A_645, %parallel_loop3A_650 : vector<16xi32>
      %parallel_loop3A_652 = arith.constant 64 : i32
      %parallel_loop3A_653 = vector.broadcast %parallel_loop3A_652 : i32 to vector<16xi32>
      %parallel_loop3A_654 = arith.muli %parallel_loop3A_648, %parallel_loop3A_653 : vector<16xi32>
      %parallel_loop3A_655 = vector.broadcast %parallel_loop3A_26 : i32 to vector<16xi32>
      %parallel_loop3A_656 = arith.addi %parallel_loop3A_654, %parallel_loop3A_655 : vector<16xi32>
      %parallel_loop3A_657 = tpu.vector_load_idx %arg8[%parallel_loop3A_656] : memref<12800xf32, #tpu.memory_space<vmem>>[vector<16xi32>], vector<16xf32>,
      %parallel_loop3A_658 = arith.constant 64 : i32
      %parallel_loop3A_659 = vector.broadcast %parallel_loop3A_658 : i32 to vector<16xi32>
      %parallel_loop3A_660 = arith.muli %parallel_loop3A_651, %parallel_loop3A_659 : vector<16xi32>
      %parallel_loop3A_661 = vector.broadcast %parallel_loop3A_26 : i32 to vector<16xi32>
      %parallel_loop3A_662 = arith.addi %parallel_loop3A_660, %parallel_loop3A_661 : vector<16xi32>
      %parallel_loop3A_663 = tpu.vector_load_idx %arg9[%parallel_loop3A_662] : memref<256xf32, #tpu.memory_space<vmem>>[vector<16xi32>], vector<16xf32>,
      %parallel_loop3A_664 = arith.addf %parallel_loop3A_657, %parallel_loop3A_663 : vector<16xf32>
      %parallel_loop3A_665 = arith.constant 800 : i32
      %parallel_loop3A_666 = arith.muli %parallel_loop3A_26, %parallel_loop3A_665 : i32
      %parallel_loop3A_667 = arith.constant 352 : i32
      %parallel_loop3A_668 = arith.addi %parallel_loop3A_666, %parallel_loop3A_667 : i32
      %parallel_loop3A_669 = arith.index_cast %parallel_loop3A_668 : i32 to index
      %parallel_loop3A_670 = tpu.vector_load %arg7[%parallel_loop3A_669] {strides = array<i32>} : memref<51200xf32, #tpu.memory_space<vmem>>, vector<16xf32>,
      tpu.vector_store %arg7[%parallel_loop3A_669], %parallel_loop3A_664 {strides = array<i32>} : memref<51200xf32, #tpu.memory_space<vmem>>, vector<16xf32>,
      %parallel_loop3A_671 = arith.constant 368 : i32
      %parallel_loop3A_672 = vector.broadcast %parallel_loop3A_671 : i32 to vector<16xi32>
      %parallel_loop3A_673 = arith.addi %parallel_loop3A_672, %iota3A : vector<16xi32>
      %parallel_loop3A_674 = arith.constant 2 : i32
      %parallel_loop3A_675 = vector.broadcast %parallel_loop3A_674 : i32 to vector<16xi32>
      %parallel_loop3A_676 = arith.shrui %parallel_loop3A_673, %parallel_loop3A_675 : vector<16xi32>
      %parallel_loop3A_677 = arith.constant 3 : i32
      %parallel_loop3A_678 = vector.broadcast %parallel_loop3A_677 : i32 to vector<16xi32>
      %parallel_loop3A_679 = arith.andi %parallel_loop3A_673, %parallel_loop3A_678 : vector<16xi32>
      %parallel_loop3A_680 = arith.constant 64 : i32
      %parallel_loop3A_681 = vector.broadcast %parallel_loop3A_680 : i32 to vector<16xi32>
      %parallel_loop3A_682 = arith.muli %parallel_loop3A_676, %parallel_loop3A_681 : vector<16xi32>
      %parallel_loop3A_683 = vector.broadcast %parallel_loop3A_26 : i32 to vector<16xi32>
      %parallel_loop3A_684 = arith.addi %parallel_loop3A_682, %parallel_loop3A_683 : vector<16xi32>
      %parallel_loop3A_685 = tpu.vector_load_idx %arg8[%parallel_loop3A_684] : memref<12800xf32, #tpu.memory_space<vmem>>[vector<16xi32>], vector<16xf32>,
      %parallel_loop3A_686 = arith.constant 64 : i32
      %parallel_loop3A_687 = vector.broadcast %parallel_loop3A_686 : i32 to vector<16xi32>
      %parallel_loop3A_688 = arith.muli %parallel_loop3A_679, %parallel_loop3A_687 : vector<16xi32>
      %parallel_loop3A_689 = vector.broadcast %parallel_loop3A_26 : i32 to vector<16xi32>
      %parallel_loop3A_690 = arith.addi %parallel_loop3A_688, %parallel_loop3A_689 : vector<16xi32>
      %parallel_loop3A_691 = tpu.vector_load_idx %arg9[%parallel_loop3A_690] : memref<256xf32, #tpu.memory_space<vmem>>[vector<16xi32>], vector<16xf32>,
      %parallel_loop3A_692 = arith.addf %parallel_loop3A_685, %parallel_loop3A_691 : vector<16xf32>
      %parallel_loop3A_693 = arith.constant 800 : i32
      %parallel_loop3A_694 = arith.muli %parallel_loop3A_26, %parallel_loop3A_693 : i32
      %parallel_loop3A_695 = arith.constant 368 : i32
      %parallel_loop3A_696 = arith.addi %parallel_loop3A_694, %parallel_loop3A_695 : i32
      %parallel_loop3A_697 = arith.index_cast %parallel_loop3A_696 : i32 to index
      %parallel_loop3A_698 = tpu.vector_load %arg7[%parallel_loop3A_697] {strides = array<i32>} : memref<51200xf32, #tpu.memory_space<vmem>>, vector<16xf32>,
      tpu.vector_store %arg7[%parallel_loop3A_697], %parallel_loop3A_692 {strides = array<i32>} : memref<51200xf32, #tpu.memory_space<vmem>>, vector<16xf32>,
      %parallel_loop3A_699 = arith.constant 384 : i32
      %parallel_loop3A_700 = vector.broadcast %parallel_loop3A_699 : i32 to vector<16xi32>
      %parallel_loop3A_701 = arith.addi %parallel_loop3A_700, %iota3A : vector<16xi32>
      %parallel_loop3A_702 = arith.constant 2 : i32
      %parallel_loop3A_703 = vector.broadcast %parallel_loop3A_702 : i32 to vector<16xi32>
      %parallel_loop3A_704 = arith.shrui %parallel_loop3A_701, %parallel_loop3A_703 : vector<16xi32>
      %parallel_loop3A_705 = arith.constant 3 : i32
      %parallel_loop3A_706 = vector.broadcast %parallel_loop3A_705 : i32 to vector<16xi32>
      %parallel_loop3A_707 = arith.andi %parallel_loop3A_701, %parallel_loop3A_706 : vector<16xi32>
      %parallel_loop3A_708 = arith.constant 64 : i32
      %parallel_loop3A_709 = vector.broadcast %parallel_loop3A_708 : i32 to vector<16xi32>
      %parallel_loop3A_710 = arith.muli %parallel_loop3A_704, %parallel_loop3A_709 : vector<16xi32>
      %parallel_loop3A_711 = vector.broadcast %parallel_loop3A_26 : i32 to vector<16xi32>
      %parallel_loop3A_712 = arith.addi %parallel_loop3A_710, %parallel_loop3A_711 : vector<16xi32>
      %parallel_loop3A_713 = tpu.vector_load_idx %arg8[%parallel_loop3A_712] : memref<12800xf32, #tpu.memory_space<vmem>>[vector<16xi32>], vector<16xf32>,
      %parallel_loop3A_714 = arith.constant 64 : i32
      %parallel_loop3A_715 = vector.broadcast %parallel_loop3A_714 : i32 to vector<16xi32>
      %parallel_loop3A_716 = arith.muli %parallel_loop3A_707, %parallel_loop3A_715 : vector<16xi32>
      %parallel_loop3A_717 = vector.broadcast %parallel_loop3A_26 : i32 to vector<16xi32>
      %parallel_loop3A_718 = arith.addi %parallel_loop3A_716, %parallel_loop3A_717 : vector<16xi32>
      %parallel_loop3A_719 = tpu.vector_load_idx %arg9[%parallel_loop3A_718] : memref<256xf32, #tpu.memory_space<vmem>>[vector<16xi32>], vector<16xf32>,
      %parallel_loop3A_720 = arith.addf %parallel_loop3A_713, %parallel_loop3A_719 : vector<16xf32>
      %parallel_loop3A_721 = arith.constant 800 : i32
      %parallel_loop3A_722 = arith.muli %parallel_loop3A_26, %parallel_loop3A_721 : i32
      %parallel_loop3A_723 = arith.constant 384 : i32
      %parallel_loop3A_724 = arith.addi %parallel_loop3A_722, %parallel_loop3A_723 : i32
      %parallel_loop3A_725 = arith.index_cast %parallel_loop3A_724 : i32 to index
      %parallel_loop3A_726 = tpu.vector_load %arg7[%parallel_loop3A_725] {strides = array<i32>} : memref<51200xf32, #tpu.memory_space<vmem>>, vector<16xf32>,
      tpu.vector_store %arg7[%parallel_loop3A_725], %parallel_loop3A_720 {strides = array<i32>} : memref<51200xf32, #tpu.memory_space<vmem>>, vector<16xf32>,
      %parallel_loop3A_727 = arith.constant 400 : i32
      %parallel_loop3A_728 = vector.broadcast %parallel_loop3A_727 : i32 to vector<16xi32>
      %parallel_loop3A_729 = arith.addi %parallel_loop3A_728, %iota3A : vector<16xi32>
      %parallel_loop3A_730 = arith.constant 2 : i32
      %parallel_loop3A_731 = vector.broadcast %parallel_loop3A_730 : i32 to vector<16xi32>
      %parallel_loop3A_732 = arith.shrui %parallel_loop3A_729, %parallel_loop3A_731 : vector<16xi32>
      %parallel_loop3A_733 = arith.constant 3 : i32
      %parallel_loop3A_734 = vector.broadcast %parallel_loop3A_733 : i32 to vector<16xi32>
      %parallel_loop3A_735 = arith.andi %parallel_loop3A_729, %parallel_loop3A_734 : vector<16xi32>
      %parallel_loop3A_736 = arith.constant 64 : i32
      %parallel_loop3A_737 = vector.broadcast %parallel_loop3A_736 : i32 to vector<16xi32>
      %parallel_loop3A_738 = arith.muli %parallel_loop3A_732, %parallel_loop3A_737 : vector<16xi32>
      %parallel_loop3A_739 = vector.broadcast %parallel_loop3A_26 : i32 to vector<16xi32>
      %parallel_loop3A_740 = arith.addi %parallel_loop3A_738, %parallel_loop3A_739 : vector<16xi32>
      %parallel_loop3A_741 = tpu.vector_load_idx %arg8[%parallel_loop3A_740] : memref<12800xf32, #tpu.memory_space<vmem>>[vector<16xi32>], vector<16xf32>,
      %parallel_loop3A_742 = arith.constant 64 : i32
      %parallel_loop3A_743 = vector.broadcast %parallel_loop3A_742 : i32 to vector<16xi32>
      %parallel_loop3A_744 = arith.muli %parallel_loop3A_735, %parallel_loop3A_743 : vector<16xi32>
      %parallel_loop3A_745 = vector.broadcast %parallel_loop3A_26 : i32 to vector<16xi32>
      %parallel_loop3A_746 = arith.addi %parallel_loop3A_744, %parallel_loop3A_745 : vector<16xi32>
      %parallel_loop3A_747 = tpu.vector_load_idx %arg9[%parallel_loop3A_746] : memref<256xf32, #tpu.memory_space<vmem>>[vector<16xi32>], vector<16xf32>,
      %parallel_loop3A_748 = arith.addf %parallel_loop3A_741, %parallel_loop3A_747 : vector<16xf32>
      %parallel_loop3A_749 = arith.constant 800 : i32
      %parallel_loop3A_750 = arith.muli %parallel_loop3A_26, %parallel_loop3A_749 : i32
      %parallel_loop3A_751 = arith.constant 400 : i32
      %parallel_loop3A_752 = arith.addi %parallel_loop3A_750, %parallel_loop3A_751 : i32
      %parallel_loop3A_753 = arith.index_cast %parallel_loop3A_752 : i32 to index
      %parallel_loop3A_754 = tpu.vector_load %arg7[%parallel_loop3A_753] {strides = array<i32>} : memref<51200xf32, #tpu.memory_space<vmem>>, vector<16xf32>,
      tpu.vector_store %arg7[%parallel_loop3A_753], %parallel_loop3A_748 {strides = array<i32>} : memref<51200xf32, #tpu.memory_space<vmem>>, vector<16xf32>,
      %parallel_loop3A_755 = arith.constant 416 : i32
      %parallel_loop3A_756 = vector.broadcast %parallel_loop3A_755 : i32 to vector<16xi32>
      %parallel_loop3A_757 = arith.addi %parallel_loop3A_756, %iota3A : vector<16xi32>
      %parallel_loop3A_758 = arith.constant 2 : i32
      %parallel_loop3A_759 = vector.broadcast %parallel_loop3A_758 : i32 to vector<16xi32>
      %parallel_loop3A_760 = arith.shrui %parallel_loop3A_757, %parallel_loop3A_759 : vector<16xi32>
      %parallel_loop3A_761 = arith.constant 3 : i32
      %parallel_loop3A_762 = vector.broadcast %parallel_loop3A_761 : i32 to vector<16xi32>
      %parallel_loop3A_763 = arith.andi %parallel_loop3A_757, %parallel_loop3A_762 : vector<16xi32>
      %parallel_loop3A_764 = arith.constant 64 : i32
      %parallel_loop3A_765 = vector.broadcast %parallel_loop3A_764 : i32 to vector<16xi32>
      %parallel_loop3A_766 = arith.muli %parallel_loop3A_760, %parallel_loop3A_765 : vector<16xi32>
      %parallel_loop3A_767 = vector.broadcast %parallel_loop3A_26 : i32 to vector<16xi32>
      %parallel_loop3A_768 = arith.addi %parallel_loop3A_766, %parallel_loop3A_767 : vector<16xi32>
      %parallel_loop3A_769 = tpu.vector_load_idx %arg8[%parallel_loop3A_768] : memref<12800xf32, #tpu.memory_space<vmem>>[vector<16xi32>], vector<16xf32>,
      %parallel_loop3A_770 = arith.constant 64 : i32
      %parallel_loop3A_771 = vector.broadcast %parallel_loop3A_770 : i32 to vector<16xi32>
      %parallel_loop3A_772 = arith.muli %parallel_loop3A_763, %parallel_loop3A_771 : vector<16xi32>
      %parallel_loop3A_773 = vector.broadcast %parallel_loop3A_26 : i32 to vector<16xi32>
      %parallel_loop3A_774 = arith.addi %parallel_loop3A_772, %parallel_loop3A_773 : vector<16xi32>
      %parallel_loop3A_775 = tpu.vector_load_idx %arg9[%parallel_loop3A_774] : memref<256xf32, #tpu.memory_space<vmem>>[vector<16xi32>], vector<16xf32>,
      %parallel_loop3A_776 = arith.addf %parallel_loop3A_769, %parallel_loop3A_775 : vector<16xf32>
      %parallel_loop3A_777 = arith.constant 800 : i32
      %parallel_loop3A_778 = arith.muli %parallel_loop3A_26, %parallel_loop3A_777 : i32
      %parallel_loop3A_779 = arith.constant 416 : i32
      %parallel_loop3A_780 = arith.addi %parallel_loop3A_778, %parallel_loop3A_779 : i32
      %parallel_loop3A_781 = arith.index_cast %parallel_loop3A_780 : i32 to index
      %parallel_loop3A_782 = tpu.vector_load %arg7[%parallel_loop3A_781] {strides = array<i32>} : memref<51200xf32, #tpu.memory_space<vmem>>, vector<16xf32>,
      tpu.vector_store %arg7[%parallel_loop3A_781], %parallel_loop3A_776 {strides = array<i32>} : memref<51200xf32, #tpu.memory_space<vmem>>, vector<16xf32>,
      %parallel_loop3A_783 = arith.constant 432 : i32
      %parallel_loop3A_784 = vector.broadcast %parallel_loop3A_783 : i32 to vector<16xi32>
      %parallel_loop3A_785 = arith.addi %parallel_loop3A_784, %iota3A : vector<16xi32>
      %parallel_loop3A_786 = arith.constant 2 : i32
      %parallel_loop3A_787 = vector.broadcast %parallel_loop3A_786 : i32 to vector<16xi32>
      %parallel_loop3A_788 = arith.shrui %parallel_loop3A_785, %parallel_loop3A_787 : vector<16xi32>
      %parallel_loop3A_789 = arith.constant 3 : i32
      %parallel_loop3A_790 = vector.broadcast %parallel_loop3A_789 : i32 to vector<16xi32>
      %parallel_loop3A_791 = arith.andi %parallel_loop3A_785, %parallel_loop3A_790 : vector<16xi32>
      %parallel_loop3A_792 = arith.constant 64 : i32
      %parallel_loop3A_793 = vector.broadcast %parallel_loop3A_792 : i32 to vector<16xi32>
      %parallel_loop3A_794 = arith.muli %parallel_loop3A_788, %parallel_loop3A_793 : vector<16xi32>
      %parallel_loop3A_795 = vector.broadcast %parallel_loop3A_26 : i32 to vector<16xi32>
      %parallel_loop3A_796 = arith.addi %parallel_loop3A_794, %parallel_loop3A_795 : vector<16xi32>
      %parallel_loop3A_797 = tpu.vector_load_idx %arg8[%parallel_loop3A_796] : memref<12800xf32, #tpu.memory_space<vmem>>[vector<16xi32>], vector<16xf32>,
      %parallel_loop3A_798 = arith.constant 64 : i32
      %parallel_loop3A_799 = vector.broadcast %parallel_loop3A_798 : i32 to vector<16xi32>
      %parallel_loop3A_800 = arith.muli %parallel_loop3A_791, %parallel_loop3A_799 : vector<16xi32>
      %parallel_loop3A_801 = vector.broadcast %parallel_loop3A_26 : i32 to vector<16xi32>
      %parallel_loop3A_802 = arith.addi %parallel_loop3A_800, %parallel_loop3A_801 : vector<16xi32>
      %parallel_loop3A_803 = tpu.vector_load_idx %arg9[%parallel_loop3A_802] : memref<256xf32, #tpu.memory_space<vmem>>[vector<16xi32>], vector<16xf32>,
      %parallel_loop3A_804 = arith.addf %parallel_loop3A_797, %parallel_loop3A_803 : vector<16xf32>
      %parallel_loop3A_805 = arith.constant 800 : i32
      %parallel_loop3A_806 = arith.muli %parallel_loop3A_26, %parallel_loop3A_805 : i32
      %parallel_loop3A_807 = arith.constant 432 : i32
      %parallel_loop3A_808 = arith.addi %parallel_loop3A_806, %parallel_loop3A_807 : i32
      %parallel_loop3A_809 = arith.index_cast %parallel_loop3A_808 : i32 to index
      %parallel_loop3A_810 = tpu.vector_load %arg7[%parallel_loop3A_809] {strides = array<i32>} : memref<51200xf32, #tpu.memory_space<vmem>>, vector<16xf32>,
      tpu.vector_store %arg7[%parallel_loop3A_809], %parallel_loop3A_804 {strides = array<i32>} : memref<51200xf32, #tpu.memory_space<vmem>>, vector<16xf32>,
      %parallel_loop3A_811 = arith.constant 448 : i32
      %parallel_loop3A_812 = vector.broadcast %parallel_loop3A_811 : i32 to vector<16xi32>
      %parallel_loop3A_813 = arith.addi %parallel_loop3A_812, %iota3A : vector<16xi32>
      %parallel_loop3A_814 = arith.constant 2 : i32
      %parallel_loop3A_815 = vector.broadcast %parallel_loop3A_814 : i32 to vector<16xi32>
      %parallel_loop3A_816 = arith.shrui %parallel_loop3A_813, %parallel_loop3A_815 : vector<16xi32>
      %parallel_loop3A_817 = arith.constant 3 : i32
      %parallel_loop3A_818 = vector.broadcast %parallel_loop3A_817 : i32 to vector<16xi32>
      %parallel_loop3A_819 = arith.andi %parallel_loop3A_813, %parallel_loop3A_818 : vector<16xi32>
      %parallel_loop3A_820 = arith.constant 64 : i32
      %parallel_loop3A_821 = vector.broadcast %parallel_loop3A_820 : i32 to vector<16xi32>
      %parallel_loop3A_822 = arith.muli %parallel_loop3A_816, %parallel_loop3A_821 : vector<16xi32>
      %parallel_loop3A_823 = vector.broadcast %parallel_loop3A_26 : i32 to vector<16xi32>
      %parallel_loop3A_824 = arith.addi %parallel_loop3A_822, %parallel_loop3A_823 : vector<16xi32>
      %parallel_loop3A_825 = tpu.vector_load_idx %arg8[%parallel_loop3A_824] : memref<12800xf32, #tpu.memory_space<vmem>>[vector<16xi32>], vector<16xf32>,
      %parallel_loop3A_826 = arith.constant 64 : i32
      %parallel_loop3A_827 = vector.broadcast %parallel_loop3A_826 : i32 to vector<16xi32>
      %parallel_loop3A_828 = arith.muli %parallel_loop3A_819, %parallel_loop3A_827 : vector<16xi32>
      %parallel_loop3A_829 = vector.broadcast %parallel_loop3A_26 : i32 to vector<16xi32>
      %parallel_loop3A_830 = arith.addi %parallel_loop3A_828, %parallel_loop3A_829 : vector<16xi32>
      %parallel_loop3A_831 = tpu.vector_load_idx %arg9[%parallel_loop3A_830] : memref<256xf32, #tpu.memory_space<vmem>>[vector<16xi32>], vector<16xf32>,
      %parallel_loop3A_832 = arith.addf %parallel_loop3A_825, %parallel_loop3A_831 : vector<16xf32>
      %parallel_loop3A_833 = arith.constant 800 : i32
      %parallel_loop3A_834 = arith.muli %parallel_loop3A_26, %parallel_loop3A_833 : i32
      %parallel_loop3A_835 = arith.constant 448 : i32
      %parallel_loop3A_836 = arith.addi %parallel_loop3A_834, %parallel_loop3A_835 : i32
      %parallel_loop3A_837 = arith.index_cast %parallel_loop3A_836 : i32 to index
      %parallel_loop3A_838 = tpu.vector_load %arg7[%parallel_loop3A_837] {strides = array<i32>} : memref<51200xf32, #tpu.memory_space<vmem>>, vector<16xf32>,
      tpu.vector_store %arg7[%parallel_loop3A_837], %parallel_loop3A_832 {strides = array<i32>} : memref<51200xf32, #tpu.memory_space<vmem>>, vector<16xf32>,
      %parallel_loop3A_839 = arith.constant 464 : i32
      %parallel_loop3A_840 = vector.broadcast %parallel_loop3A_839 : i32 to vector<16xi32>
      %parallel_loop3A_841 = arith.addi %parallel_loop3A_840, %iota3A : vector<16xi32>
      %parallel_loop3A_842 = arith.constant 2 : i32
      %parallel_loop3A_843 = vector.broadcast %parallel_loop3A_842 : i32 to vector<16xi32>
      %parallel_loop3A_844 = arith.shrui %parallel_loop3A_841, %parallel_loop3A_843 : vector<16xi32>
      %parallel_loop3A_845 = arith.constant 3 : i32
      %parallel_loop3A_846 = vector.broadcast %parallel_loop3A_845 : i32 to vector<16xi32>
      %parallel_loop3A_847 = arith.andi %parallel_loop3A_841, %parallel_loop3A_846 : vector<16xi32>
      %parallel_loop3A_848 = arith.constant 64 : i32
      %parallel_loop3A_849 = vector.broadcast %parallel_loop3A_848 : i32 to vector<16xi32>
      %parallel_loop3A_850 = arith.muli %parallel_loop3A_844, %parallel_loop3A_849 : vector<16xi32>
      %parallel_loop3A_851 = vector.broadcast %parallel_loop3A_26 : i32 to vector<16xi32>
      %parallel_loop3A_852 = arith.addi %parallel_loop3A_850, %parallel_loop3A_851 : vector<16xi32>
      %parallel_loop3A_853 = tpu.vector_load_idx %arg8[%parallel_loop3A_852] : memref<12800xf32, #tpu.memory_space<vmem>>[vector<16xi32>], vector<16xf32>,
      %parallel_loop3A_854 = arith.constant 64 : i32
      %parallel_loop3A_855 = vector.broadcast %parallel_loop3A_854 : i32 to vector<16xi32>
      %parallel_loop3A_856 = arith.muli %parallel_loop3A_847, %parallel_loop3A_855 : vector<16xi32>
      %parallel_loop3A_857 = vector.broadcast %parallel_loop3A_26 : i32 to vector<16xi32>
      %parallel_loop3A_858 = arith.addi %parallel_loop3A_856, %parallel_loop3A_857 : vector<16xi32>
      %parallel_loop3A_859 = tpu.vector_load_idx %arg9[%parallel_loop3A_858] : memref<256xf32, #tpu.memory_space<vmem>>[vector<16xi32>], vector<16xf32>,
      %parallel_loop3A_860 = arith.addf %parallel_loop3A_853, %parallel_loop3A_859 : vector<16xf32>
      %parallel_loop3A_861 = arith.constant 800 : i32
      %parallel_loop3A_862 = arith.muli %parallel_loop3A_26, %parallel_loop3A_861 : i32
      %parallel_loop3A_863 = arith.constant 464 : i32
      %parallel_loop3A_864 = arith.addi %parallel_loop3A_862, %parallel_loop3A_863 : i32
      %parallel_loop3A_865 = arith.index_cast %parallel_loop3A_864 : i32 to index
      %parallel_loop3A_866 = tpu.vector_load %arg7[%parallel_loop3A_865] {strides = array<i32>} : memref<51200xf32, #tpu.memory_space<vmem>>, vector<16xf32>,
      tpu.vector_store %arg7[%parallel_loop3A_865], %parallel_loop3A_860 {strides = array<i32>} : memref<51200xf32, #tpu.memory_space<vmem>>, vector<16xf32>,
      %parallel_loop3A_867 = arith.constant 480 : i32
      %parallel_loop3A_868 = vector.broadcast %parallel_loop3A_867 : i32 to vector<16xi32>
      %parallel_loop3A_869 = arith.addi %parallel_loop3A_868, %iota3A : vector<16xi32>
      %parallel_loop3A_870 = arith.constant 2 : i32
      %parallel_loop3A_871 = vector.broadcast %parallel_loop3A_870 : i32 to vector<16xi32>
      %parallel_loop3A_872 = arith.shrui %parallel_loop3A_869, %parallel_loop3A_871 : vector<16xi32>
      %parallel_loop3A_873 = arith.constant 3 : i32
      %parallel_loop3A_874 = vector.broadcast %parallel_loop3A_873 : i32 to vector<16xi32>
      %parallel_loop3A_875 = arith.andi %parallel_loop3A_869, %parallel_loop3A_874 : vector<16xi32>
      %parallel_loop3A_876 = arith.constant 64 : i32
      %parallel_loop3A_877 = vector.broadcast %parallel_loop3A_876 : i32 to vector<16xi32>
      %parallel_loop3A_878 = arith.muli %parallel_loop3A_872, %parallel_loop3A_877 : vector<16xi32>
      %parallel_loop3A_879 = vector.broadcast %parallel_loop3A_26 : i32 to vector<16xi32>
      %parallel_loop3A_880 = arith.addi %parallel_loop3A_878, %parallel_loop3A_879 : vector<16xi32>
      %parallel_loop3A_881 = tpu.vector_load_idx %arg8[%parallel_loop3A_880] : memref<12800xf32, #tpu.memory_space<vmem>>[vector<16xi32>], vector<16xf32>,
      %parallel_loop3A_882 = arith.constant 64 : i32
      %parallel_loop3A_883 = vector.broadcast %parallel_loop3A_882 : i32 to vector<16xi32>
      %parallel_loop3A_884 = arith.muli %parallel_loop3A_875, %parallel_loop3A_883 : vector<16xi32>
      %parallel_loop3A_885 = vector.broadcast %parallel_loop3A_26 : i32 to vector<16xi32>
      %parallel_loop3A_886 = arith.addi %parallel_loop3A_884, %parallel_loop3A_885 : vector<16xi32>
      %parallel_loop3A_887 = tpu.vector_load_idx %arg9[%parallel_loop3A_886] : memref<256xf32, #tpu.memory_space<vmem>>[vector<16xi32>], vector<16xf32>,
      %parallel_loop3A_888 = arith.addf %parallel_loop3A_881, %parallel_loop3A_887 : vector<16xf32>
      %parallel_loop3A_889 = arith.constant 800 : i32
      %parallel_loop3A_890 = arith.muli %parallel_loop3A_26, %parallel_loop3A_889 : i32
      %parallel_loop3A_891 = arith.constant 480 : i32
      %parallel_loop3A_892 = arith.addi %parallel_loop3A_890, %parallel_loop3A_891 : i32
      %parallel_loop3A_893 = arith.index_cast %parallel_loop3A_892 : i32 to index
      %parallel_loop3A_894 = tpu.vector_load %arg7[%parallel_loop3A_893] {strides = array<i32>} : memref<51200xf32, #tpu.memory_space<vmem>>, vector<16xf32>,
      tpu.vector_store %arg7[%parallel_loop3A_893], %parallel_loop3A_888 {strides = array<i32>} : memref<51200xf32, #tpu.memory_space<vmem>>, vector<16xf32>,
      %parallel_loop3A_895 = arith.constant 496 : i32
      %parallel_loop3A_896 = vector.broadcast %parallel_loop3A_895 : i32 to vector<16xi32>
      %parallel_loop3A_897 = arith.addi %parallel_loop3A_896, %iota3A : vector<16xi32>
      %parallel_loop3A_898 = arith.constant 2 : i32
      %parallel_loop3A_899 = vector.broadcast %parallel_loop3A_898 : i32 to vector<16xi32>
      %parallel_loop3A_900 = arith.shrui %parallel_loop3A_897, %parallel_loop3A_899 : vector<16xi32>
      %parallel_loop3A_901 = arith.constant 3 : i32
      %parallel_loop3A_902 = vector.broadcast %parallel_loop3A_901 : i32 to vector<16xi32>
      %parallel_loop3A_903 = arith.andi %parallel_loop3A_897, %parallel_loop3A_902 : vector<16xi32>
      %parallel_loop3A_904 = arith.constant 64 : i32
      %parallel_loop3A_905 = vector.broadcast %parallel_loop3A_904 : i32 to vector<16xi32>
      %parallel_loop3A_906 = arith.muli %parallel_loop3A_900, %parallel_loop3A_905 : vector<16xi32>
      %parallel_loop3A_907 = vector.broadcast %parallel_loop3A_26 : i32 to vector<16xi32>
      %parallel_loop3A_908 = arith.addi %parallel_loop3A_906, %parallel_loop3A_907 : vector<16xi32>
      %parallel_loop3A_909 = tpu.vector_load_idx %arg8[%parallel_loop3A_908] : memref<12800xf32, #tpu.memory_space<vmem>>[vector<16xi32>], vector<16xf32>,
      %parallel_loop3A_910 = arith.constant 64 : i32
      %parallel_loop3A_911 = vector.broadcast %parallel_loop3A_910 : i32 to vector<16xi32>
      %parallel_loop3A_912 = arith.muli %parallel_loop3A_903, %parallel_loop3A_911 : vector<16xi32>
      %parallel_loop3A_913 = vector.broadcast %parallel_loop3A_26 : i32 to vector<16xi32>
      %parallel_loop3A_914 = arith.addi %parallel_loop3A_912, %parallel_loop3A_913 : vector<16xi32>
      %parallel_loop3A_915 = tpu.vector_load_idx %arg9[%parallel_loop3A_914] : memref<256xf32, #tpu.memory_space<vmem>>[vector<16xi32>], vector<16xf32>,
      %parallel_loop3A_916 = arith.addf %parallel_loop3A_909, %parallel_loop3A_915 : vector<16xf32>
      %parallel_loop3A_917 = arith.constant 800 : i32
      %parallel_loop3A_918 = arith.muli %parallel_loop3A_26, %parallel_loop3A_917 : i32
      %parallel_loop3A_919 = arith.constant 496 : i32
      %parallel_loop3A_920 = arith.addi %parallel_loop3A_918, %parallel_loop3A_919 : i32
      %parallel_loop3A_921 = arith.index_cast %parallel_loop3A_920 : i32 to index
      %parallel_loop3A_922 = tpu.vector_load %arg7[%parallel_loop3A_921] {strides = array<i32>} : memref<51200xf32, #tpu.memory_space<vmem>>, vector<16xf32>,
      tpu.vector_store %arg7[%parallel_loop3A_921], %parallel_loop3A_916 {strides = array<i32>} : memref<51200xf32, #tpu.memory_space<vmem>>, vector<16xf32>,
      %parallel_loop3A_923 = arith.constant 512 : i32
      %parallel_loop3A_924 = vector.broadcast %parallel_loop3A_923 : i32 to vector<16xi32>
      %parallel_loop3A_925 = arith.addi %parallel_loop3A_924, %iota3A : vector<16xi32>
      %parallel_loop3A_926 = arith.constant 2 : i32
      %parallel_loop3A_927 = vector.broadcast %parallel_loop3A_926 : i32 to vector<16xi32>
      %parallel_loop3A_928 = arith.shrui %parallel_loop3A_925, %parallel_loop3A_927 : vector<16xi32>
      %parallel_loop3A_929 = arith.constant 3 : i32
      %parallel_loop3A_930 = vector.broadcast %parallel_loop3A_929 : i32 to vector<16xi32>
      %parallel_loop3A_931 = arith.andi %parallel_loop3A_925, %parallel_loop3A_930 : vector<16xi32>
      %parallel_loop3A_932 = arith.constant 64 : i32
      %parallel_loop3A_933 = vector.broadcast %parallel_loop3A_932 : i32 to vector<16xi32>
      %parallel_loop3A_934 = arith.muli %parallel_loop3A_928, %parallel_loop3A_933 : vector<16xi32>
      %parallel_loop3A_935 = vector.broadcast %parallel_loop3A_26 : i32 to vector<16xi32>
      %parallel_loop3A_936 = arith.addi %parallel_loop3A_934, %parallel_loop3A_935 : vector<16xi32>
      %parallel_loop3A_937 = tpu.vector_load_idx %arg8[%parallel_loop3A_936] : memref<12800xf32, #tpu.memory_space<vmem>>[vector<16xi32>], vector<16xf32>,
      %parallel_loop3A_938 = arith.constant 64 : i32
      %parallel_loop3A_939 = vector.broadcast %parallel_loop3A_938 : i32 to vector<16xi32>
      %parallel_loop3A_940 = arith.muli %parallel_loop3A_931, %parallel_loop3A_939 : vector<16xi32>
      %parallel_loop3A_941 = vector.broadcast %parallel_loop3A_26 : i32 to vector<16xi32>
      %parallel_loop3A_942 = arith.addi %parallel_loop3A_940, %parallel_loop3A_941 : vector<16xi32>
      %parallel_loop3A_943 = tpu.vector_load_idx %arg9[%parallel_loop3A_942] : memref<256xf32, #tpu.memory_space<vmem>>[vector<16xi32>], vector<16xf32>,
      %parallel_loop3A_944 = arith.addf %parallel_loop3A_937, %parallel_loop3A_943 : vector<16xf32>
      %parallel_loop3A_945 = arith.constant 800 : i32
      %parallel_loop3A_946 = arith.muli %parallel_loop3A_26, %parallel_loop3A_945 : i32
      %parallel_loop3A_947 = arith.constant 512 : i32
      %parallel_loop3A_948 = arith.addi %parallel_loop3A_946, %parallel_loop3A_947 : i32
      %parallel_loop3A_949 = arith.index_cast %parallel_loop3A_948 : i32 to index
      %parallel_loop3A_950 = tpu.vector_load %arg7[%parallel_loop3A_949] {strides = array<i32>} : memref<51200xf32, #tpu.memory_space<vmem>>, vector<16xf32>,
      tpu.vector_store %arg7[%parallel_loop3A_949], %parallel_loop3A_944 {strides = array<i32>} : memref<51200xf32, #tpu.memory_space<vmem>>, vector<16xf32>,
      %parallel_loop3A_951 = arith.constant 528 : i32
      %parallel_loop3A_952 = vector.broadcast %parallel_loop3A_951 : i32 to vector<16xi32>
      %parallel_loop3A_953 = arith.addi %parallel_loop3A_952, %iota3A : vector<16xi32>
      %parallel_loop3A_954 = arith.constant 2 : i32
      %parallel_loop3A_955 = vector.broadcast %parallel_loop3A_954 : i32 to vector<16xi32>
      %parallel_loop3A_956 = arith.shrui %parallel_loop3A_953, %parallel_loop3A_955 : vector<16xi32>
      %parallel_loop3A_957 = arith.constant 3 : i32
      %parallel_loop3A_958 = vector.broadcast %parallel_loop3A_957 : i32 to vector<16xi32>
      %parallel_loop3A_959 = arith.andi %parallel_loop3A_953, %parallel_loop3A_958 : vector<16xi32>
      %parallel_loop3A_960 = arith.constant 64 : i32
      %parallel_loop3A_961 = vector.broadcast %parallel_loop3A_960 : i32 to vector<16xi32>
      %parallel_loop3A_962 = arith.muli %parallel_loop3A_956, %parallel_loop3A_961 : vector<16xi32>
      %parallel_loop3A_963 = vector.broadcast %parallel_loop3A_26 : i32 to vector<16xi32>
      %parallel_loop3A_964 = arith.addi %parallel_loop3A_962, %parallel_loop3A_963 : vector<16xi32>
      %parallel_loop3A_965 = tpu.vector_load_idx %arg8[%parallel_loop3A_964] : memref<12800xf32, #tpu.memory_space<vmem>>[vector<16xi32>], vector<16xf32>,
      %parallel_loop3A_966 = arith.constant 64 : i32
      %parallel_loop3A_967 = vector.broadcast %parallel_loop3A_966 : i32 to vector<16xi32>
      %parallel_loop3A_968 = arith.muli %parallel_loop3A_959, %parallel_loop3A_967 : vector<16xi32>
      %parallel_loop3A_969 = vector.broadcast %parallel_loop3A_26 : i32 to vector<16xi32>
      %parallel_loop3A_970 = arith.addi %parallel_loop3A_968, %parallel_loop3A_969 : vector<16xi32>
      %parallel_loop3A_971 = tpu.vector_load_idx %arg9[%parallel_loop3A_970] : memref<256xf32, #tpu.memory_space<vmem>>[vector<16xi32>], vector<16xf32>,
      %parallel_loop3A_972 = arith.addf %parallel_loop3A_965, %parallel_loop3A_971 : vector<16xf32>
      %parallel_loop3A_973 = arith.constant 800 : i32
      %parallel_loop3A_974 = arith.muli %parallel_loop3A_26, %parallel_loop3A_973 : i32
      %parallel_loop3A_975 = arith.constant 528 : i32
      %parallel_loop3A_976 = arith.addi %parallel_loop3A_974, %parallel_loop3A_975 : i32
      %parallel_loop3A_977 = arith.index_cast %parallel_loop3A_976 : i32 to index
      %parallel_loop3A_978 = tpu.vector_load %arg7[%parallel_loop3A_977] {strides = array<i32>} : memref<51200xf32, #tpu.memory_space<vmem>>, vector<16xf32>,
      tpu.vector_store %arg7[%parallel_loop3A_977], %parallel_loop3A_972 {strides = array<i32>} : memref<51200xf32, #tpu.memory_space<vmem>>, vector<16xf32>,
      %parallel_loop3A_979 = arith.constant 544 : i32
      %parallel_loop3A_980 = vector.broadcast %parallel_loop3A_979 : i32 to vector<16xi32>
      %parallel_loop3A_981 = arith.addi %parallel_loop3A_980, %iota3A : vector<16xi32>
      %parallel_loop3A_982 = arith.constant 2 : i32
      %parallel_loop3A_983 = vector.broadcast %parallel_loop3A_982 : i32 to vector<16xi32>
      %parallel_loop3A_984 = arith.shrui %parallel_loop3A_981, %parallel_loop3A_983 : vector<16xi32>
      %parallel_loop3A_985 = arith.constant 3 : i32
      %parallel_loop3A_986 = vector.broadcast %parallel_loop3A_985 : i32 to vector<16xi32>
      %parallel_loop3A_987 = arith.andi %parallel_loop3A_981, %parallel_loop3A_986 : vector<16xi32>
      %parallel_loop3A_988 = arith.constant 64 : i32
      %parallel_loop3A_989 = vector.broadcast %parallel_loop3A_988 : i32 to vector<16xi32>
      %parallel_loop3A_990 = arith.muli %parallel_loop3A_984, %parallel_loop3A_989 : vector<16xi32>
      %parallel_loop3A_991 = vector.broadcast %parallel_loop3A_26 : i32 to vector<16xi32>
      %parallel_loop3A_992 = arith.addi %parallel_loop3A_990, %parallel_loop3A_991 : vector<16xi32>
      %parallel_loop3A_993 = tpu.vector_load_idx %arg8[%parallel_loop3A_992] : memref<12800xf32, #tpu.memory_space<vmem>>[vector<16xi32>], vector<16xf32>,
      %parallel_loop3A_994 = arith.constant 64 : i32
      %parallel_loop3A_995 = vector.broadcast %parallel_loop3A_994 : i32 to vector<16xi32>
      %parallel_loop3A_996 = arith.muli %parallel_loop3A_987, %parallel_loop3A_995 : vector<16xi32>
      %parallel_loop3A_997 = vector.broadcast %parallel_loop3A_26 : i32 to vector<16xi32>
      %parallel_loop3A_998 = arith.addi %parallel_loop3A_996, %parallel_loop3A_997 : vector<16xi32>
      %parallel_loop3A_999 = tpu.vector_load_idx %arg9[%parallel_loop3A_998] : memref<256xf32, #tpu.memory_space<vmem>>[vector<16xi32>], vector<16xf32>,
      %parallel_loop3A_1000 = arith.addf %parallel_loop3A_993, %parallel_loop3A_999 : vector<16xf32>
      %parallel_loop3A_1001 = arith.constant 800 : i32
      %parallel_loop3A_1002 = arith.muli %parallel_loop3A_26, %parallel_loop3A_1001 : i32
      %parallel_loop3A_1003 = arith.constant 544 : i32
      %parallel_loop3A_1004 = arith.addi %parallel_loop3A_1002, %parallel_loop3A_1003 : i32
      %parallel_loop3A_1005 = arith.index_cast %parallel_loop3A_1004 : i32 to index
      %parallel_loop3A_1006 = tpu.vector_load %arg7[%parallel_loop3A_1005] {strides = array<i32>} : memref<51200xf32, #tpu.memory_space<vmem>>, vector<16xf32>,
      tpu.vector_store %arg7[%parallel_loop3A_1005], %parallel_loop3A_1000 {strides = array<i32>} : memref<51200xf32, #tpu.memory_space<vmem>>, vector<16xf32>,
      %parallel_loop3A_1007 = arith.constant 560 : i32
      %parallel_loop3A_1008 = vector.broadcast %parallel_loop3A_1007 : i32 to vector<16xi32>
      %parallel_loop3A_1009 = arith.addi %parallel_loop3A_1008, %iota3A : vector<16xi32>
      %parallel_loop3A_1010 = arith.constant 2 : i32
      %parallel_loop3A_1011 = vector.broadcast %parallel_loop3A_1010 : i32 to vector<16xi32>
      %parallel_loop3A_1012 = arith.shrui %parallel_loop3A_1009, %parallel_loop3A_1011 : vector<16xi32>
      %parallel_loop3A_1013 = arith.constant 3 : i32
      %parallel_loop3A_1014 = vector.broadcast %parallel_loop3A_1013 : i32 to vector<16xi32>
      %parallel_loop3A_1015 = arith.andi %parallel_loop3A_1009, %parallel_loop3A_1014 : vector<16xi32>
      %parallel_loop3A_1016 = arith.constant 64 : i32
      %parallel_loop3A_1017 = vector.broadcast %parallel_loop3A_1016 : i32 to vector<16xi32>
      %parallel_loop3A_1018 = arith.muli %parallel_loop3A_1012, %parallel_loop3A_1017 : vector<16xi32>
      %parallel_loop3A_1019 = vector.broadcast %parallel_loop3A_26 : i32 to vector<16xi32>
      %parallel_loop3A_1020 = arith.addi %parallel_loop3A_1018, %parallel_loop3A_1019 : vector<16xi32>
      %parallel_loop3A_1021 = tpu.vector_load_idx %arg8[%parallel_loop3A_1020] : memref<12800xf32, #tpu.memory_space<vmem>>[vector<16xi32>], vector<16xf32>,
      %parallel_loop3A_1022 = arith.constant 64 : i32
      %parallel_loop3A_1023 = vector.broadcast %parallel_loop3A_1022 : i32 to vector<16xi32>
      %parallel_loop3A_1024 = arith.muli %parallel_loop3A_1015, %parallel_loop3A_1023 : vector<16xi32>
      %parallel_loop3A_1025 = vector.broadcast %parallel_loop3A_26 : i32 to vector<16xi32>
      %parallel_loop3A_1026 = arith.addi %parallel_loop3A_1024, %parallel_loop3A_1025 : vector<16xi32>
      %parallel_loop3A_1027 = tpu.vector_load_idx %arg9[%parallel_loop3A_1026] : memref<256xf32, #tpu.memory_space<vmem>>[vector<16xi32>], vector<16xf32>,
      %parallel_loop3A_1028 = arith.addf %parallel_loop3A_1021, %parallel_loop3A_1027 : vector<16xf32>
      %parallel_loop3A_1029 = arith.constant 800 : i32
      %parallel_loop3A_1030 = arith.muli %parallel_loop3A_26, %parallel_loop3A_1029 : i32
      %parallel_loop3A_1031 = arith.constant 560 : i32
      %parallel_loop3A_1032 = arith.addi %parallel_loop3A_1030, %parallel_loop3A_1031 : i32
      %parallel_loop3A_1033 = arith.index_cast %parallel_loop3A_1032 : i32 to index
      %parallel_loop3A_1034 = tpu.vector_load %arg7[%parallel_loop3A_1033] {strides = array<i32>} : memref<51200xf32, #tpu.memory_space<vmem>>, vector<16xf32>,
      tpu.vector_store %arg7[%parallel_loop3A_1033], %parallel_loop3A_1028 {strides = array<i32>} : memref<51200xf32, #tpu.memory_space<vmem>>, vector<16xf32>,
      %parallel_loop3A_1035 = arith.constant 576 : i32
      %parallel_loop3A_1036 = vector.broadcast %parallel_loop3A_1035 : i32 to vector<16xi32>
      %parallel_loop3A_1037 = arith.addi %parallel_loop3A_1036, %iota3A : vector<16xi32>
      %parallel_loop3A_1038 = arith.constant 2 : i32
      %parallel_loop3A_1039 = vector.broadcast %parallel_loop3A_1038 : i32 to vector<16xi32>
      %parallel_loop3A_1040 = arith.shrui %parallel_loop3A_1037, %parallel_loop3A_1039 : vector<16xi32>
      %parallel_loop3A_1041 = arith.constant 3 : i32
      %parallel_loop3A_1042 = vector.broadcast %parallel_loop3A_1041 : i32 to vector<16xi32>
      %parallel_loop3A_1043 = arith.andi %parallel_loop3A_1037, %parallel_loop3A_1042 : vector<16xi32>
      %parallel_loop3A_1044 = arith.constant 64 : i32
      %parallel_loop3A_1045 = vector.broadcast %parallel_loop3A_1044 : i32 to vector<16xi32>
      %parallel_loop3A_1046 = arith.muli %parallel_loop3A_1040, %parallel_loop3A_1045 : vector<16xi32>
      %parallel_loop3A_1047 = vector.broadcast %parallel_loop3A_26 : i32 to vector<16xi32>
      %parallel_loop3A_1048 = arith.addi %parallel_loop3A_1046, %parallel_loop3A_1047 : vector<16xi32>
      %parallel_loop3A_1049 = tpu.vector_load_idx %arg8[%parallel_loop3A_1048] : memref<12800xf32, #tpu.memory_space<vmem>>[vector<16xi32>], vector<16xf32>,
      %parallel_loop3A_1050 = arith.constant 64 : i32
      %parallel_loop3A_1051 = vector.broadcast %parallel_loop3A_1050 : i32 to vector<16xi32>
      %parallel_loop3A_1052 = arith.muli %parallel_loop3A_1043, %parallel_loop3A_1051 : vector<16xi32>
      %parallel_loop3A_1053 = vector.broadcast %parallel_loop3A_26 : i32 to vector<16xi32>
      %parallel_loop3A_1054 = arith.addi %parallel_loop3A_1052, %parallel_loop3A_1053 : vector<16xi32>
      %parallel_loop3A_1055 = tpu.vector_load_idx %arg9[%parallel_loop3A_1054] : memref<256xf32, #tpu.memory_space<vmem>>[vector<16xi32>], vector<16xf32>,
      %parallel_loop3A_1056 = arith.addf %parallel_loop3A_1049, %parallel_loop3A_1055 : vector<16xf32>
      %parallel_loop3A_1057 = arith.constant 800 : i32
      %parallel_loop3A_1058 = arith.muli %parallel_loop3A_26, %parallel_loop3A_1057 : i32
      %parallel_loop3A_1059 = arith.constant 576 : i32
      %parallel_loop3A_1060 = arith.addi %parallel_loop3A_1058, %parallel_loop3A_1059 : i32
      %parallel_loop3A_1061 = arith.index_cast %parallel_loop3A_1060 : i32 to index
      %parallel_loop3A_1062 = tpu.vector_load %arg7[%parallel_loop3A_1061] {strides = array<i32>} : memref<51200xf32, #tpu.memory_space<vmem>>, vector<16xf32>,
      tpu.vector_store %arg7[%parallel_loop3A_1061], %parallel_loop3A_1056 {strides = array<i32>} : memref<51200xf32, #tpu.memory_space<vmem>>, vector<16xf32>,
      %parallel_loop3A_1063 = arith.constant 592 : i32
      %parallel_loop3A_1064 = vector.broadcast %parallel_loop3A_1063 : i32 to vector<16xi32>
      %parallel_loop3A_1065 = arith.addi %parallel_loop3A_1064, %iota3A : vector<16xi32>
      %parallel_loop3A_1066 = arith.constant 2 : i32
      %parallel_loop3A_1067 = vector.broadcast %parallel_loop3A_1066 : i32 to vector<16xi32>
      %parallel_loop3A_1068 = arith.shrui %parallel_loop3A_1065, %parallel_loop3A_1067 : vector<16xi32>
      %parallel_loop3A_1069 = arith.constant 3 : i32
      %parallel_loop3A_1070 = vector.broadcast %parallel_loop3A_1069 : i32 to vector<16xi32>
      %parallel_loop3A_1071 = arith.andi %parallel_loop3A_1065, %parallel_loop3A_1070 : vector<16xi32>
      %parallel_loop3A_1072 = arith.constant 64 : i32
      %parallel_loop3A_1073 = vector.broadcast %parallel_loop3A_1072 : i32 to vector<16xi32>
      %parallel_loop3A_1074 = arith.muli %parallel_loop3A_1068, %parallel_loop3A_1073 : vector<16xi32>
      %parallel_loop3A_1075 = vector.broadcast %parallel_loop3A_26 : i32 to vector<16xi32>
      %parallel_loop3A_1076 = arith.addi %parallel_loop3A_1074, %parallel_loop3A_1075 : vector<16xi32>
      %parallel_loop3A_1077 = tpu.vector_load_idx %arg8[%parallel_loop3A_1076] : memref<12800xf32, #tpu.memory_space<vmem>>[vector<16xi32>], vector<16xf32>,
      %parallel_loop3A_1078 = arith.constant 64 : i32
      %parallel_loop3A_1079 = vector.broadcast %parallel_loop3A_1078 : i32 to vector<16xi32>
      %parallel_loop3A_1080 = arith.muli %parallel_loop3A_1071, %parallel_loop3A_1079 : vector<16xi32>
      %parallel_loop3A_1081 = vector.broadcast %parallel_loop3A_26 : i32 to vector<16xi32>
      %parallel_loop3A_1082 = arith.addi %parallel_loop3A_1080, %parallel_loop3A_1081 : vector<16xi32>
      %parallel_loop3A_1083 = tpu.vector_load_idx %arg9[%parallel_loop3A_1082] : memref<256xf32, #tpu.memory_space<vmem>>[vector<16xi32>], vector<16xf32>,
      %parallel_loop3A_1084 = arith.addf %parallel_loop3A_1077, %parallel_loop3A_1083 : vector<16xf32>
      %parallel_loop3A_1085 = arith.constant 800 : i32
      %parallel_loop3A_1086 = arith.muli %parallel_loop3A_26, %parallel_loop3A_1085 : i32
      %parallel_loop3A_1087 = arith.constant 592 : i32
      %parallel_loop3A_1088 = arith.addi %parallel_loop3A_1086, %parallel_loop3A_1087 : i32
      %parallel_loop3A_1089 = arith.index_cast %parallel_loop3A_1088 : i32 to index
      %parallel_loop3A_1090 = tpu.vector_load %arg7[%parallel_loop3A_1089] {strides = array<i32>} : memref<51200xf32, #tpu.memory_space<vmem>>, vector<16xf32>,
      tpu.vector_store %arg7[%parallel_loop3A_1089], %parallel_loop3A_1084 {strides = array<i32>} : memref<51200xf32, #tpu.memory_space<vmem>>, vector<16xf32>,
      %parallel_loop3A_1091 = arith.constant 608 : i32
      %parallel_loop3A_1092 = vector.broadcast %parallel_loop3A_1091 : i32 to vector<16xi32>
      %parallel_loop3A_1093 = arith.addi %parallel_loop3A_1092, %iota3A : vector<16xi32>
      %parallel_loop3A_1094 = arith.constant 2 : i32
      %parallel_loop3A_1095 = vector.broadcast %parallel_loop3A_1094 : i32 to vector<16xi32>
      %parallel_loop3A_1096 = arith.shrui %parallel_loop3A_1093, %parallel_loop3A_1095 : vector<16xi32>
      %parallel_loop3A_1097 = arith.constant 3 : i32
      %parallel_loop3A_1098 = vector.broadcast %parallel_loop3A_1097 : i32 to vector<16xi32>
      %parallel_loop3A_1099 = arith.andi %parallel_loop3A_1093, %parallel_loop3A_1098 : vector<16xi32>
      %parallel_loop3A_1100 = arith.constant 64 : i32
      %parallel_loop3A_1101 = vector.broadcast %parallel_loop3A_1100 : i32 to vector<16xi32>
      %parallel_loop3A_1102 = arith.muli %parallel_loop3A_1096, %parallel_loop3A_1101 : vector<16xi32>
      %parallel_loop3A_1103 = vector.broadcast %parallel_loop3A_26 : i32 to vector<16xi32>
      %parallel_loop3A_1104 = arith.addi %parallel_loop3A_1102, %parallel_loop3A_1103 : vector<16xi32>
      %parallel_loop3A_1105 = tpu.vector_load_idx %arg8[%parallel_loop3A_1104] : memref<12800xf32, #tpu.memory_space<vmem>>[vector<16xi32>], vector<16xf32>,
      %parallel_loop3A_1106 = arith.constant 64 : i32
      %parallel_loop3A_1107 = vector.broadcast %parallel_loop3A_1106 : i32 to vector<16xi32>
      %parallel_loop3A_1108 = arith.muli %parallel_loop3A_1099, %parallel_loop3A_1107 : vector<16xi32>
      %parallel_loop3A_1109 = vector.broadcast %parallel_loop3A_26 : i32 to vector<16xi32>
      %parallel_loop3A_1110 = arith.addi %parallel_loop3A_1108, %parallel_loop3A_1109 : vector<16xi32>
      %parallel_loop3A_1111 = tpu.vector_load_idx %arg9[%parallel_loop3A_1110] : memref<256xf32, #tpu.memory_space<vmem>>[vector<16xi32>], vector<16xf32>,
      %parallel_loop3A_1112 = arith.addf %parallel_loop3A_1105, %parallel_loop3A_1111 : vector<16xf32>
      %parallel_loop3A_1113 = arith.constant 800 : i32
      %parallel_loop3A_1114 = arith.muli %parallel_loop3A_26, %parallel_loop3A_1113 : i32
      %parallel_loop3A_1115 = arith.constant 608 : i32
      %parallel_loop3A_1116 = arith.addi %parallel_loop3A_1114, %parallel_loop3A_1115 : i32
      %parallel_loop3A_1117 = arith.index_cast %parallel_loop3A_1116 : i32 to index
      %parallel_loop3A_1118 = tpu.vector_load %arg7[%parallel_loop3A_1117] {strides = array<i32>} : memref<51200xf32, #tpu.memory_space<vmem>>, vector<16xf32>,
      tpu.vector_store %arg7[%parallel_loop3A_1117], %parallel_loop3A_1112 {strides = array<i32>} : memref<51200xf32, #tpu.memory_space<vmem>>, vector<16xf32>,
      %parallel_loop3A_1119 = arith.constant 624 : i32
      %parallel_loop3A_1120 = vector.broadcast %parallel_loop3A_1119 : i32 to vector<16xi32>
      %parallel_loop3A_1121 = arith.addi %parallel_loop3A_1120, %iota3A : vector<16xi32>
      %parallel_loop3A_1122 = arith.constant 2 : i32
      %parallel_loop3A_1123 = vector.broadcast %parallel_loop3A_1122 : i32 to vector<16xi32>
      %parallel_loop3A_1124 = arith.shrui %parallel_loop3A_1121, %parallel_loop3A_1123 : vector<16xi32>
      %parallel_loop3A_1125 = arith.constant 3 : i32
      %parallel_loop3A_1126 = vector.broadcast %parallel_loop3A_1125 : i32 to vector<16xi32>
      %parallel_loop3A_1127 = arith.andi %parallel_loop3A_1121, %parallel_loop3A_1126 : vector<16xi32>
      %parallel_loop3A_1128 = arith.constant 64 : i32
      %parallel_loop3A_1129 = vector.broadcast %parallel_loop3A_1128 : i32 to vector<16xi32>
      %parallel_loop3A_1130 = arith.muli %parallel_loop3A_1124, %parallel_loop3A_1129 : vector<16xi32>
      %parallel_loop3A_1131 = vector.broadcast %parallel_loop3A_26 : i32 to vector<16xi32>
      %parallel_loop3A_1132 = arith.addi %parallel_loop3A_1130, %parallel_loop3A_1131 : vector<16xi32>
      %parallel_loop3A_1133 = tpu.vector_load_idx %arg8[%parallel_loop3A_1132] : memref<12800xf32, #tpu.memory_space<vmem>>[vector<16xi32>], vector<16xf32>,
      %parallel_loop3A_1134 = arith.constant 64 : i32
      %parallel_loop3A_1135 = vector.broadcast %parallel_loop3A_1134 : i32 to vector<16xi32>
      %parallel_loop3A_1136 = arith.muli %parallel_loop3A_1127, %parallel_loop3A_1135 : vector<16xi32>
      %parallel_loop3A_1137 = vector.broadcast %parallel_loop3A_26 : i32 to vector<16xi32>
      %parallel_loop3A_1138 = arith.addi %parallel_loop3A_1136, %parallel_loop3A_1137 : vector<16xi32>
      %parallel_loop3A_1139 = tpu.vector_load_idx %arg9[%parallel_loop3A_1138] : memref<256xf32, #tpu.memory_space<vmem>>[vector<16xi32>], vector<16xf32>,
      %parallel_loop3A_1140 = arith.addf %parallel_loop3A_1133, %parallel_loop3A_1139 : vector<16xf32>
      %parallel_loop3A_1141 = arith.constant 800 : i32
      %parallel_loop3A_1142 = arith.muli %parallel_loop3A_26, %parallel_loop3A_1141 : i32
      %parallel_loop3A_1143 = arith.constant 624 : i32
      %parallel_loop3A_1144 = arith.addi %parallel_loop3A_1142, %parallel_loop3A_1143 : i32
      %parallel_loop3A_1145 = arith.index_cast %parallel_loop3A_1144 : i32 to index
      %parallel_loop3A_1146 = tpu.vector_load %arg7[%parallel_loop3A_1145] {strides = array<i32>} : memref<51200xf32, #tpu.memory_space<vmem>>, vector<16xf32>,
      tpu.vector_store %arg7[%parallel_loop3A_1145], %parallel_loop3A_1140 {strides = array<i32>} : memref<51200xf32, #tpu.memory_space<vmem>>, vector<16xf32>,
      %parallel_loop3A_1147 = arith.constant 640 : i32
      %parallel_loop3A_1148 = vector.broadcast %parallel_loop3A_1147 : i32 to vector<16xi32>
      %parallel_loop3A_1149 = arith.addi %parallel_loop3A_1148, %iota3A : vector<16xi32>
      %parallel_loop3A_1150 = arith.constant 2 : i32
      %parallel_loop3A_1151 = vector.broadcast %parallel_loop3A_1150 : i32 to vector<16xi32>
      %parallel_loop3A_1152 = arith.shrui %parallel_loop3A_1149, %parallel_loop3A_1151 : vector<16xi32>
      %parallel_loop3A_1153 = arith.constant 3 : i32
      %parallel_loop3A_1154 = vector.broadcast %parallel_loop3A_1153 : i32 to vector<16xi32>
      %parallel_loop3A_1155 = arith.andi %parallel_loop3A_1149, %parallel_loop3A_1154 : vector<16xi32>
      %parallel_loop3A_1156 = arith.constant 64 : i32
      %parallel_loop3A_1157 = vector.broadcast %parallel_loop3A_1156 : i32 to vector<16xi32>
      %parallel_loop3A_1158 = arith.muli %parallel_loop3A_1152, %parallel_loop3A_1157 : vector<16xi32>
      %parallel_loop3A_1159 = vector.broadcast %parallel_loop3A_26 : i32 to vector<16xi32>
      %parallel_loop3A_1160 = arith.addi %parallel_loop3A_1158, %parallel_loop3A_1159 : vector<16xi32>
      %parallel_loop3A_1161 = tpu.vector_load_idx %arg8[%parallel_loop3A_1160] : memref<12800xf32, #tpu.memory_space<vmem>>[vector<16xi32>], vector<16xf32>,
      %parallel_loop3A_1162 = arith.constant 64 : i32
      %parallel_loop3A_1163 = vector.broadcast %parallel_loop3A_1162 : i32 to vector<16xi32>
      %parallel_loop3A_1164 = arith.muli %parallel_loop3A_1155, %parallel_loop3A_1163 : vector<16xi32>
      %parallel_loop3A_1165 = vector.broadcast %parallel_loop3A_26 : i32 to vector<16xi32>
      %parallel_loop3A_1166 = arith.addi %parallel_loop3A_1164, %parallel_loop3A_1165 : vector<16xi32>
      %parallel_loop3A_1167 = tpu.vector_load_idx %arg9[%parallel_loop3A_1166] : memref<256xf32, #tpu.memory_space<vmem>>[vector<16xi32>], vector<16xf32>,
      %parallel_loop3A_1168 = arith.addf %parallel_loop3A_1161, %parallel_loop3A_1167 : vector<16xf32>
      %parallel_loop3A_1169 = arith.constant 800 : i32
      %parallel_loop3A_1170 = arith.muli %parallel_loop3A_26, %parallel_loop3A_1169 : i32
      %parallel_loop3A_1171 = arith.constant 640 : i32
      %parallel_loop3A_1172 = arith.addi %parallel_loop3A_1170, %parallel_loop3A_1171 : i32
      %parallel_loop3A_1173 = arith.index_cast %parallel_loop3A_1172 : i32 to index
      %parallel_loop3A_1174 = tpu.vector_load %arg7[%parallel_loop3A_1173] {strides = array<i32>} : memref<51200xf32, #tpu.memory_space<vmem>>, vector<16xf32>,
      tpu.vector_store %arg7[%parallel_loop3A_1173], %parallel_loop3A_1168 {strides = array<i32>} : memref<51200xf32, #tpu.memory_space<vmem>>, vector<16xf32>,
      %parallel_loop3A_1175 = arith.constant 656 : i32
      %parallel_loop3A_1176 = vector.broadcast %parallel_loop3A_1175 : i32 to vector<16xi32>
      %parallel_loop3A_1177 = arith.addi %parallel_loop3A_1176, %iota3A : vector<16xi32>
      %parallel_loop3A_1178 = arith.constant 2 : i32
      %parallel_loop3A_1179 = vector.broadcast %parallel_loop3A_1178 : i32 to vector<16xi32>
      %parallel_loop3A_1180 = arith.shrui %parallel_loop3A_1177, %parallel_loop3A_1179 : vector<16xi32>
      %parallel_loop3A_1181 = arith.constant 3 : i32
      %parallel_loop3A_1182 = vector.broadcast %parallel_loop3A_1181 : i32 to vector<16xi32>
      %parallel_loop3A_1183 = arith.andi %parallel_loop3A_1177, %parallel_loop3A_1182 : vector<16xi32>
      %parallel_loop3A_1184 = arith.constant 64 : i32
      %parallel_loop3A_1185 = vector.broadcast %parallel_loop3A_1184 : i32 to vector<16xi32>
      %parallel_loop3A_1186 = arith.muli %parallel_loop3A_1180, %parallel_loop3A_1185 : vector<16xi32>
      %parallel_loop3A_1187 = vector.broadcast %parallel_loop3A_26 : i32 to vector<16xi32>
      %parallel_loop3A_1188 = arith.addi %parallel_loop3A_1186, %parallel_loop3A_1187 : vector<16xi32>
      %parallel_loop3A_1189 = tpu.vector_load_idx %arg8[%parallel_loop3A_1188] : memref<12800xf32, #tpu.memory_space<vmem>>[vector<16xi32>], vector<16xf32>,
      %parallel_loop3A_1190 = arith.constant 64 : i32
      %parallel_loop3A_1191 = vector.broadcast %parallel_loop3A_1190 : i32 to vector<16xi32>
      %parallel_loop3A_1192 = arith.muli %parallel_loop3A_1183, %parallel_loop3A_1191 : vector<16xi32>
      %parallel_loop3A_1193 = vector.broadcast %parallel_loop3A_26 : i32 to vector<16xi32>
      %parallel_loop3A_1194 = arith.addi %parallel_loop3A_1192, %parallel_loop3A_1193 : vector<16xi32>
      %parallel_loop3A_1195 = tpu.vector_load_idx %arg9[%parallel_loop3A_1194] : memref<256xf32, #tpu.memory_space<vmem>>[vector<16xi32>], vector<16xf32>,
      %parallel_loop3A_1196 = arith.addf %parallel_loop3A_1189, %parallel_loop3A_1195 : vector<16xf32>
      %parallel_loop3A_1197 = arith.constant 800 : i32
      %parallel_loop3A_1198 = arith.muli %parallel_loop3A_26, %parallel_loop3A_1197 : i32
      %parallel_loop3A_1199 = arith.constant 656 : i32
      %parallel_loop3A_1200 = arith.addi %parallel_loop3A_1198, %parallel_loop3A_1199 : i32
      %parallel_loop3A_1201 = arith.index_cast %parallel_loop3A_1200 : i32 to index
      %parallel_loop3A_1202 = tpu.vector_load %arg7[%parallel_loop3A_1201] {strides = array<i32>} : memref<51200xf32, #tpu.memory_space<vmem>>, vector<16xf32>,
      tpu.vector_store %arg7[%parallel_loop3A_1201], %parallel_loop3A_1196 {strides = array<i32>} : memref<51200xf32, #tpu.memory_space<vmem>>, vector<16xf32>,
      %parallel_loop3A_1203 = arith.constant 672 : i32
      %parallel_loop3A_1204 = vector.broadcast %parallel_loop3A_1203 : i32 to vector<16xi32>
      %parallel_loop3A_1205 = arith.addi %parallel_loop3A_1204, %iota3A : vector<16xi32>
      %parallel_loop3A_1206 = arith.constant 2 : i32
      %parallel_loop3A_1207 = vector.broadcast %parallel_loop3A_1206 : i32 to vector<16xi32>
      %parallel_loop3A_1208 = arith.shrui %parallel_loop3A_1205, %parallel_loop3A_1207 : vector<16xi32>
      %parallel_loop3A_1209 = arith.constant 3 : i32
      %parallel_loop3A_1210 = vector.broadcast %parallel_loop3A_1209 : i32 to vector<16xi32>
      %parallel_loop3A_1211 = arith.andi %parallel_loop3A_1205, %parallel_loop3A_1210 : vector<16xi32>
      %parallel_loop3A_1212 = arith.constant 64 : i32
      %parallel_loop3A_1213 = vector.broadcast %parallel_loop3A_1212 : i32 to vector<16xi32>
      %parallel_loop3A_1214 = arith.muli %parallel_loop3A_1208, %parallel_loop3A_1213 : vector<16xi32>
      %parallel_loop3A_1215 = vector.broadcast %parallel_loop3A_26 : i32 to vector<16xi32>
      %parallel_loop3A_1216 = arith.addi %parallel_loop3A_1214, %parallel_loop3A_1215 : vector<16xi32>
      %parallel_loop3A_1217 = tpu.vector_load_idx %arg8[%parallel_loop3A_1216] : memref<12800xf32, #tpu.memory_space<vmem>>[vector<16xi32>], vector<16xf32>,
      %parallel_loop3A_1218 = arith.constant 64 : i32
      %parallel_loop3A_1219 = vector.broadcast %parallel_loop3A_1218 : i32 to vector<16xi32>
      %parallel_loop3A_1220 = arith.muli %parallel_loop3A_1211, %parallel_loop3A_1219 : vector<16xi32>
      %parallel_loop3A_1221 = vector.broadcast %parallel_loop3A_26 : i32 to vector<16xi32>
      %parallel_loop3A_1222 = arith.addi %parallel_loop3A_1220, %parallel_loop3A_1221 : vector<16xi32>
      %parallel_loop3A_1223 = tpu.vector_load_idx %arg9[%parallel_loop3A_1222] : memref<256xf32, #tpu.memory_space<vmem>>[vector<16xi32>], vector<16xf32>,
      %parallel_loop3A_1224 = arith.addf %parallel_loop3A_1217, %parallel_loop3A_1223 : vector<16xf32>
      %parallel_loop3A_1225 = arith.constant 800 : i32
      %parallel_loop3A_1226 = arith.muli %parallel_loop3A_26, %parallel_loop3A_1225 : i32
      %parallel_loop3A_1227 = arith.constant 672 : i32
      %parallel_loop3A_1228 = arith.addi %parallel_loop3A_1226, %parallel_loop3A_1227 : i32
      %parallel_loop3A_1229 = arith.index_cast %parallel_loop3A_1228 : i32 to index
      %parallel_loop3A_1230 = tpu.vector_load %arg7[%parallel_loop3A_1229] {strides = array<i32>} : memref<51200xf32, #tpu.memory_space<vmem>>, vector<16xf32>,
      tpu.vector_store %arg7[%parallel_loop3A_1229], %parallel_loop3A_1224 {strides = array<i32>} : memref<51200xf32, #tpu.memory_space<vmem>>, vector<16xf32>,
      %parallel_loop3A_1231 = arith.constant 688 : i32
      %parallel_loop3A_1232 = vector.broadcast %parallel_loop3A_1231 : i32 to vector<16xi32>
      %parallel_loop3A_1233 = arith.addi %parallel_loop3A_1232, %iota3A : vector<16xi32>
      %parallel_loop3A_1234 = arith.constant 2 : i32
      %parallel_loop3A_1235 = vector.broadcast %parallel_loop3A_1234 : i32 to vector<16xi32>
      %parallel_loop3A_1236 = arith.shrui %parallel_loop3A_1233, %parallel_loop3A_1235 : vector<16xi32>
      %parallel_loop3A_1237 = arith.constant 3 : i32
      %parallel_loop3A_1238 = vector.broadcast %parallel_loop3A_1237 : i32 to vector<16xi32>
      %parallel_loop3A_1239 = arith.andi %parallel_loop3A_1233, %parallel_loop3A_1238 : vector<16xi32>
      %parallel_loop3A_1240 = arith.constant 64 : i32
      %parallel_loop3A_1241 = vector.broadcast %parallel_loop3A_1240 : i32 to vector<16xi32>
      %parallel_loop3A_1242 = arith.muli %parallel_loop3A_1236, %parallel_loop3A_1241 : vector<16xi32>
      %parallel_loop3A_1243 = vector.broadcast %parallel_loop3A_26 : i32 to vector<16xi32>
      %parallel_loop3A_1244 = arith.addi %parallel_loop3A_1242, %parallel_loop3A_1243 : vector<16xi32>
      %parallel_loop3A_1245 = tpu.vector_load_idx %arg8[%parallel_loop3A_1244] : memref<12800xf32, #tpu.memory_space<vmem>>[vector<16xi32>], vector<16xf32>,
      %parallel_loop3A_1246 = arith.constant 64 : i32
      %parallel_loop3A_1247 = vector.broadcast %parallel_loop3A_1246 : i32 to vector<16xi32>
      %parallel_loop3A_1248 = arith.muli %parallel_loop3A_1239, %parallel_loop3A_1247 : vector<16xi32>
      %parallel_loop3A_1249 = vector.broadcast %parallel_loop3A_26 : i32 to vector<16xi32>
      %parallel_loop3A_1250 = arith.addi %parallel_loop3A_1248, %parallel_loop3A_1249 : vector<16xi32>
      %parallel_loop3A_1251 = tpu.vector_load_idx %arg9[%parallel_loop3A_1250] : memref<256xf32, #tpu.memory_space<vmem>>[vector<16xi32>], vector<16xf32>,
      %parallel_loop3A_1252 = arith.addf %parallel_loop3A_1245, %parallel_loop3A_1251 : vector<16xf32>
      %parallel_loop3A_1253 = arith.constant 800 : i32
      %parallel_loop3A_1254 = arith.muli %parallel_loop3A_26, %parallel_loop3A_1253 : i32
      %parallel_loop3A_1255 = arith.constant 688 : i32
      %parallel_loop3A_1256 = arith.addi %parallel_loop3A_1254, %parallel_loop3A_1255 : i32
      %parallel_loop3A_1257 = arith.index_cast %parallel_loop3A_1256 : i32 to index
      %parallel_loop3A_1258 = tpu.vector_load %arg7[%parallel_loop3A_1257] {strides = array<i32>} : memref<51200xf32, #tpu.memory_space<vmem>>, vector<16xf32>,
      tpu.vector_store %arg7[%parallel_loop3A_1257], %parallel_loop3A_1252 {strides = array<i32>} : memref<51200xf32, #tpu.memory_space<vmem>>, vector<16xf32>,
      %parallel_loop3A_1259 = arith.constant 704 : i32
      %parallel_loop3A_1260 = vector.broadcast %parallel_loop3A_1259 : i32 to vector<16xi32>
      %parallel_loop3A_1261 = arith.addi %parallel_loop3A_1260, %iota3A : vector<16xi32>
      %parallel_loop3A_1262 = arith.constant 2 : i32
      %parallel_loop3A_1263 = vector.broadcast %parallel_loop3A_1262 : i32 to vector<16xi32>
      %parallel_loop3A_1264 = arith.shrui %parallel_loop3A_1261, %parallel_loop3A_1263 : vector<16xi32>
      %parallel_loop3A_1265 = arith.constant 3 : i32
      %parallel_loop3A_1266 = vector.broadcast %parallel_loop3A_1265 : i32 to vector<16xi32>
      %parallel_loop3A_1267 = arith.andi %parallel_loop3A_1261, %parallel_loop3A_1266 : vector<16xi32>
      %parallel_loop3A_1268 = arith.constant 64 : i32
      %parallel_loop3A_1269 = vector.broadcast %parallel_loop3A_1268 : i32 to vector<16xi32>
      %parallel_loop3A_1270 = arith.muli %parallel_loop3A_1264, %parallel_loop3A_1269 : vector<16xi32>
      %parallel_loop3A_1271 = vector.broadcast %parallel_loop3A_26 : i32 to vector<16xi32>
      %parallel_loop3A_1272 = arith.addi %parallel_loop3A_1270, %parallel_loop3A_1271 : vector<16xi32>
      %parallel_loop3A_1273 = tpu.vector_load_idx %arg8[%parallel_loop3A_1272] : memref<12800xf32, #tpu.memory_space<vmem>>[vector<16xi32>], vector<16xf32>,
      %parallel_loop3A_1274 = arith.constant 64 : i32
      %parallel_loop3A_1275 = vector.broadcast %parallel_loop3A_1274 : i32 to vector<16xi32>
      %parallel_loop3A_1276 = arith.muli %parallel_loop3A_1267, %parallel_loop3A_1275 : vector<16xi32>
      %parallel_loop3A_1277 = vector.broadcast %parallel_loop3A_26 : i32 to vector<16xi32>
      %parallel_loop3A_1278 = arith.addi %parallel_loop3A_1276, %parallel_loop3A_1277 : vector<16xi32>
      %parallel_loop3A_1279 = tpu.vector_load_idx %arg9[%parallel_loop3A_1278] : memref<256xf32, #tpu.memory_space<vmem>>[vector<16xi32>], vector<16xf32>,
      %parallel_loop3A_1280 = arith.addf %parallel_loop3A_1273, %parallel_loop3A_1279 : vector<16xf32>
      %parallel_loop3A_1281 = arith.constant 800 : i32
      %parallel_loop3A_1282 = arith.muli %parallel_loop3A_26, %parallel_loop3A_1281 : i32
      %parallel_loop3A_1283 = arith.constant 704 : i32
      %parallel_loop3A_1284 = arith.addi %parallel_loop3A_1282, %parallel_loop3A_1283 : i32
      %parallel_loop3A_1285 = arith.index_cast %parallel_loop3A_1284 : i32 to index
      %parallel_loop3A_1286 = tpu.vector_load %arg7[%parallel_loop3A_1285] {strides = array<i32>} : memref<51200xf32, #tpu.memory_space<vmem>>, vector<16xf32>,
      tpu.vector_store %arg7[%parallel_loop3A_1285], %parallel_loop3A_1280 {strides = array<i32>} : memref<51200xf32, #tpu.memory_space<vmem>>, vector<16xf32>,
      %parallel_loop3A_1287 = arith.constant 720 : i32
      %parallel_loop3A_1288 = vector.broadcast %parallel_loop3A_1287 : i32 to vector<16xi32>
      %parallel_loop3A_1289 = arith.addi %parallel_loop3A_1288, %iota3A : vector<16xi32>
      %parallel_loop3A_1290 = arith.constant 2 : i32
      %parallel_loop3A_1291 = vector.broadcast %parallel_loop3A_1290 : i32 to vector<16xi32>
      %parallel_loop3A_1292 = arith.shrui %parallel_loop3A_1289, %parallel_loop3A_1291 : vector<16xi32>
      %parallel_loop3A_1293 = arith.constant 3 : i32
      %parallel_loop3A_1294 = vector.broadcast %parallel_loop3A_1293 : i32 to vector<16xi32>
      %parallel_loop3A_1295 = arith.andi %parallel_loop3A_1289, %parallel_loop3A_1294 : vector<16xi32>
      %parallel_loop3A_1296 = arith.constant 64 : i32
      %parallel_loop3A_1297 = vector.broadcast %parallel_loop3A_1296 : i32 to vector<16xi32>
      %parallel_loop3A_1298 = arith.muli %parallel_loop3A_1292, %parallel_loop3A_1297 : vector<16xi32>
      %parallel_loop3A_1299 = vector.broadcast %parallel_loop3A_26 : i32 to vector<16xi32>
      %parallel_loop3A_1300 = arith.addi %parallel_loop3A_1298, %parallel_loop3A_1299 : vector<16xi32>
      %parallel_loop3A_1301 = tpu.vector_load_idx %arg8[%parallel_loop3A_1300] : memref<12800xf32, #tpu.memory_space<vmem>>[vector<16xi32>], vector<16xf32>,
      %parallel_loop3A_1302 = arith.constant 64 : i32
      %parallel_loop3A_1303 = vector.broadcast %parallel_loop3A_1302 : i32 to vector<16xi32>
      %parallel_loop3A_1304 = arith.muli %parallel_loop3A_1295, %parallel_loop3A_1303 : vector<16xi32>
      %parallel_loop3A_1305 = vector.broadcast %parallel_loop3A_26 : i32 to vector<16xi32>
      %parallel_loop3A_1306 = arith.addi %parallel_loop3A_1304, %parallel_loop3A_1305 : vector<16xi32>
      %parallel_loop3A_1307 = tpu.vector_load_idx %arg9[%parallel_loop3A_1306] : memref<256xf32, #tpu.memory_space<vmem>>[vector<16xi32>], vector<16xf32>,
      %parallel_loop3A_1308 = arith.addf %parallel_loop3A_1301, %parallel_loop3A_1307 : vector<16xf32>
      %parallel_loop3A_1309 = arith.constant 800 : i32
      %parallel_loop3A_1310 = arith.muli %parallel_loop3A_26, %parallel_loop3A_1309 : i32
      %parallel_loop3A_1311 = arith.constant 720 : i32
      %parallel_loop3A_1312 = arith.addi %parallel_loop3A_1310, %parallel_loop3A_1311 : i32
      %parallel_loop3A_1313 = arith.index_cast %parallel_loop3A_1312 : i32 to index
      %parallel_loop3A_1314 = tpu.vector_load %arg7[%parallel_loop3A_1313] {strides = array<i32>} : memref<51200xf32, #tpu.memory_space<vmem>>, vector<16xf32>,
      tpu.vector_store %arg7[%parallel_loop3A_1313], %parallel_loop3A_1308 {strides = array<i32>} : memref<51200xf32, #tpu.memory_space<vmem>>, vector<16xf32>,
      %parallel_loop3A_1315 = arith.constant 736 : i32
      %parallel_loop3A_1316 = vector.broadcast %parallel_loop3A_1315 : i32 to vector<16xi32>
      %parallel_loop3A_1317 = arith.addi %parallel_loop3A_1316, %iota3A : vector<16xi32>
      %parallel_loop3A_1318 = arith.constant 2 : i32
      %parallel_loop3A_1319 = vector.broadcast %parallel_loop3A_1318 : i32 to vector<16xi32>
      %parallel_loop3A_1320 = arith.shrui %parallel_loop3A_1317, %parallel_loop3A_1319 : vector<16xi32>
      %parallel_loop3A_1321 = arith.constant 3 : i32
      %parallel_loop3A_1322 = vector.broadcast %parallel_loop3A_1321 : i32 to vector<16xi32>
      %parallel_loop3A_1323 = arith.andi %parallel_loop3A_1317, %parallel_loop3A_1322 : vector<16xi32>
      %parallel_loop3A_1324 = arith.constant 64 : i32
      %parallel_loop3A_1325 = vector.broadcast %parallel_loop3A_1324 : i32 to vector<16xi32>
      %parallel_loop3A_1326 = arith.muli %parallel_loop3A_1320, %parallel_loop3A_1325 : vector<16xi32>
      %parallel_loop3A_1327 = vector.broadcast %parallel_loop3A_26 : i32 to vector<16xi32>
      %parallel_loop3A_1328 = arith.addi %parallel_loop3A_1326, %parallel_loop3A_1327 : vector<16xi32>
      %parallel_loop3A_1329 = tpu.vector_load_idx %arg8[%parallel_loop3A_1328] : memref<12800xf32, #tpu.memory_space<vmem>>[vector<16xi32>], vector<16xf32>,
      %parallel_loop3A_1330 = arith.constant 64 : i32
      %parallel_loop3A_1331 = vector.broadcast %parallel_loop3A_1330 : i32 to vector<16xi32>
      %parallel_loop3A_1332 = arith.muli %parallel_loop3A_1323, %parallel_loop3A_1331 : vector<16xi32>
      %parallel_loop3A_1333 = vector.broadcast %parallel_loop3A_26 : i32 to vector<16xi32>
      %parallel_loop3A_1334 = arith.addi %parallel_loop3A_1332, %parallel_loop3A_1333 : vector<16xi32>
      %parallel_loop3A_1335 = tpu.vector_load_idx %arg9[%parallel_loop3A_1334] : memref<256xf32, #tpu.memory_space<vmem>>[vector<16xi32>], vector<16xf32>,
      %parallel_loop3A_1336 = arith.addf %parallel_loop3A_1329, %parallel_loop3A_1335 : vector<16xf32>
      %parallel_loop3A_1337 = arith.constant 800 : i32
      %parallel_loop3A_1338 = arith.muli %parallel_loop3A_26, %parallel_loop3A_1337 : i32
      %parallel_loop3A_1339 = arith.constant 736 : i32
      %parallel_loop3A_1340 = arith.addi %parallel_loop3A_1338, %parallel_loop3A_1339 : i32
      %parallel_loop3A_1341 = arith.index_cast %parallel_loop3A_1340 : i32 to index
      %parallel_loop3A_1342 = tpu.vector_load %arg7[%parallel_loop3A_1341] {strides = array<i32>} : memref<51200xf32, #tpu.memory_space<vmem>>, vector<16xf32>,
      tpu.vector_store %arg7[%parallel_loop3A_1341], %parallel_loop3A_1336 {strides = array<i32>} : memref<51200xf32, #tpu.memory_space<vmem>>, vector<16xf32>,
      %parallel_loop3A_1343 = arith.constant 752 : i32
      %parallel_loop3A_1344 = vector.broadcast %parallel_loop3A_1343 : i32 to vector<16xi32>
      %parallel_loop3A_1345 = arith.addi %parallel_loop3A_1344, %iota3A : vector<16xi32>
      %parallel_loop3A_1346 = arith.constant 2 : i32
      %parallel_loop3A_1347 = vector.broadcast %parallel_loop3A_1346 : i32 to vector<16xi32>
      %parallel_loop3A_1348 = arith.shrui %parallel_loop3A_1345, %parallel_loop3A_1347 : vector<16xi32>
      %parallel_loop3A_1349 = arith.constant 3 : i32
      %parallel_loop3A_1350 = vector.broadcast %parallel_loop3A_1349 : i32 to vector<16xi32>
      %parallel_loop3A_1351 = arith.andi %parallel_loop3A_1345, %parallel_loop3A_1350 : vector<16xi32>
      %parallel_loop3A_1352 = arith.constant 64 : i32
      %parallel_loop3A_1353 = vector.broadcast %parallel_loop3A_1352 : i32 to vector<16xi32>
      %parallel_loop3A_1354 = arith.muli %parallel_loop3A_1348, %parallel_loop3A_1353 : vector<16xi32>
      %parallel_loop3A_1355 = vector.broadcast %parallel_loop3A_26 : i32 to vector<16xi32>
      %parallel_loop3A_1356 = arith.addi %parallel_loop3A_1354, %parallel_loop3A_1355 : vector<16xi32>
      %parallel_loop3A_1357 = tpu.vector_load_idx %arg8[%parallel_loop3A_1356] : memref<12800xf32, #tpu.memory_space<vmem>>[vector<16xi32>], vector<16xf32>,
      %parallel_loop3A_1358 = arith.constant 64 : i32
      %parallel_loop3A_1359 = vector.broadcast %parallel_loop3A_1358 : i32 to vector<16xi32>
      %parallel_loop3A_1360 = arith.muli %parallel_loop3A_1351, %parallel_loop3A_1359 : vector<16xi32>
      %parallel_loop3A_1361 = vector.broadcast %parallel_loop3A_26 : i32 to vector<16xi32>
      %parallel_loop3A_1362 = arith.addi %parallel_loop3A_1360, %parallel_loop3A_1361 : vector<16xi32>
      %parallel_loop3A_1363 = tpu.vector_load_idx %arg9[%parallel_loop3A_1362] : memref<256xf32, #tpu.memory_space<vmem>>[vector<16xi32>], vector<16xf32>,
      %parallel_loop3A_1364 = arith.addf %parallel_loop3A_1357, %parallel_loop3A_1363 : vector<16xf32>
      %parallel_loop3A_1365 = arith.constant 800 : i32
      %parallel_loop3A_1366 = arith.muli %parallel_loop3A_26, %parallel_loop3A_1365 : i32
      %parallel_loop3A_1367 = arith.constant 752 : i32
      %parallel_loop3A_1368 = arith.addi %parallel_loop3A_1366, %parallel_loop3A_1367 : i32
      %parallel_loop3A_1369 = arith.index_cast %parallel_loop3A_1368 : i32 to index
      %parallel_loop3A_1370 = tpu.vector_load %arg7[%parallel_loop3A_1369] {strides = array<i32>} : memref<51200xf32, #tpu.memory_space<vmem>>, vector<16xf32>,
      tpu.vector_store %arg7[%parallel_loop3A_1369], %parallel_loop3A_1364 {strides = array<i32>} : memref<51200xf32, #tpu.memory_space<vmem>>, vector<16xf32>,
      %parallel_loop3A_1371 = arith.constant 768 : i32
      %parallel_loop3A_1372 = vector.broadcast %parallel_loop3A_1371 : i32 to vector<16xi32>
      %parallel_loop3A_1373 = arith.addi %parallel_loop3A_1372, %iota3A : vector<16xi32>
      %parallel_loop3A_1374 = arith.constant 2 : i32
      %parallel_loop3A_1375 = vector.broadcast %parallel_loop3A_1374 : i32 to vector<16xi32>
      %parallel_loop3A_1376 = arith.shrui %parallel_loop3A_1373, %parallel_loop3A_1375 : vector<16xi32>
      %parallel_loop3A_1377 = arith.constant 3 : i32
      %parallel_loop3A_1378 = vector.broadcast %parallel_loop3A_1377 : i32 to vector<16xi32>
      %parallel_loop3A_1379 = arith.andi %parallel_loop3A_1373, %parallel_loop3A_1378 : vector<16xi32>
      %parallel_loop3A_1380 = arith.constant 64 : i32
      %parallel_loop3A_1381 = vector.broadcast %parallel_loop3A_1380 : i32 to vector<16xi32>
      %parallel_loop3A_1382 = arith.muli %parallel_loop3A_1376, %parallel_loop3A_1381 : vector<16xi32>
      %parallel_loop3A_1383 = vector.broadcast %parallel_loop3A_26 : i32 to vector<16xi32>
      %parallel_loop3A_1384 = arith.addi %parallel_loop3A_1382, %parallel_loop3A_1383 : vector<16xi32>
      %parallel_loop3A_1385 = tpu.vector_load_idx %arg8[%parallel_loop3A_1384] : memref<12800xf32, #tpu.memory_space<vmem>>[vector<16xi32>], vector<16xf32>,
      %parallel_loop3A_1386 = arith.constant 64 : i32
      %parallel_loop3A_1387 = vector.broadcast %parallel_loop3A_1386 : i32 to vector<16xi32>
      %parallel_loop3A_1388 = arith.muli %parallel_loop3A_1379, %parallel_loop3A_1387 : vector<16xi32>
      %parallel_loop3A_1389 = vector.broadcast %parallel_loop3A_26 : i32 to vector<16xi32>
      %parallel_loop3A_1390 = arith.addi %parallel_loop3A_1388, %parallel_loop3A_1389 : vector<16xi32>
      %parallel_loop3A_1391 = tpu.vector_load_idx %arg9[%parallel_loop3A_1390] : memref<256xf32, #tpu.memory_space<vmem>>[vector<16xi32>], vector<16xf32>,
      %parallel_loop3A_1392 = arith.addf %parallel_loop3A_1385, %parallel_loop3A_1391 : vector<16xf32>
      %parallel_loop3A_1393 = arith.constant 800 : i32
      %parallel_loop3A_1394 = arith.muli %parallel_loop3A_26, %parallel_loop3A_1393 : i32
      %parallel_loop3A_1395 = arith.constant 768 : i32
      %parallel_loop3A_1396 = arith.addi %parallel_loop3A_1394, %parallel_loop3A_1395 : i32
      %parallel_loop3A_1397 = arith.index_cast %parallel_loop3A_1396 : i32 to index
      %parallel_loop3A_1398 = tpu.vector_load %arg7[%parallel_loop3A_1397] {strides = array<i32>} : memref<51200xf32, #tpu.memory_space<vmem>>, vector<16xf32>,
      tpu.vector_store %arg7[%parallel_loop3A_1397], %parallel_loop3A_1392 {strides = array<i32>} : memref<51200xf32, #tpu.memory_space<vmem>>, vector<16xf32>,
      %parallel_loop3A_1399 = arith.constant 784 : i32
      %parallel_loop3A_1400 = vector.broadcast %parallel_loop3A_1399 : i32 to vector<16xi32>
      %parallel_loop3A_1401 = arith.addi %parallel_loop3A_1400, %iota3A : vector<16xi32>
      %parallel_loop3A_1402 = arith.constant 2 : i32
      %parallel_loop3A_1403 = vector.broadcast %parallel_loop3A_1402 : i32 to vector<16xi32>
      %parallel_loop3A_1404 = arith.shrui %parallel_loop3A_1401, %parallel_loop3A_1403 : vector<16xi32>
      %parallel_loop3A_1405 = arith.constant 3 : i32
      %parallel_loop3A_1406 = vector.broadcast %parallel_loop3A_1405 : i32 to vector<16xi32>
      %parallel_loop3A_1407 = arith.andi %parallel_loop3A_1401, %parallel_loop3A_1406 : vector<16xi32>
      %parallel_loop3A_1408 = arith.constant 64 : i32
      %parallel_loop3A_1409 = vector.broadcast %parallel_loop3A_1408 : i32 to vector<16xi32>
      %parallel_loop3A_1410 = arith.muli %parallel_loop3A_1404, %parallel_loop3A_1409 : vector<16xi32>
      %parallel_loop3A_1411 = vector.broadcast %parallel_loop3A_26 : i32 to vector<16xi32>
      %parallel_loop3A_1412 = arith.addi %parallel_loop3A_1410, %parallel_loop3A_1411 : vector<16xi32>
      %parallel_loop3A_1413 = tpu.vector_load_idx %arg8[%parallel_loop3A_1412] : memref<12800xf32, #tpu.memory_space<vmem>>[vector<16xi32>], vector<16xf32>,
      %parallel_loop3A_1414 = arith.constant 64 : i32
      %parallel_loop3A_1415 = vector.broadcast %parallel_loop3A_1414 : i32 to vector<16xi32>
      %parallel_loop3A_1416 = arith.muli %parallel_loop3A_1407, %parallel_loop3A_1415 : vector<16xi32>
      %parallel_loop3A_1417 = vector.broadcast %parallel_loop3A_26 : i32 to vector<16xi32>
      %parallel_loop3A_1418 = arith.addi %parallel_loop3A_1416, %parallel_loop3A_1417 : vector<16xi32>
      %parallel_loop3A_1419 = tpu.vector_load_idx %arg9[%parallel_loop3A_1418] : memref<256xf32, #tpu.memory_space<vmem>>[vector<16xi32>], vector<16xf32>,
      %parallel_loop3A_1420 = arith.addf %parallel_loop3A_1413, %parallel_loop3A_1419 : vector<16xf32>
      %parallel_loop3A_1421 = arith.constant 800 : i32
      %parallel_loop3A_1422 = arith.muli %parallel_loop3A_26, %parallel_loop3A_1421 : i32
      %parallel_loop3A_1423 = arith.constant 784 : i32
      %parallel_loop3A_1424 = arith.addi %parallel_loop3A_1422, %parallel_loop3A_1423 : i32
      %parallel_loop3A_1425 = arith.index_cast %parallel_loop3A_1424 : i32 to index
      %parallel_loop3A_1426 = tpu.vector_load %arg7[%parallel_loop3A_1425] {strides = array<i32>} : memref<51200xf32, #tpu.memory_space<vmem>>, vector<16xf32>,
      tpu.vector_store %arg7[%parallel_loop3A_1425], %parallel_loop3A_1420 {strides = array<i32>} : memref<51200xf32, #tpu.memory_space<vmem>>, vector<16xf32>,
    } {sc.loop_unroll_factor = 4 : i64, sc.parallel_access}
    %mul3A_7 = arith.constant 200 : i32
    %mul3A_8 = vector.broadcast %mul3A_7 : i32 to vector<16xi32>
    %mul3A_9 = arith.muli %iota3A, %mul3A_8 : vector<16xi32>
    %scan3A = arith.constant 0 : i32
    %scan3A_10 = arith.constant 0 : i32
    %scan3A_11 = arith.constant 100 : i32
    %scan3A_12 = arith.addi %scan3A_10, %scan3A_11 : i32
    %scan3A_13 = arith.constant 1 : i32
    scf.for %scan3A_26 = %scan3A_10 to %scan3A_12 step %scan3A_13  : i32 {
      %mul3A_27 = arith.constant 2 : i32
      %mul3A_28 = arith.muli %mul3A_27, %scan3A_26 : i32
      %gt3A = arith.constant 0 : i32
      %gt3A_29 = arith.cmpi sgt, %scan3A_26, %gt3A : i32
      %convert_element_type3A = arith.extui %gt3A_29 : i1 to i32
      %cond3A = arith.constant 0 : i32
      %cond3A_30 = arith.cmpi ne, %convert_element_type3A, %cond3A : i32
      scf.if %cond3A_30 {
        %dma_wait3A_198 = arith.constant 0 : i32
        %dma_wait3A_199 = arith.constant 0 : i32
        %dma_wait3A_200 = tpu.memref_slice %arg5[%dma_wait3A_198, %dma_wait3A_199, %mul3A_2] : memref<200x64x4096xf32, #tpu.memory_space<hbm>> -> memref<1x64x128xf32, #tpu.memory_space<hbm>>
        %dma_wait3A_201 = arith.constant 0 : i32
        %dma_wait3A_202 = arith.constant 0 : i32
        %dma_wait3A_203 = tpu.memref_slice %arg5[%dma_wait3A_201, %dma_wait3A_202, %mul3A_2] : memref<200x64x4096xf32, #tpu.memory_space<hbm>> -> memref<1x64x128xf32, #tpu.memory_space<hbm>>
        tpu.wait_dma2 semaphore(%arg12 : memref<!tpu.dma_semaphore, #tpu.memory_space<semaphore_mem>>) src(%arg10 : memref<1x64x128xf32, #tpu.memory_space<vmem>>) dst(%dma_wait3A_203 : memref<1x64x128xf32, #tpu.memory_space<hbm>>)
      } else {
      }
      %mul3A_31 = arith.constant 4 : i32
      %mul3A_32 = arith.muli %mul3A_28, %mul3A_31 : i32
      %add3A_33 = arith.constant 0 : i32
      %add3A_34 = arith.addi %add3A_33, %mul3A_28 : i32
      %add3A_35 = vector.broadcast %add3A_34 : i32 to vector<16xi32>
      %add3A_36 = arith.addi %mul3A_9, %add3A_35 : vector<16xi32>
      %gather3A = tpu.vector_load_idx %arg6[%add3A_36] : memref<25600xi32, #tpu.memory_space<vmem>>[vector<16xi32>], vector<16xi32>,
      %add3A_37 = vector.broadcast %mul3A_32 : i32 to vector<16xi32>
      %add3A_38 = arith.addi %add3A_37, %gather3A : vector<16xi32>
      %mul3A_39 = arith.constant 4 : i32
      %mul3A_40 = arith.muli %mul3A_28, %mul3A_39 : i32
      %add3A_41 = arith.constant 3200 : i32
      %add3A_42 = arith.addi %add3A_41, %mul3A_28 : i32
      %add3A_43 = vector.broadcast %add3A_42 : i32 to vector<16xi32>
      %add3A_44 = arith.addi %mul3A_9, %add3A_43 : vector<16xi32>
      %gather3A_45 = tpu.vector_load_idx %arg6[%add3A_44] : memref<25600xi32, #tpu.memory_space<vmem>>[vector<16xi32>], vector<16xi32>,
      %add3A_46 = vector.broadcast %mul3A_40 : i32 to vector<16xi32>
      %add3A_47 = arith.addi %add3A_46, %gather3A_45 : vector<16xi32>
      %mul3A_48 = arith.constant 4 : i32
      %mul3A_49 = arith.muli %mul3A_28, %mul3A_48 : i32
      %add3A_50 = arith.constant 6400 : i32
      %add3A_51 = arith.addi %add3A_50, %mul3A_28 : i32
      %add3A_52 = vector.broadcast %add3A_51 : i32 to vector<16xi32>
      %add3A_53 = arith.addi %mul3A_9, %add3A_52 : vector<16xi32>
      %gather3A_54 = tpu.vector_load_idx %arg6[%add3A_53] : memref<25600xi32, #tpu.memory_space<vmem>>[vector<16xi32>], vector<16xi32>,
      %add3A_55 = vector.broadcast %mul3A_49 : i32 to vector<16xi32>
      %add3A_56 = arith.addi %add3A_55, %gather3A_54 : vector<16xi32>
      %mul3A_57 = arith.constant 4 : i32
      %mul3A_58 = arith.muli %mul3A_28, %mul3A_57 : i32
      %add3A_59 = arith.constant 9600 : i32
      %add3A_60 = arith.addi %add3A_59, %mul3A_28 : i32
      %add3A_61 = vector.broadcast %add3A_60 : i32 to vector<16xi32>
      %add3A_62 = arith.addi %mul3A_9, %add3A_61 : vector<16xi32>
      %gather3A_63 = tpu.vector_load_idx %arg6[%add3A_62] : memref<25600xi32, #tpu.memory_space<vmem>>[vector<16xi32>], vector<16xi32>,
      %add3A_64 = vector.broadcast %mul3A_58 : i32 to vector<16xi32>
      %add3A_65 = arith.addi %add3A_64, %gather3A_63 : vector<16xi32>
      %mul3A_66 = arith.constant 4 : i32
      %mul3A_67 = arith.muli %mul3A_28, %mul3A_66 : i32
      %add3A_68 = arith.constant 12800 : i32
      %add3A_69 = arith.addi %add3A_68, %mul3A_28 : i32
      %add3A_70 = vector.broadcast %add3A_69 : i32 to vector<16xi32>
      %add3A_71 = arith.addi %mul3A_9, %add3A_70 : vector<16xi32>
      %gather3A_72 = tpu.vector_load_idx %arg6[%add3A_71] : memref<25600xi32, #tpu.memory_space<vmem>>[vector<16xi32>], vector<16xi32>,
      %add3A_73 = vector.broadcast %mul3A_67 : i32 to vector<16xi32>
      %add3A_74 = arith.addi %add3A_73, %gather3A_72 : vector<16xi32>
      %mul3A_75 = arith.constant 4 : i32
      %mul3A_76 = arith.muli %mul3A_28, %mul3A_75 : i32
      %add3A_77 = arith.constant 16000 : i32
      %add3A_78 = arith.addi %add3A_77, %mul3A_28 : i32
      %add3A_79 = vector.broadcast %add3A_78 : i32 to vector<16xi32>
      %add3A_80 = arith.addi %mul3A_9, %add3A_79 : vector<16xi32>
      %gather3A_81 = tpu.vector_load_idx %arg6[%add3A_80] : memref<25600xi32, #tpu.memory_space<vmem>>[vector<16xi32>], vector<16xi32>,
      %add3A_82 = vector.broadcast %mul3A_76 : i32 to vector<16xi32>
      %add3A_83 = arith.addi %add3A_82, %gather3A_81 : vector<16xi32>
      %mul3A_84 = arith.constant 4 : i32
      %mul3A_85 = arith.muli %mul3A_28, %mul3A_84 : i32
      %add3A_86 = arith.constant 19200 : i32
      %add3A_87 = arith.addi %add3A_86, %mul3A_28 : i32
      %add3A_88 = vector.broadcast %add3A_87 : i32 to vector<16xi32>
      %add3A_89 = arith.addi %mul3A_9, %add3A_88 : vector<16xi32>
      %gather3A_90 = tpu.vector_load_idx %arg6[%add3A_89] : memref<25600xi32, #tpu.memory_space<vmem>>[vector<16xi32>], vector<16xi32>,
      %add3A_91 = vector.broadcast %mul3A_85 : i32 to vector<16xi32>
      %add3A_92 = arith.addi %add3A_91, %gather3A_90 : vector<16xi32>
      %mul3A_93 = arith.constant 4 : i32
      %mul3A_94 = arith.muli %mul3A_28, %mul3A_93 : i32
      %add3A_95 = arith.constant 22400 : i32
      %add3A_96 = arith.addi %add3A_95, %mul3A_28 : i32
      %add3A_97 = vector.broadcast %add3A_96 : i32 to vector<16xi32>
      %add3A_98 = arith.addi %mul3A_9, %add3A_97 : vector<16xi32>
      %gather3A_99 = tpu.vector_load_idx %arg6[%add3A_98] : memref<25600xi32, #tpu.memory_space<vmem>>[vector<16xi32>], vector<16xi32>,
      %add3A_100 = vector.broadcast %mul3A_94 : i32 to vector<16xi32>
      %add3A_101 = arith.addi %add3A_100, %gather3A_99 : vector<16xi32>
      %parallel_loop3A_102 = arith.constant 0 : i32
      %parallel_loop3A_103 = arith.constant 64 : i32
      %parallel_loop3A_104 = arith.constant 1 : i32
      %parallel_loop3A_105:8 = scf.for %parallel_loop3A_198 = %parallel_loop3A_102 to %parallel_loop3A_103 step %parallel_loop3A_104 iter_args(%parallel_loop3A_199 = %add3A_38, %parallel_loop3A_200 = %add3A_47, %parallel_loop3A_201 = %add3A_56, %parallel_loop3A_202 = %add3A_65, %parallel_loop3A_203 = %add3A_74, %parallel_loop3A_204 = %add3A_83, %parallel_loop3A_205 = %add3A_92, %parallel_loop3A_206 = %add3A_101) -> (vector<16xi32>, vector<16xi32>, vector<16xi32>, vector<16xi32>, vector<16xi32>, vector<16xi32>, vector<16xi32>, vector<16xi32>)  : i32 {
        %parallel_loop3A_207 = tpu.vector_load_idx %arg7[%parallel_loop3A_199] : memref<51200xf32, #tpu.memory_space<vmem>>[vector<16xi32>], vector<16xf32>,
        %parallel_loop3A_208 = arith.constant 0 : i32
        %parallel_loop3A_209 = arith.index_cast %parallel_loop3A_208 : i32 to index
        %parallel_loop3A_210 = arith.index_cast %parallel_loop3A_198 : i32 to index
        %parallel_loop3A_211 = arith.constant 0 : index
        %parallel_loop3A_212 = tpu.vector_load %arg10[%parallel_loop3A_209, %parallel_loop3A_210, %parallel_loop3A_211] {strides = array<i32>} : memref<1x64x128xf32, #tpu.memory_space<vmem>>, vector<16xf32>,
        tpu.vector_store %arg10[%parallel_loop3A_209, %parallel_loop3A_210, %parallel_loop3A_211], %parallel_loop3A_207 {strides = array<i32>} : memref<1x64x128xf32, #tpu.memory_space<vmem>>, vector<16xf32>,
        %parallel_loop3A_213 = tpu.vector_load_idx %arg7[%parallel_loop3A_200] : memref<51200xf32, #tpu.memory_space<vmem>>[vector<16xi32>], vector<16xf32>,
        %parallel_loop3A_214 = arith.constant 0 : i32
        %parallel_loop3A_215 = arith.index_cast %parallel_loop3A_214 : i32 to index
        %parallel_loop3A_216 = arith.index_cast %parallel_loop3A_198 : i32 to index
        %parallel_loop3A_217 = arith.constant 16 : index
        %parallel_loop3A_218 = tpu.vector_load %arg10[%parallel_loop3A_215, %parallel_loop3A_216, %parallel_loop3A_217] {strides = array<i32>} : memref<1x64x128xf32, #tpu.memory_space<vmem>>, vector<16xf32>,
        tpu.vector_store %arg10[%parallel_loop3A_215, %parallel_loop3A_216, %parallel_loop3A_217], %parallel_loop3A_213 {strides = array<i32>} : memref<1x64x128xf32, #tpu.memory_space<vmem>>, vector<16xf32>,
        %parallel_loop3A_219 = tpu.vector_load_idx %arg7[%parallel_loop3A_201] : memref<51200xf32, #tpu.memory_space<vmem>>[vector<16xi32>], vector<16xf32>,
        %parallel_loop3A_220 = arith.constant 0 : i32
        %parallel_loop3A_221 = arith.index_cast %parallel_loop3A_220 : i32 to index
        %parallel_loop3A_222 = arith.index_cast %parallel_loop3A_198 : i32 to index
        %parallel_loop3A_223 = arith.constant 32 : index
        %parallel_loop3A_224 = tpu.vector_load %arg10[%parallel_loop3A_221, %parallel_loop3A_222, %parallel_loop3A_223] {strides = array<i32>} : memref<1x64x128xf32, #tpu.memory_space<vmem>>, vector<16xf32>,
        tpu.vector_store %arg10[%parallel_loop3A_221, %parallel_loop3A_222, %parallel_loop3A_223], %parallel_loop3A_219 {strides = array<i32>} : memref<1x64x128xf32, #tpu.memory_space<vmem>>, vector<16xf32>,
        %parallel_loop3A_225 = tpu.vector_load_idx %arg7[%parallel_loop3A_202] : memref<51200xf32, #tpu.memory_space<vmem>>[vector<16xi32>], vector<16xf32>,
        %parallel_loop3A_226 = arith.constant 0 : i32
        %parallel_loop3A_227 = arith.index_cast %parallel_loop3A_226 : i32 to index
        %parallel_loop3A_228 = arith.index_cast %parallel_loop3A_198 : i32 to index
        %parallel_loop3A_229 = arith.constant 48 : index
        %parallel_loop3A_230 = tpu.vector_load %arg10[%parallel_loop3A_227, %parallel_loop3A_228, %parallel_loop3A_229] {strides = array<i32>} : memref<1x64x128xf32, #tpu.memory_space<vmem>>, vector<16xf32>,
        tpu.vector_store %arg10[%parallel_loop3A_227, %parallel_loop3A_228, %parallel_loop3A_229], %parallel_loop3A_225 {strides = array<i32>} : memref<1x64x128xf32, #tpu.memory_space<vmem>>, vector<16xf32>,
        %parallel_loop3A_231 = tpu.vector_load_idx %arg7[%parallel_loop3A_203] : memref<51200xf32, #tpu.memory_space<vmem>>[vector<16xi32>], vector<16xf32>,
        %parallel_loop3A_232 = arith.constant 0 : i32
        %parallel_loop3A_233 = arith.index_cast %parallel_loop3A_232 : i32 to index
        %parallel_loop3A_234 = arith.index_cast %parallel_loop3A_198 : i32 to index
        %parallel_loop3A_235 = arith.constant 64 : index
        %parallel_loop3A_236 = tpu.vector_load %arg10[%parallel_loop3A_233, %parallel_loop3A_234, %parallel_loop3A_235] {strides = array<i32>} : memref<1x64x128xf32, #tpu.memory_space<vmem>>, vector<16xf32>,
        tpu.vector_store %arg10[%parallel_loop3A_233, %parallel_loop3A_234, %parallel_loop3A_235], %parallel_loop3A_231 {strides = array<i32>} : memref<1x64x128xf32, #tpu.memory_space<vmem>>, vector<16xf32>,
        %parallel_loop3A_237 = tpu.vector_load_idx %arg7[%parallel_loop3A_204] : memref<51200xf32, #tpu.memory_space<vmem>>[vector<16xi32>], vector<16xf32>,
        %parallel_loop3A_238 = arith.constant 0 : i32
        %parallel_loop3A_239 = arith.index_cast %parallel_loop3A_238 : i32 to index
        %parallel_loop3A_240 = arith.index_cast %parallel_loop3A_198 : i32 to index
        %parallel_loop3A_241 = arith.constant 80 : index
        %parallel_loop3A_242 = tpu.vector_load %arg10[%parallel_loop3A_239, %parallel_loop3A_240, %parallel_loop3A_241] {strides = array<i32>} : memref<1x64x128xf32, #tpu.memory_space<vmem>>, vector<16xf32>,
        tpu.vector_store %arg10[%parallel_loop3A_239, %parallel_loop3A_240, %parallel_loop3A_241], %parallel_loop3A_237 {strides = array<i32>} : memref<1x64x128xf32, #tpu.memory_space<vmem>>, vector<16xf32>,
        %parallel_loop3A_243 = tpu.vector_load_idx %arg7[%parallel_loop3A_205] : memref<51200xf32, #tpu.memory_space<vmem>>[vector<16xi32>], vector<16xf32>,
        %parallel_loop3A_244 = arith.constant 0 : i32
        %parallel_loop3A_245 = arith.index_cast %parallel_loop3A_244 : i32 to index
        %parallel_loop3A_246 = arith.index_cast %parallel_loop3A_198 : i32 to index
        %parallel_loop3A_247 = arith.constant 96 : index
        %parallel_loop3A_248 = tpu.vector_load %arg10[%parallel_loop3A_245, %parallel_loop3A_246, %parallel_loop3A_247] {strides = array<i32>} : memref<1x64x128xf32, #tpu.memory_space<vmem>>, vector<16xf32>,
        tpu.vector_store %arg10[%parallel_loop3A_245, %parallel_loop3A_246, %parallel_loop3A_247], %parallel_loop3A_243 {strides = array<i32>} : memref<1x64x128xf32, #tpu.memory_space<vmem>>, vector<16xf32>,
        %parallel_loop3A_249 = tpu.vector_load_idx %arg7[%parallel_loop3A_206] : memref<51200xf32, #tpu.memory_space<vmem>>[vector<16xi32>], vector<16xf32>,
        %parallel_loop3A_250 = arith.constant 0 : i32
        %parallel_loop3A_251 = arith.index_cast %parallel_loop3A_250 : i32 to index
        %parallel_loop3A_252 = arith.index_cast %parallel_loop3A_198 : i32 to index
        %parallel_loop3A_253 = arith.constant 112 : index
        %parallel_loop3A_254 = tpu.vector_load %arg10[%parallel_loop3A_251, %parallel_loop3A_252, %parallel_loop3A_253] {strides = array<i32>} : memref<1x64x128xf32, #tpu.memory_space<vmem>>, vector<16xf32>,
        tpu.vector_store %arg10[%parallel_loop3A_251, %parallel_loop3A_252, %parallel_loop3A_253], %parallel_loop3A_249 {strides = array<i32>} : memref<1x64x128xf32, #tpu.memory_space<vmem>>, vector<16xf32>,
        %parallel_loop3A_255 = arith.constant 800 : i32
        %parallel_loop3A_256 = vector.broadcast %parallel_loop3A_255 : i32 to vector<16xi32>
        %parallel_loop3A_257 = arith.addi %parallel_loop3A_199, %parallel_loop3A_256 : vector<16xi32>
        %parallel_loop3A_258 = arith.constant 800 : i32
        %parallel_loop3A_259 = vector.broadcast %parallel_loop3A_258 : i32 to vector<16xi32>
        %parallel_loop3A_260 = arith.addi %parallel_loop3A_200, %parallel_loop3A_259 : vector<16xi32>
        %parallel_loop3A_261 = arith.constant 800 : i32
        %parallel_loop3A_262 = vector.broadcast %parallel_loop3A_261 : i32 to vector<16xi32>
        %parallel_loop3A_263 = arith.addi %parallel_loop3A_201, %parallel_loop3A_262 : vector<16xi32>
        %parallel_loop3A_264 = arith.constant 800 : i32
        %parallel_loop3A_265 = vector.broadcast %parallel_loop3A_264 : i32 to vector<16xi32>
        %parallel_loop3A_266 = arith.addi %parallel_loop3A_202, %parallel_loop3A_265 : vector<16xi32>
        %parallel_loop3A_267 = arith.constant 800 : i32
        %parallel_loop3A_268 = vector.broadcast %parallel_loop3A_267 : i32 to vector<16xi32>
        %parallel_loop3A_269 = arith.addi %parallel_loop3A_203, %parallel_loop3A_268 : vector<16xi32>
        %parallel_loop3A_270 = arith.constant 800 : i32
        %parallel_loop3A_271 = vector.broadcast %parallel_loop3A_270 : i32 to vector<16xi32>
        %parallel_loop3A_272 = arith.addi %parallel_loop3A_204, %parallel_loop3A_271 : vector<16xi32>
        %parallel_loop3A_273 = arith.constant 800 : i32
        %parallel_loop3A_274 = vector.broadcast %parallel_loop3A_273 : i32 to vector<16xi32>
        %parallel_loop3A_275 = arith.addi %parallel_loop3A_205, %parallel_loop3A_274 : vector<16xi32>
        %parallel_loop3A_276 = arith.constant 800 : i32
        %parallel_loop3A_277 = vector.broadcast %parallel_loop3A_276 : i32 to vector<16xi32>
        %parallel_loop3A_278 = arith.addi %parallel_loop3A_206, %parallel_loop3A_277 : vector<16xi32>
        scf.yield %parallel_loop3A_257, %parallel_loop3A_260, %parallel_loop3A_263, %parallel_loop3A_266, %parallel_loop3A_269, %parallel_loop3A_272, %parallel_loop3A_275, %parallel_loop3A_278 : vector<16xi32>, vector<16xi32>, vector<16xi32>, vector<16xi32>, vector<16xi32>, vector<16xi32>, vector<16xi32>, vector<16xi32>
      } {sc.loop_unroll_factor = 4 : i64, sc.parallel_access}
      %dma_start3A = arith.constant 0 : i32
      %dma_start3A_106 = tpu.memref_slice %arg5[%mul3A_28, %dma_start3A, %mul3A_2] : memref<200x64x4096xf32, #tpu.memory_space<hbm>> -> memref<1x64x128xf32, #tpu.memory_space<hbm>>
      %dma_start3A_107 = arith.constant 0 : i32
      %dma_start3A_108 = tpu.memref_slice %arg5[%mul3A_28, %dma_start3A_107, %mul3A_2] : memref<200x64x4096xf32, #tpu.memory_space<hbm>> -> memref<1x64x128xf32, #tpu.memory_space<hbm>>
      tpu.enqueue_dma source(%arg10 : memref<1x64x128xf32, #tpu.memory_space<vmem>>) target(%dma_start3A_108 : memref<1x64x128xf32, #tpu.memory_space<hbm>>) target_semaphore(%arg12 : memref<!tpu.dma_semaphore, #tpu.memory_space<semaphore_mem>>)
      %mul3A_109 = arith.constant 2 : i32
      %mul3A_110 = arith.muli %mul3A_109, %scan3A_26 : i32
      %add3A_111 = arith.constant 1 : i32
      %add3A_112 = arith.addi %mul3A_110, %add3A_111 : i32
      %gt3A_113 = arith.constant 0 : i32
      %gt3A_114 = arith.cmpi sgt, %scan3A_26, %gt3A_113 : i32
      %convert_element_type3A_115 = arith.extui %gt3A_114 : i1 to i32
      %cond3A_116 = arith.constant 0 : i32
      %cond3A_117 = arith.cmpi ne, %convert_element_type3A_115, %cond3A_116 : i32
      scf.if %cond3A_117 {
        %dma_wait3A_198 = arith.constant 0 : i32
        %dma_wait3A_199 = arith.constant 0 : i32
        %dma_wait3A_200 = tpu.memref_slice %arg5[%dma_wait3A_198, %dma_wait3A_199, %mul3A_2] : memref<200x64x4096xf32, #tpu.memory_space<hbm>> -> memref<1x64x128xf32, #tpu.memory_space<hbm>>
        %dma_wait3A_201 = arith.constant 0 : i32
        %dma_wait3A_202 = arith.constant 0 : i32
        %dma_wait3A_203 = tpu.memref_slice %arg5[%dma_wait3A_201, %dma_wait3A_202, %mul3A_2] : memref<200x64x4096xf32, #tpu.memory_space<hbm>> -> memref<1x64x128xf32, #tpu.memory_space<hbm>>
        tpu.wait_dma2 semaphore(%arg13 : memref<!tpu.dma_semaphore, #tpu.memory_space<semaphore_mem>>) src(%arg11 : memref<1x64x128xf32, #tpu.memory_space<vmem>>) dst(%dma_wait3A_203 : memref<1x64x128xf32, #tpu.memory_space<hbm>>)
      } else {
      }
      %mul3A_118 = arith.constant 4 : i32
      %mul3A_119 = arith.muli %add3A_112, %mul3A_118 : i32
      %add3A_120 = arith.constant 0 : i32
      %add3A_121 = arith.addi %add3A_120, %add3A_112 : i32
      %add3A_122 = vector.broadcast %add3A_121 : i32 to vector<16xi32>
      %add3A_123 = arith.addi %mul3A_9, %add3A_122 : vector<16xi32>
      %gather3A_124 = tpu.vector_load_idx %arg6[%add3A_123] : memref<25600xi32, #tpu.memory_space<vmem>>[vector<16xi32>], vector<16xi32>,
      %add3A_125 = vector.broadcast %mul3A_119 : i32 to vector<16xi32>
      %add3A_126 = arith.addi %add3A_125, %gather3A_124 : vector<16xi32>
      %mul3A_127 = arith.constant 4 : i32
      %mul3A_128 = arith.muli %add3A_112, %mul3A_127 : i32
      %add3A_129 = arith.constant 3200 : i32
      %add3A_130 = arith.addi %add3A_129, %add3A_112 : i32
      %add3A_131 = vector.broadcast %add3A_130 : i32 to vector<16xi32>
      %add3A_132 = arith.addi %mul3A_9, %add3A_131 : vector<16xi32>
      %gather3A_133 = tpu.vector_load_idx %arg6[%add3A_132] : memref<25600xi32, #tpu.memory_space<vmem>>[vector<16xi32>], vector<16xi32>,
      %add3A_134 = vector.broadcast %mul3A_128 : i32 to vector<16xi32>
      %add3A_135 = arith.addi %add3A_134, %gather3A_133 : vector<16xi32>
      %mul3A_136 = arith.constant 4 : i32
      %mul3A_137 = arith.muli %add3A_112, %mul3A_136 : i32
      %add3A_138 = arith.constant 6400 : i32
      %add3A_139 = arith.addi %add3A_138, %add3A_112 : i32
      %add3A_140 = vector.broadcast %add3A_139 : i32 to vector<16xi32>
      %add3A_141 = arith.addi %mul3A_9, %add3A_140 : vector<16xi32>
      %gather3A_142 = tpu.vector_load_idx %arg6[%add3A_141] : memref<25600xi32, #tpu.memory_space<vmem>>[vector<16xi32>], vector<16xi32>,
      %add3A_143 = vector.broadcast %mul3A_137 : i32 to vector<16xi32>
      %add3A_144 = arith.addi %add3A_143, %gather3A_142 : vector<16xi32>
      %mul3A_145 = arith.constant 4 : i32
      %mul3A_146 = arith.muli %add3A_112, %mul3A_145 : i32
      %add3A_147 = arith.constant 9600 : i32
      %add3A_148 = arith.addi %add3A_147, %add3A_112 : i32
      %add3A_149 = vector.broadcast %add3A_148 : i32 to vector<16xi32>
      %add3A_150 = arith.addi %mul3A_9, %add3A_149 : vector<16xi32>
      %gather3A_151 = tpu.vector_load_idx %arg6[%add3A_150] : memref<25600xi32, #tpu.memory_space<vmem>>[vector<16xi32>], vector<16xi32>,
      %add3A_152 = vector.broadcast %mul3A_146 : i32 to vector<16xi32>
      %add3A_153 = arith.addi %add3A_152, %gather3A_151 : vector<16xi32>
      %mul3A_154 = arith.constant 4 : i32
      %mul3A_155 = arith.muli %add3A_112, %mul3A_154 : i32
      %add3A_156 = arith.constant 12800 : i32
      %add3A_157 = arith.addi %add3A_156, %add3A_112 : i32
      %add3A_158 = vector.broadcast %add3A_157 : i32 to vector<16xi32>
      %add3A_159 = arith.addi %mul3A_9, %add3A_158 : vector<16xi32>
      %gather3A_160 = tpu.vector_load_idx %arg6[%add3A_159] : memref<25600xi32, #tpu.memory_space<vmem>>[vector<16xi32>], vector<16xi32>,
      %add3A_161 = vector.broadcast %mul3A_155 : i32 to vector<16xi32>
      %add3A_162 = arith.addi %add3A_161, %gather3A_160 : vector<16xi32>
      %mul3A_163 = arith.constant 4 : i32
      %mul3A_164 = arith.muli %add3A_112, %mul3A_163 : i32
      %add3A_165 = arith.constant 16000 : i32
      %add3A_166 = arith.addi %add3A_165, %add3A_112 : i32
      %add3A_167 = vector.broadcast %add3A_166 : i32 to vector<16xi32>
      %add3A_168 = arith.addi %mul3A_9, %add3A_167 : vector<16xi32>
      %gather3A_169 = tpu.vector_load_idx %arg6[%add3A_168] : memref<25600xi32, #tpu.memory_space<vmem>>[vector<16xi32>], vector<16xi32>,
      %add3A_170 = vector.broadcast %mul3A_164 : i32 to vector<16xi32>
      %add3A_171 = arith.addi %add3A_170, %gather3A_169 : vector<16xi32>
      %mul3A_172 = arith.constant 4 : i32
      %mul3A_173 = arith.muli %add3A_112, %mul3A_172 : i32
      %add3A_174 = arith.constant 19200 : i32
      %add3A_175 = arith.addi %add3A_174, %add3A_112 : i32
      %add3A_176 = vector.broadcast %add3A_175 : i32 to vector<16xi32>
      %add3A_177 = arith.addi %mul3A_9, %add3A_176 : vector<16xi32>
      %gather3A_178 = tpu.vector_load_idx %arg6[%add3A_177] : memref<25600xi32, #tpu.memory_space<vmem>>[vector<16xi32>], vector<16xi32>,
      %add3A_179 = vector.broadcast %mul3A_173 : i32 to vector<16xi32>
      %add3A_180 = arith.addi %add3A_179, %gather3A_178 : vector<16xi32>
      %mul3A_181 = arith.constant 4 : i32
      %mul3A_182 = arith.muli %add3A_112, %mul3A_181 : i32
      %add3A_183 = arith.constant 22400 : i32
      %add3A_184 = arith.addi %add3A_183, %add3A_112 : i32
      %add3A_185 = vector.broadcast %add3A_184 : i32 to vector<16xi32>
      %add3A_186 = arith.addi %mul3A_9, %add3A_185 : vector<16xi32>
      %gather3A_187 = tpu.vector_load_idx %arg6[%add3A_186] : memref<25600xi32, #tpu.memory_space<vmem>>[vector<16xi32>], vector<16xi32>,
      %add3A_188 = vector.broadcast %mul3A_182 : i32 to vector<16xi32>
      %add3A_189 = arith.addi %add3A_188, %gather3A_187 : vector<16xi32>
      %parallel_loop3A_190 = arith.constant 0 : i32
      %parallel_loop3A_191 = arith.constant 64 : i32
      %parallel_loop3A_192 = arith.constant 1 : i32
      %parallel_loop3A_193:8 = scf.for %parallel_loop3A_198 = %parallel_loop3A_190 to %parallel_loop3A_191 step %parallel_loop3A_192 iter_args(%parallel_loop3A_199 = %add3A_126, %parallel_loop3A_200 = %add3A_135, %parallel_loop3A_201 = %add3A_144, %parallel_loop3A_202 = %add3A_153, %parallel_loop3A_203 = %add3A_162, %parallel_loop3A_204 = %add3A_171, %parallel_loop3A_205 = %add3A_180, %parallel_loop3A_206 = %add3A_189) -> (vector<16xi32>, vector<16xi32>, vector<16xi32>, vector<16xi32>, vector<16xi32>, vector<16xi32>, vector<16xi32>, vector<16xi32>)  : i32 {
        %parallel_loop3A_207 = tpu.vector_load_idx %arg7[%parallel_loop3A_199] : memref<51200xf32, #tpu.memory_space<vmem>>[vector<16xi32>], vector<16xf32>,
        %parallel_loop3A_208 = arith.constant 0 : i32
        %parallel_loop3A_209 = arith.index_cast %parallel_loop3A_208 : i32 to index
        %parallel_loop3A_210 = arith.index_cast %parallel_loop3A_198 : i32 to index
        %parallel_loop3A_211 = arith.constant 0 : index
        %parallel_loop3A_212 = tpu.vector_load %arg11[%parallel_loop3A_209, %parallel_loop3A_210, %parallel_loop3A_211] {strides = array<i32>} : memref<1x64x128xf32, #tpu.memory_space<vmem>>, vector<16xf32>,
        tpu.vector_store %arg11[%parallel_loop3A_209, %parallel_loop3A_210, %parallel_loop3A_211], %parallel_loop3A_207 {strides = array<i32>} : memref<1x64x128xf32, #tpu.memory_space<vmem>>, vector<16xf32>,
        %parallel_loop3A_213 = tpu.vector_load_idx %arg7[%parallel_loop3A_200] : memref<51200xf32, #tpu.memory_space<vmem>>[vector<16xi32>], vector<16xf32>,
        %parallel_loop3A_214 = arith.constant 0 : i32
        %parallel_loop3A_215 = arith.index_cast %parallel_loop3A_214 : i32 to index
        %parallel_loop3A_216 = arith.index_cast %parallel_loop3A_198 : i32 to index
        %parallel_loop3A_217 = arith.constant 16 : index
        %parallel_loop3A_218 = tpu.vector_load %arg11[%parallel_loop3A_215, %parallel_loop3A_216, %parallel_loop3A_217] {strides = array<i32>} : memref<1x64x128xf32, #tpu.memory_space<vmem>>, vector<16xf32>,
        tpu.vector_store %arg11[%parallel_loop3A_215, %parallel_loop3A_216, %parallel_loop3A_217], %parallel_loop3A_213 {strides = array<i32>} : memref<1x64x128xf32, #tpu.memory_space<vmem>>, vector<16xf32>,
        %parallel_loop3A_219 = tpu.vector_load_idx %arg7[%parallel_loop3A_201] : memref<51200xf32, #tpu.memory_space<vmem>>[vector<16xi32>], vector<16xf32>,
        %parallel_loop3A_220 = arith.constant 0 : i32
        %parallel_loop3A_221 = arith.index_cast %parallel_loop3A_220 : i32 to index
        %parallel_loop3A_222 = arith.index_cast %parallel_loop3A_198 : i32 to index
        %parallel_loop3A_223 = arith.constant 32 : index
        %parallel_loop3A_224 = tpu.vector_load %arg11[%parallel_loop3A_221, %parallel_loop3A_222, %parallel_loop3A_223] {strides = array<i32>} : memref<1x64x128xf32, #tpu.memory_space<vmem>>, vector<16xf32>,
        tpu.vector_store %arg11[%parallel_loop3A_221, %parallel_loop3A_222, %parallel_loop3A_223], %parallel_loop3A_219 {strides = array<i32>} : memref<1x64x128xf32, #tpu.memory_space<vmem>>, vector<16xf32>,
        %parallel_loop3A_225 = tpu.vector_load_idx %arg7[%parallel_loop3A_202] : memref<51200xf32, #tpu.memory_space<vmem>>[vector<16xi32>], vector<16xf32>,
        %parallel_loop3A_226 = arith.constant 0 : i32
        %parallel_loop3A_227 = arith.index_cast %parallel_loop3A_226 : i32 to index
        %parallel_loop3A_228 = arith.index_cast %parallel_loop3A_198 : i32 to index
        %parallel_loop3A_229 = arith.constant 48 : index
        %parallel_loop3A_230 = tpu.vector_load %arg11[%parallel_loop3A_227, %parallel_loop3A_228, %parallel_loop3A_229] {strides = array<i32>} : memref<1x64x128xf32, #tpu.memory_space<vmem>>, vector<16xf32>,
        tpu.vector_store %arg11[%parallel_loop3A_227, %parallel_loop3A_228, %parallel_loop3A_229], %parallel_loop3A_225 {strides = array<i32>} : memref<1x64x128xf32, #tpu.memory_space<vmem>>, vector<16xf32>,
        %parallel_loop3A_231 = tpu.vector_load_idx %arg7[%parallel_loop3A_203] : memref<51200xf32, #tpu.memory_space<vmem>>[vector<16xi32>], vector<16xf32>,
        %parallel_loop3A_232 = arith.constant 0 : i32
        %parallel_loop3A_233 = arith.index_cast %parallel_loop3A_232 : i32 to index
        %parallel_loop3A_234 = arith.index_cast %parallel_loop3A_198 : i32 to index
        %parallel_loop3A_235 = arith.constant 64 : index
        %parallel_loop3A_236 = tpu.vector_load %arg11[%parallel_loop3A_233, %parallel_loop3A_234, %parallel_loop3A_235] {strides = array<i32>} : memref<1x64x128xf32, #tpu.memory_space<vmem>>, vector<16xf32>,
        tpu.vector_store %arg11[%parallel_loop3A_233, %parallel_loop3A_234, %parallel_loop3A_235], %parallel_loop3A_231 {strides = array<i32>} : memref<1x64x128xf32, #tpu.memory_space<vmem>>, vector<16xf32>,
        %parallel_loop3A_237 = tpu.vector_load_idx %arg7[%parallel_loop3A_204] : memref<51200xf32, #tpu.memory_space<vmem>>[vector<16xi32>], vector<16xf32>,
        %parallel_loop3A_238 = arith.constant 0 : i32
        %parallel_loop3A_239 = arith.index_cast %parallel_loop3A_238 : i32 to index
        %parallel_loop3A_240 = arith.index_cast %parallel_loop3A_198 : i32 to index
        %parallel_loop3A_241 = arith.constant 80 : index
        %parallel_loop3A_242 = tpu.vector_load %arg11[%parallel_loop3A_239, %parallel_loop3A_240, %parallel_loop3A_241] {strides = array<i32>} : memref<1x64x128xf32, #tpu.memory_space<vmem>>, vector<16xf32>,
        tpu.vector_store %arg11[%parallel_loop3A_239, %parallel_loop3A_240, %parallel_loop3A_241], %parallel_loop3A_237 {strides = array<i32>} : memref<1x64x128xf32, #tpu.memory_space<vmem>>, vector<16xf32>,
        %parallel_loop3A_243 = tpu.vector_load_idx %arg7[%parallel_loop3A_205] : memref<51200xf32, #tpu.memory_space<vmem>>[vector<16xi32>], vector<16xf32>,
        %parallel_loop3A_244 = arith.constant 0 : i32
        %parallel_loop3A_245 = arith.index_cast %parallel_loop3A_244 : i32 to index
        %parallel_loop3A_246 = arith.index_cast %parallel_loop3A_198 : i32 to index
        %parallel_loop3A_247 = arith.constant 96 : index
        %parallel_loop3A_248 = tpu.vector_load %arg11[%parallel_loop3A_245, %parallel_loop3A_246, %parallel_loop3A_247] {strides = array<i32>} : memref<1x64x128xf32, #tpu.memory_space<vmem>>, vector<16xf32>,
        tpu.vector_store %arg11[%parallel_loop3A_245, %parallel_loop3A_246, %parallel_loop3A_247], %parallel_loop3A_243 {strides = array<i32>} : memref<1x64x128xf32, #tpu.memory_space<vmem>>, vector<16xf32>,
        %parallel_loop3A_249 = tpu.vector_load_idx %arg7[%parallel_loop3A_206] : memref<51200xf32, #tpu.memory_space<vmem>>[vector<16xi32>], vector<16xf32>,
        %parallel_loop3A_250 = arith.constant 0 : i32
        %parallel_loop3A_251 = arith.index_cast %parallel_loop3A_250 : i32 to index
        %parallel_loop3A_252 = arith.index_cast %parallel_loop3A_198 : i32 to index
        %parallel_loop3A_253 = arith.constant 112 : index
        %parallel_loop3A_254 = tpu.vector_load %arg11[%parallel_loop3A_251, %parallel_loop3A_252, %parallel_loop3A_253] {strides = array<i32>} : memref<1x64x128xf32, #tpu.memory_space<vmem>>, vector<16xf32>,
        tpu.vector_store %arg11[%parallel_loop3A_251, %parallel_loop3A_252, %parallel_loop3A_253], %parallel_loop3A_249 {strides = array<i32>} : memref<1x64x128xf32, #tpu.memory_space<vmem>>, vector<16xf32>,
        %parallel_loop3A_255 = arith.constant 800 : i32
        %parallel_loop3A_256 = vector.broadcast %parallel_loop3A_255 : i32 to vector<16xi32>
        %parallel_loop3A_257 = arith.addi %parallel_loop3A_199, %parallel_loop3A_256 : vector<16xi32>
        %parallel_loop3A_258 = arith.constant 800 : i32
        %parallel_loop3A_259 = vector.broadcast %parallel_loop3A_258 : i32 to vector<16xi32>
        %parallel_loop3A_260 = arith.addi %parallel_loop3A_200, %parallel_loop3A_259 : vector<16xi32>
        %parallel_loop3A_261 = arith.constant 800 : i32
        %parallel_loop3A_262 = vector.broadcast %parallel_loop3A_261 : i32 to vector<16xi32>
        %parallel_loop3A_263 = arith.addi %parallel_loop3A_201, %parallel_loop3A_262 : vector<16xi32>
        %parallel_loop3A_264 = arith.constant 800 : i32
        %parallel_loop3A_265 = vector.broadcast %parallel_loop3A_264 : i32 to vector<16xi32>
        %parallel_loop3A_266 = arith.addi %parallel_loop3A_202, %parallel_loop3A_265 : vector<16xi32>
        %parallel_loop3A_267 = arith.constant 800 : i32
        %parallel_loop3A_268 = vector.broadcast %parallel_loop3A_267 : i32 to vector<16xi32>
        %parallel_loop3A_269 = arith.addi %parallel_loop3A_203, %parallel_loop3A_268 : vector<16xi32>
        %parallel_loop3A_270 = arith.constant 800 : i32
        %parallel_loop3A_271 = vector.broadcast %parallel_loop3A_270 : i32 to vector<16xi32>
        %parallel_loop3A_272 = arith.addi %parallel_loop3A_204, %parallel_loop3A_271 : vector<16xi32>
        %parallel_loop3A_273 = arith.constant 800 : i32
        %parallel_loop3A_274 = vector.broadcast %parallel_loop3A_273 : i32 to vector<16xi32>
        %parallel_loop3A_275 = arith.addi %parallel_loop3A_205, %parallel_loop3A_274 : vector<16xi32>
        %parallel_loop3A_276 = arith.constant 800 : i32
        %parallel_loop3A_277 = vector.broadcast %parallel_loop3A_276 : i32 to vector<16xi32>
        %parallel_loop3A_278 = arith.addi %parallel_loop3A_206, %parallel_loop3A_277 : vector<16xi32>
        scf.yield %parallel_loop3A_257, %parallel_loop3A_260, %parallel_loop3A_263, %parallel_loop3A_266, %parallel_loop3A_269, %parallel_loop3A_272, %parallel_loop3A_275, %parallel_loop3A_278 : vector<16xi32>, vector<16xi32>, vector<16xi32>, vector<16xi32>, vector<16xi32>, vector<16xi32>, vector<16xi32>, vector<16xi32>
      } {sc.loop_unroll_factor = 4 : i64, sc.parallel_access}
      %dma_start3A_194 = arith.constant 0 : i32
      %dma_start3A_195 = tpu.memref_slice %arg5[%add3A_112, %dma_start3A_194, %mul3A_2] : memref<200x64x4096xf32, #tpu.memory_space<hbm>> -> memref<1x64x128xf32, #tpu.memory_space<hbm>>
      %dma_start3A_196 = arith.constant 0 : i32
      %dma_start3A_197 = tpu.memref_slice %arg5[%add3A_112, %dma_start3A_196, %mul3A_2] : memref<200x64x4096xf32, #tpu.memory_space<hbm>> -> memref<1x64x128xf32, #tpu.memory_space<hbm>>
      tpu.enqueue_dma source(%arg11 : memref<1x64x128xf32, #tpu.memory_space<vmem>>) target(%dma_start3A_197 : memref<1x64x128xf32, #tpu.memory_space<hbm>>) target_semaphore(%arg13 : memref<!tpu.dma_semaphore, #tpu.memory_space<semaphore_mem>>)
    }
    %scan3A_14 = arith.constant 100 : i32
    %dma_wait3A = arith.constant 0 : i32
    %dma_wait3A_15 = arith.constant 0 : i32
    %dma_wait3A_16 = tpu.memref_slice %arg5[%dma_wait3A, %dma_wait3A_15, %mul3A_2] : memref<200x64x4096xf32, #tpu.memory_space<hbm>> -> memref<1x64x128xf32, #tpu.memory_space<hbm>>
    %dma_wait3A_17 = arith.constant 0 : i32
    %dma_wait3A_18 = arith.constant 0 : i32
    %dma_wait3A_19 = tpu.memref_slice %arg5[%dma_wait3A_17, %dma_wait3A_18, %mul3A_2] : memref<200x64x4096xf32, #tpu.memory_space<hbm>> -> memref<1x64x128xf32, #tpu.memory_space<hbm>>
    tpu.wait_dma2 semaphore(%arg12 : memref<!tpu.dma_semaphore, #tpu.memory_space<semaphore_mem>>) src(%arg10 : memref<1x64x128xf32, #tpu.memory_space<vmem>>) dst(%dma_wait3A_19 : memref<1x64x128xf32, #tpu.memory_space<hbm>>)
    %dma_wait3A_20 = arith.constant 0 : i32
    %dma_wait3A_21 = arith.constant 0 : i32
    %dma_wait3A_22 = tpu.memref_slice %arg5[%dma_wait3A_20, %dma_wait3A_21, %mul3A_2] : memref<200x64x4096xf32, #tpu.memory_space<hbm>> -> memref<1x64x128xf32, #tpu.memory_space<hbm>>
    %dma_wait3A_23 = arith.constant 0 : i32
    %dma_wait3A_24 = arith.constant 0 : i32
    %dma_wait3A_25 = tpu.memref_slice %arg5[%dma_wait3A_23, %dma_wait3A_24, %mul3A_2] : memref<200x64x4096xf32, #tpu.memory_space<hbm>> -> memref<1x64x128xf32, #tpu.memory_space<hbm>>
    tpu.wait_dma2 semaphore(%arg13 : memref<!tpu.dma_semaphore, #tpu.memory_space<semaphore_mem>>) src(%arg11 : memref<1x64x128xf32, #tpu.memory_space<vmem>>) dst(%dma_wait3A_25 : memref<1x64x128xf32, #tpu.memory_space<hbm>>)
    return
  }
}

</mosaic_0001>

<sc_bundles>
// kernel: kernel.3.cloned.1.call-start
scs
__scs_entry_jumppad:
0x0: {  	(pc) =	sbr.rel $0x88, $3  }
0x1: {  	(tag) =	ssettag $0x0;
	lr =	simm.s32 $0x1  }
0x2: {  	[smem:$0x3F9F] =	sst lr;
	_ =	strace $0xD0000000  }
0x3: {  	_ = 	snop  }
0x4: {  	_ = 	snop  }
0x5: {  	_ = 	snop  }
0x6: {  	_ = 	snop  }
0x7: {  	_ = 	snop  }
__scs_overlays_trampoline_lowered:
0x8: {  	[smem:$0x3FAE] =	sst s0  }
0x9: {  	[smem:$0x3FAF] =	sst s1  }
0xa: {  	[smem:$0x3FB0] =	sst s2  }
0xb: {  	[smem:$0x3FB1] =	sst s3  }
0xc: {  	[smem:$0x3FB2] =	sst s4  }
0xd: {  	[smem:$0x3FB3] =	sst s5  }
0xe: {  	[smem:$0x3FB4] =	sst s6  }
0xf: {  	[smem:$0x3FB5] =	sst s7  }
0x10: {  	[smem:$0x3FB6] =	sst s8  }
0x11: {  	[smem:$0x3FB7] =	sst s9;
	s0 =	simm.s32 @!p0 $0x0  }
0x12: {  	s1 =	sld [smem:$0x3F9D];
	s0 =	simm.s32 @p0 $0x1  }
0x13: {  	[smem:$0x3FB8] =	sst s0;
	s0 =	simm.s32 @!p1 $0x0  }
0x14: {  	s2 =	sld [smem:$0x3F9C];
	s0 =	simm.s32 @p1 $0x1  }
0x15: {  	[smem:$0x3FB9] =	sst s0;
	s0 =	simm.s32 @!p2 $0x0  }
0x16: {  	s3 =	sld [smem:$0x3FDB];
	s0 =	simm.s32 @p2 $0x1  }
0x17: {  	s4 =	simm.s32 $0x1BF5;
	[smem:$0x3FBB] =	sst s0  }
0x18: {  	s0 =	sld [smem:$0x3F9E];
	_ =	swait.ge [sflag:s4], $0x0  }
0x19: {  	s7 =	sld [smem:$0x3F9F]  }
0x1a: {  	s8 =	sadd.s32 $0xFFFFE003, lr  }
0x1b: {  	s9 =	sadd.s32 $0xFFFFFEF7, lr;
	s5 =	simm.s32 $0xFFFFFFFF;
	p2 =	slt.u32 s8, $0xFFFFF086  }
0x1c: {  	p1 =	slt.u32 s9, $0xF7A;
	s5 =	simm.s32 @!p2 $0x0  }
0x1d: {  	s5 =	simm.s32 @p1 $0x1;
	p0 =	seq.s32 s7, s2  }
0x1e: {  	s7 =	smul.u32 @!p0 $0xF7A, s2;
	p2 =	seq.s32 @!p0 s5, $0x0  }
0x1f: {  	s9 =	smul.u32 $0xF7A, s1;
	s8 =	simm.s32 @!p0 $0x1BF5;
	p2 =	por !p2, p0  }
0x20: {  	[sflag:s8] =	ssyncset.s32 @!p0 $0xFFFFF086;
	s6 =	sadd.s32 @!p0 s3, s7;
	s7 =	simm.s32 @!p0 $0x108  }
0x21: {  	s3 =	sadd.s32 s3, s9;
	s6 =	sadd.s32 @!p0 $0x88, s6;
	s7 =	simm.s32 @p2 $0x1082  }
0x22: {  	[simem:s7], [sflag:s8] =	dma.local @!p0 [hbm:s6], $0xF7A  }
0x23: {  	s9 =	sor.u32 $0xD0000000, s2;
	s6 =	simm.s32 $0x108;
	_ =	swait.ge @!p0 [sflag:s8], $0x0  }
0x24: {  	s3 =	sadd.s32 $0x88, s3;
	s6 =	simm.s32 @!p1 $0x1082;
	[sflag:s4] =	ssyncset.s32 $0xFFFFF086  }
0x25: {  	[simem:s6], [sflag:s4] =	dma.local [hbm:s3], $0xF7A  }
0x26: {  	[smem:$0x3F9F] =	sst s1;
	(tag) =	ssettag s2;
	_ =	strace s9  }
0x27: {  	s1 =	sld [smem:$0x3FAF]  }
0x28: {  	s2 =	sld [smem:$0x3FB0]  }
0x29: {  	s4 =	sld [smem:$0x3FB2]  }
0x2a: {  	p0 =	seq.s32 s5, $0x0;
	s5 =	sld [smem:$0x3FB3]  }
0x2b: {  	s6 =	sld [smem:$0x3FB4]  }
0x2c: {  	s7 =	sld [smem:$0x3FB5]  }
0x2d: {  	s3 =	simm.s32 $0x108;
	s8 =	sld [smem:$0x3FB6]  }
0x2e: {  	s3 =	simm.s32 @!p0 $0x1082;
	s9 =	sld [smem:$0x3FB7]  }
0x2f: {  	lr =	sadd.s32 s0, s3;
	s0 =	sld [smem:$0x3FAE]  }
0x30: {  	s3 =	sld [smem:$0x3FB1]  }
0x31: {  	[smem:$0x3FBA] =	sst s10  }
0x32: {  	s10 =	sld [smem:$0x3FB8];
	_ =	sdelay $0x3  }
0x33: {  	p0 =	seq.s32 s10, $0x1;
	s10 =	sld [smem:$0x3FBA];
	_ =	sdelay $0x3  }
0x34: {  	[smem:$0x3FBA] =	sst s10  }
0x35: {  	s10 =	sld [smem:$0x3FB9];
	_ =	sdelay $0x3  }
0x36: {  	p1 =	seq.s32 s10, $0x1;
	s10 =	sld [smem:$0x3FBA];
	_ =	sdelay $0x3  }
0x37: {  	[smem:$0x3FBA] =	sst s10  }
0x38: {  	s10 =	sld [smem:$0x3FBB]  }
0x39: {  	_ = 	snop;
	(pc) =	sbr.ind lr, $3  }
0x3a: {  	_ = 	snop  }
0x3b: {  	_ = 	snop  }
0x3c: {  	p2 =	seq.s32 s10, $0x1;
	s10 =	sld [smem:$0x3FBA]  }
0x3d: {  	_ =	shalt  }
0x3e: {  	_ =	shalt  }
0x3f: {  	_ =	shalt  }
0x40: {  	_ =	shalt  }
0x41: {  	_ =	shalt  }
0x42: {  	_ =	shalt  }
0x43: {  	_ =	shalt  }
0x44: {  	_ =	shalt  }
0x45: {  	_ =	shalt  }
0x46: {  	_ =	shalt  }
0x47: {  	_ =	shalt  }
0x48: {  	_ =	shalt  }
0x49: {  	_ =	shalt  }
0x4a: {  	_ =	shalt  }
0x4b: {  	_ =	shalt  }
0x4c: {  	_ =	shalt  }
0x4d: {  	_ =	shalt  }
0x4e: {  	_ =	shalt  }
0x4f: {  	_ =	shalt  }
0x50: {  	_ =	shalt  }
0x51: {  	_ =	shalt  }
0x52: {  	_ =	shalt  }
0x53: {  	_ =	shalt  }
0x54: {  	_ =	shalt  }
0x55: {  	_ =	shalt  }
0x56: {  	_ =	shalt  }
0x57: {  	_ =	shalt  }
0x58: {  	_ =	shalt  }
0x59: {  	_ =	shalt  }
0x5a: {  	_ =	shalt  }
0x5b: {  	_ =	shalt  }
0x5c: {  	_ =	shalt  }
0x5d: {  	_ =	shalt  }
0x5e: {  	_ =	shalt  }
0x5f: {  	_ =	shalt  }
0x60: {  	_ =	shalt  }
0x61: {  	_ =	shalt  }
0x62: {  	_ =	shalt  }
0x63: {  	_ =	shalt  }
0x64: {  	_ =	shalt  }
0x65: {  	_ =	shalt  }
0x66: {  	_ =	shalt  }
0x67: {  	_ =	shalt  }
0x68: {  	_ =	shalt  }
0x69: {  	_ =	shalt  }
0x6a: {  	_ =	shalt  }
0x6b: {  	_ =	shalt  }
0x6c: {  	_ =	shalt  }
0x6d: {  	_ =	shalt  }
0x6e: {  	_ =	shalt  }
0x6f: {  	_ =	shalt  }
0x70: {  	_ =	shalt  }
0x71: {  	_ =	shalt  }
0x72: {  	_ =	shalt  }
0x73: {  	_ =	shalt  }
0x74: {  	_ =	shalt  }
0x75: {  	_ =	shalt  }
0x76: {  	_ =	shalt  }
0x77: {  	_ =	shalt  }
0x78: {  	_ =	shalt  }
0x79: {  	_ =	shalt  }
0x7a: {  	_ =	shalt  }
0x7b: {  	_ =	shalt  }
0x7c: {  	_ =	shalt  }
0x7d: {  	_ =	shalt  }
0x7e: {  	_ =	shalt  }
0x7f: {  	_ =	shalt  }
0x80: {  	_ =	shalt  }
0x81: {  	_ =	shalt  }
0x82: {  	_ =	shalt  }
0x83: {  	_ =	shalt  }
0x84: {  	_ =	shalt  }
0x85: {  	_ =	shalt  }
0x86: {  	_ =	shalt  }
0x87: {  	_ =	shalt  }
.Lfunc_end0:
.L_simem_size_0:
called_computation_lowered:
.L_overlay_start_0:
0x88: {  	s2 =	sld [smem:$0x3FD9]  }
0x89: {  	s3 =	sld [smem:$0x3FFE];
	_ =	sdelay $0x1  }
0x8a: {  	s1 =	srdreg.scid  }
0x8b: {  	s0 =	sand.u32 $0x1, s1  }
0x8c: {  	s17 =	sshll.u32 s0, $0xA;
	s2 =	sadd.s32 s3, s2  }
0x8d: {  	s2 =	sadd.s32 s2, s17  }
0x8e: {  	[smem:$0x3FC6] =	sst s2  }
0x8f: {  	_ = 	snop  }
0x90: {  	s2 =	sld [smem:$0x3FD0];
	(tm) =	ssettm $0x1  }
0x91: {  	s18 =	sld [smem:$0x3FFB];
	_ =	sdelay $0x3  }
0x92: {  	_ =	strace s18  }
0x93: {  	s3 =	sld [smem:$0x3FFC];
	_ =	sdelay $0x3  }
0x94: {  	_ =	strace s3  }
0x95: {  	s3 =	sld [smem:$0x3FFD];
	_ =	sdelay $0x3  }
0x96: {  	_ =	strace s3  }
0x97: {  	_ =	strace $0x8FFFFFFF  }
0x98: {  	s19 =	sld [smem:$0x3FDB];
	_ =	sdelay $0x1  }
0x99: {  	s4 =	simm.s32 $_scs_section_size  }
0x9a: {  	s5 =	simm.s32 $_size__tile_overlayer_lowered;
	s6 =	simm.s32 $_tile_overlayer_lowered  }
0x9b: {  	s22 =	simm.s32 $0x1BFF;
	s21 =	sshll.u32 s6, $0x1;
	s3 =	sadd.s32 s4, s19  }
0x9c: {  	s7 =	simm.s32 $0x0;
	s20 =	sshll.u32 s5, $0x1;
	s5 =	sadd.s32 s21, s3  }
0x9d: {  	[timem:s7], [sflag:s22] =	dma.local [hbm:s5], s20  }
0x9e: {  	_ =	swait.ge [sflag:s22], s20  }
0x9f: {  	s4 =	ssub.s32 $0x0, s20;
	[sflag:s22] =	ssyncset.done $0x0  }
0xa0: {  	[sflag:s22] =	ssyncadd.s32 s4;
	_ =	sdelay $0x1  }
0xa1: {  	s23 =	simm.s32 $0x1B8B  }
0xa2: {  	_ =	swait.ge [sflag:s23], $0x1  }
0xa3: {  	[sflag:s23] =	ssyncset.done $0x0  }
0xa4: {  	s25 =	simm.s32 $0x1B8E;
	s24 =	sld [smem:$0x3FFE];
	[sflag:s23] =	ssyncadd.s32 $0xFFFFFFFF  }
0xa5: {  	s26 =	simm.s32 $execute0_lowered;
	[smem:$0x3FD2] =	sst s25  }
0xa6: {  	s5 =	sshll.u32 s26, $0x1;
	_ =	strace $0x80000046;
	[dreg:$0x1] =	wrdreg $0xFFFFFFFF  }
0xa7: {  	s28 =	simm.s32 $_size_execute0_lowered;
	s3 =	sadd.s32 s3, s5;
	[dreg:$0x0] =	wrdreg $0x0  }
0xa8: {  	s5 =	sshll.u32 s28, $0x1;
	[dreg:$0x2] =	wrdreg s3  }
0xa9: {  	[dreg:$0x3] =	wrdreg s5  }
0xaa: {  	[dreg:$0x4] =	wrdreg $0xC0  }
0xab: {  	_ =	task [dreg:s7], $0x5FFFF  }
0xac: {  	[dreg:$0x1] =	wrdreg $0xFFFFFFFF  }
0xad: {  	[dreg:$0x0] =	wrdreg $0x60  }
0xae: {  	[dreg:$0x2] =	wrdreg s24  }
0xaf: {  	[dreg:$0x3] =	wrdreg s2  }
0xb0: {  	[dreg:$0x4] =	wrdreg $0x9  }
0xb1: {  	_ =	task.clear_ibuf [dreg:s7], $0x5FFFF;
	_ =	strace $0x90000046  }
0xb2: {  	s29 =	simm.s32 $0x9;
	_ =	strace $0x80000048  }
0xb3: {  	_ =	swait.ge [sflag:s29], $0x1  }
0xb4: {  	[sflag:s29] =	ssyncadd.s32 $0xFFFFFFFF  }
0xb5: {  	_ =	strace $0x90000048  }
0xb6: {  	_ =	sfence  }
0xb7: {  	s30 =	sld [smem:$0x0];
	_ =	sdelay $0x2  }
0xb8: {  	s31 =	sshll.u32 s1, $0xD;
	s1 =	sshrl.u32 s1, $0x2  }
0xb9: {  	s3 =	sand.u32 $0x4000, s31;
	s1 =	sadd.s32 s1, s30  }
0xba: {  	s0 =	sor.u32 s3, s0;
	s1 =	sshll.u32 s1, $0x11  }
0xbb: {  	s0 =	sor.u32 s1, s0  }
0xbc: {  	s0 =	sadd.s32 $0x8F2B, s0  }
0xbd: {  	[sflag:s0] =	ssyncadd.remote.s32 $0x1  }
0xbe: {  	_ =	sfence.sel $0xFFFF  }
0xbf: {  	[dreg:$0x0] =	wrdreg $0xFFFFFFFF;
	(pc) =	sbr.abs _section_cstart, $3  }
0xc0: {  	[dreg:$0x1] =	wrdreg $0xFFFFFFFF  }
0xc1: {  	_ =	task.clear_ibuf [dreg:s7], $0x2FFFF;
	_ =	strace $0x9FFFFFFF  }
0xc2: {  	(tm) =	ssettm $0x7FFFFFFF  }
0xc3: {  	_ =	shalt  }
tec
execute0_lowered:
.L_overlay_start_1:
0x0: {  	(tag) =	ssettag $0x1  }
0x1: {  	v1 =	vlaneseq.u32  }
0x2: {  	v0 =	vshrl.u32 v1, $0x2;
	v2 =	vand.u32 $0x3, v1  }
0x3: {  	v0 =	vmul.u32 $0x40, v0;
	v2 =	vmul.u32 $0x40, v2;
	_ =	sdelay $0x1  }
0x4: {  	v51 =	vmul.u32 $0xC8, v1;
	[tilespmem:$0x1FF10] =	vst v2;
	v2 =	vor.u32 $0x100, v0  }
0x5: {  	v16 =	vor.u32 $0xF00, v0;
	v17 =	vor.u32 $0x1000, v0;
	v18 =	vor.u32 $0x1100, v0  }
0x6: {  	v19 =	vor.u32 $0x1200, v0;
	v20 =	vor.u32 $0x1300, v0;
	[tilespmem:$0x1FF20] =	vst v2;
	v2 =	vor.u32 $0x200, v0  }
0x7: {  	v21 =	vor.u32 $0x1400, v0;
	v22 =	vor.u32 $0x1500, v0;
	[tilespmem:$0x1FF30] =	vst v2;
	v2 =	vor.u32 $0x300, v0  }
0x8: {  	v23 =	vor.u32 $0x1600, v0;
	v24 =	vor.u32 $0x1700, v0;
	[tilespmem:$0x1FF40] =	vst v2;
	v2 =	vor.u32 $0x400, v0  }
0x9: {  	v25 =	vor.u32 $0x1800, v0;
	v26 =	vor.u32 $0x1900, v0;
	[tilespmem:$0x1FF50] =	vst v2;
	v2 =	vor.u32 $0x500, v0  }
0xa: {  	s1 =	srdreg.scid;
	s0 =	stileid.u32;
	v27 =	vor.u32 $0x1A00, v0;
	v28 =	vor.u32 $0x1B00, v0;
	[tilespmem:$0x1FF60] =	vst v2;
	v2 =	vor.u32 $0x600, v0  }
0xb: {  	s5 =	rddreg [dreg:$0x0];
	s10 =	simm.s32 $0x12C00;
	s11 =	simm.s32 $0x15E00;
	v29 =	vor.u32 $0x1C00, v0;
	v30 =	vor.u32 $0x1D00, v0;
	[tilespmem:$0x1FF70] =	vst v2;
	v2 =	vor.u32 $0x700, v0  }
0xc: {  	s2 =	rddreg [dreg:$0x1];
	s12 =	simm.s32 $0x6400;
	s13 =	simm.s32 $0x400;
	v31 =	vor.u32 $0x1E00, v0;
	v32 =	vor.u32 $0x1F00, v0;
	[tilespmem:$0x1FF80] =	vst v2;
	v2 =	vor.u32 $0x800, v0  }
0xd: {  	s3 =	simm.s32 $0x0;
	s14 =	simm.s32 $0x8000;
	s15 =	simm.s32 $0x15F00;
	v33 =	vor.u32 $0x2000, v0;
	v34 =	vor.u32 $0x2100, v0;
	[tilespmem:$0x1FF90] =	vst v2;
	v2 =	vor.u32 $0x900, v0  }
0xe: {  	s16 =	simm.s32 $0x17F00;
	s17 =	simm.s32 $0x1;
	s18 =	simm.s32 $0x2;
	v35 =	vor.u32 $0x2200, v0;
	v36 =	vor.u32 $0x2300, v0;
	[tilespmem:$0x1FFA0] =	vst v2;
	v2 =	vor.u32 $0xA00, v0  }
0xf: {  	s19 =	simm.s32 $0x0;
	s4 =	sand.u32 $0x1, s1;
	s31 =	sshll.u32 s0, $0x1;
	v37 =	vor.u32 $0x2400, v0;
	v38 =	vor.u32 $0x2500, v0;
	[tilespmem:$0x1FFB0] =	vst v2;
	v2 =	vor.u32 $0xB00, v0  }
0x10: {  	s1 =	rddreg [dreg:$0x2];
	s7 =	sor.u32 s4, s31;
	s8 =	ssub.s32 $0x2, s4;
	v39 =	vor.u32 $0x2600, v0;
	v40 =	vor.u32 $0x2700, v0;
	[tilespmem:$0x1FFC0] =	vst v2;
	v2 =	vor.u32 $0xC00, v0  }
0x11: {  	[smem:$0x7FF] =	sst s3;
	s6 =	smul.u32 $0xC80, s7;
	s9 =	sshrl.u32 s8, $0x1;
	v41 =	vor.u32 $0x2800, v0;
	v42 =	vor.u32 $0x2900, v0;
	[tilespmem:$0x1FFD0] =	vst v2;
	v2 =	vor.u32 $0xD00, v0  }
0x12: {  	s4 =	sadd.s32 $0x19800, s5;
	s7 =	sshll.u32 s7, $0xA;
	s8 =	ssub.s32 s8, s9;
	v43 =	vor.u32 $0x2A00, v0;
	v44 =	vor.u32 $0x2B00, v0;
	[tilespmem:$0x1FFE0] =	vst v2;
	v2 =	vor.u32 $0xE00, v0  }
0x13: {  	s9 =	simm.s32 $0x3;
	v45 =	vor.u32 $0x2C00, v0;
	v46 =	vor.u32 $0x2D00, v0;
	v47 =	vor.u32 $0x2E00, v0;
	s6 =	sadd.s32 s6, s5;
	s5 =	sadd.s32 $0x600, s5;
	[tilespmem:$0x1FFF0] =	vst v2  }
0x14: {  	v48 =	vor.u32 $0x2F00, v0;
	v49 =	vor.u32 $0x3000, v0;
	v50 =	vor.u32 $0x3100, v0;
	s8 =	smax.u32 s8, $0x1;
	s6 =	sadd.s32 $0x800, s6;
	_ =	strace $0x80000047  }
.LBB2_1:
0x15: {  	[tilespmem:s3], [sflag:$0x3] =	stream.linear.gather [hbm4b:s6+s3], $0x6400, $0x38;
	[tilespmem:$0x19F00] =	vst v63  }
0x16: {  	_ =	swait.ge [sflag:s9], $0x6400  }
0x17: {  	[sflag:s9] =	ssyncset.done $0x0  }
0x18: {  	[sflag:s9] =	ssyncadd.s32 $0xFFFF9C00  }
0x19: {  	[tilespmem:s10], [sflag:$0x3] =	stream.linear.gather [hbm4b:s4+s3], $0x3200, $0x38;
	[tilespmem:$0x19F00] =	vst v63  }
0x1a: {  	_ =	swait.ge [sflag:s9], $0x3200  }
0x1b: {  	[sflag:s9] =	ssyncset.done $0x0  }
0x1c: {  	[sflag:s9] =	ssyncadd.s32 $0xFFFFCE00  }
0x1d: {  	[tilespmem:s11], [sflag:$0x3] =	stream.linear.gather [hbm4b:s5+s3], $0x100, $0x38;
	[tilespmem:$0x19F00] =	vst v63  }
0x1e: {  	_ =	swait.ge [sflag:s9], $0x100  }
0x1f: {  	s20 =	simm.s32 $0xC40;
	[sflag:s9] =	ssyncset.done $0x0  }
0x20: {  	s21 =	simm.s32 $0x6A40;
	s22 =	simm.s32 $0x0;
	[sflag:s9] =	ssyncadd.s32 $0xFFFFFF00  }
.LBB2_2:
0x21: {  	v4 =	vld [tilespmem:$0x1FF10];
	_ =	sdelay $0x3  }
0x22: {  	v1 =	vor.u32 s22, v0  }
0x23: {  	v52 =	vor.u32 s22, v4;
	_ =	sdelay $0x2  }
0x24: {  	v8 =	vld [tilespmem:$0x1FF20]  }
0x25: {  	v1 =	vld.idx.msk [tilespmem:v1+s10+$0x0], $0xffff  }
0x26: {  	v2 =	vld.idx.msk [tilespmem:v52+s11+$0x0], $0xffff;
	_ =	sdelay $0x2  }
0x27: {  	v3 =	vor.u32 s22, v8;
	_ =	sdelay $0x1  }
0x28: {  	v1 =	vadd.f32 v2, v1;
	_ =	sdelay $0x1  }
0x29: {  	v9 =	vld [tilespmem:$0x1FF30];
	[tilespmem:s21+$0xFFFFF9C0] =	vst v1  }
0x2a: {  	v1 =	vld.idx.msk [tilespmem:v3+s10+$0x0], $0xffff  }
0x2b: {  	v2 =	vld.idx.msk [tilespmem:v52+s11+$0x0], $0xffff;
	_ =	sdelay $0x2  }
0x2c: {  	v3 =	vor.u32 s22, v9;
	_ =	sdelay $0x1  }
0x2d: {  	v1 =	vadd.f32 v2, v1;
	_ =	sdelay $0x1  }
0x2e: {  	v10 =	vld [tilespmem:$0x1FF40];
	[tilespmem:s21+$0xFFFFF9D0] =	vst v1  }
0x2f: {  	v1 =	vld.idx.msk [tilespmem:v3+s10+$0x0], $0xffff  }
0x30: {  	v2 =	vld.idx.msk [tilespmem:v52+s11+$0x0], $0xffff;
	_ =	sdelay $0x2  }
0x31: {  	v3 =	vor.u32 s22, v10;
	_ =	sdelay $0x1  }
0x32: {  	v1 =	vadd.f32 v2, v1;
	_ =	sdelay $0x1  }
0x33: {  	v11 =	vld [tilespmem:$0x1FF50];
	[tilespmem:s21+$0xFFFFF9E0] =	vst v1  }
0x34: {  	v1 =	vld.idx.msk [tilespmem:v3+s10+$0x0], $0xffff  }
0x35: {  	v2 =	vld.idx.msk [tilespmem:v52+s11+$0x0], $0xffff;
	_ =	sdelay $0x2  }
0x36: {  	v3 =	vor.u32 s22, v11;
	_ =	sdelay $0x1  }
0x37: {  	v1 =	vadd.f32 v2, v1;
	_ =	sdelay $0x1  }
0x38: {  	v12 =	vld [tilespmem:$0x1FF60];
	[tilespmem:s21+$0xFFFFF9F0] =	vst v1  }
0x39: {  	v1 =	vld.idx.msk [tilespmem:v3+s10+$0x0], $0xffff  }
0x3a: {  	v2 =	vld.idx.msk [tilespmem:v52+s11+$0x0], $0xffff;
	_ =	sdelay $0x2  }
0x3b: {  	v3 =	vor.u32 s22, v12;
	_ =	sdelay $0x1  }
0x3c: {  	v1 =	vadd.f32 v2, v1;
	_ =	sdelay $0x1  }
0x3d: {  	v13 =	vld [tilespmem:$0x1FF70];
	[tilespmem:s21+$0xFFFFFA00] =	vst v1  }
0x3e: {  	v1 =	vld.idx.msk [tilespmem:v3+s10+$0x0], $0xffff  }
0x3f: {  	v2 =	vld.idx.msk [tilespmem:v52+s11+$0x0], $0xffff;
	_ =	sdelay $0x2  }
0x40: {  	v3 =	vor.u32 s22, v13;
	_ =	sdelay $0x1  }
0x41: {  	v1 =	vadd.f32 v2, v1;
	_ =	sdelay $0x1  }
0x42: {  	v14 =	vld [tilespmem:$0x1FF80];
	[tilespmem:s21+$0xFFFFFA10] =	vst v1  }
0x43: {  	v1 =	vld.idx.msk [tilespmem:v3+s10+$0x0], $0xffff  }
0x44: {  	v2 =	vld.idx.msk [tilespmem:v52+s11+$0x0], $0xffff;
	_ =	sdelay $0x2  }
0x45: {  	v3 =	vor.u32 s22, v14;
	_ =	sdelay $0x1  }
0x46: {  	v1 =	vadd.f32 v2, v1;
	_ =	sdelay $0x1  }
0x47: {  	v15 =	vld [tilespmem:$0x1FF90];
	[tilespmem:s21+$0xFFFFFA20] =	vst v1  }
0x48: {  	v1 =	vld.idx.msk [tilespmem:v3+s10+$0x0], $0xffff  }
0x49: {  	v2 =	vld.idx.msk [tilespmem:v52+s11+$0x0], $0xffff;
	_ =	sdelay $0x2  }
0x4a: {  	v3 =	vor.u32 s22, v15;
	_ =	sdelay $0x1  }
0x4b: {  	v1 =	vadd.f32 v2, v1;
	_ =	sdelay $0x1  }
0x4c: {  	v58 =	vld [tilespmem:$0x1FFA0];
	[tilespmem:s21+$0xFFFFFA30] =	vst v1  }
0x4d: {  	v1 =	vld.idx.msk [tilespmem:v3+s10+$0x0], $0xffff  }
0x4e: {  	v2 =	vld.idx.msk [tilespmem:v52+s11+$0x0], $0xffff;
	_ =	sdelay $0x2  }
0x4f: {  	v3 =	vor.u32 s22, v58;
	_ =	sdelay $0x1  }
0x50: {  	v1 =	vadd.f32 v2, v1;
	_ =	sdelay $0x1  }
0x51: {  	v59 =	vld [tilespmem:$0x1FFB0];
	[tilespmem:s21+$0xFFFFFA40] =	vst v1  }
0x52: {  	v1 =	vld.idx.msk [tilespmem:v3+s10+$0x0], $0xffff  }
0x53: {  	v2 =	vld.idx.msk [tilespmem:v52+s11+$0x0], $0xffff;
	_ =	sdelay $0x2  }
0x54: {  	v3 =	vor.u32 s22, v59;
	_ =	sdelay $0x1  }
0x55: {  	v1 =	vadd.f32 v2, v1;
	_ =	sdelay $0x1  }
0x56: {  	v60 =	vld [tilespmem:$0x1FFC0];
	[tilespmem:s21+$0xFFFFFA50] =	vst v1  }
0x57: {  	v1 =	vld.idx.msk [tilespmem:v3+s10+$0x0], $0xffff  }
0x58: {  	v2 =	vld.idx.msk [tilespmem:v52+s11+$0x0], $0xffff;
	_ =	sdelay $0x2  }
0x59: {  	v3 =	vor.u32 s22, v60;
	_ =	sdelay $0x1  }
0x5a: {  	v1 =	vadd.f32 v2, v1;
	_ =	sdelay $0x1  }
0x5b: {  	v61 =	vld [tilespmem:$0x1FFD0];
	[tilespmem:s21+$0xFFFFFA60] =	vst v1  }
0x5c: {  	v1 =	vld.idx.msk [tilespmem:v3+s10+$0x0], $0xffff  }
0x5d: {  	v2 =	vld.idx.msk [tilespmem:v52+s11+$0x0], $0xffff;
	_ =	sdelay $0x2  }
0x5e: {  	v3 =	vor.u32 s22, v61;
	_ =	sdelay $0x1  }
0x5f: {  	v1 =	vadd.f32 v2, v1;
	_ =	sdelay $0x1  }
0x60: {  	v62 =	vld [tilespmem:$0x1FFE0];
	[tilespmem:s21+$0xFFFFFA70] =	vst v1  }
0x61: {  	v1 =	vld.idx.msk [tilespmem:v3+s10+$0x0], $0xffff  }
0x62: {  	v2 =	vld.idx.msk [tilespmem:v52+s11+$0x0], $0xffff;
	_ =	sdelay $0x2  }
0x63: {  	v3 =	vor.u32 s22, v62;
	_ =	sdelay $0x1  }
0x64: {  	v1 =	vadd.f32 v2, v1;
	_ =	sdelay $0x1  }
0x65: {  	v63 =	vld [tilespmem:$0x1FFF0];
	[tilespmem:s21+$0xFFFFFA80] =	vst v1  }
0x66: {  	v1 =	vld.idx.msk [tilespmem:v3+s10+$0x0], $0xffff  }
0x67: {  	v2 =	vld.idx.msk [tilespmem:v52+s11+$0x0], $0xffff;
	_ =	sdelay $0x2  }
0x68: {  	v3 =	vor.u32 s22, v63;
	_ =	sdelay $0x1  }
0x69: {  	v1 =	vadd.f32 v2, v1;
	_ =	sdelay $0x1  }
0x6a: {  	[tilespmem:s21+$0xFFFFFA90] =	vst v1  }
0x6b: {  	v1 =	vld.idx.msk [tilespmem:v3+s10+$0x0], $0xffff  }
0x6c: {  	v2 =	vld.idx.msk [tilespmem:v52+s11+$0x0], $0xffff;
	_ =	sdelay $0x2  }
0x6d: {  	v3 =	vor.u32 s22, v16;
	_ =	sdelay $0x1  }
0x6e: {  	v1 =	vadd.f32 v2, v1;
	_ =	sdelay $0x1  }
0x6f: {  	[tilespmem:s21+$0xFFFFFAA0] =	vst v1  }
0x70: {  	v1 =	vld.idx.msk [tilespmem:v3+s10+$0x0], $0xffff  }
0x71: {  	v2 =	vld.idx.msk [tilespmem:v52+s11+$0x0], $0xffff;
	_ =	sdelay $0x2  }
0x72: {  	v3 =	vor.u32 s22, v17;
	_ =	sdelay $0x1  }
0x73: {  	v1 =	vadd.f32 v2, v1;
	_ =	sdelay $0x1  }
0x74: {  	[tilespmem:s21+$0xFFFFFAB0] =	vst v1  }
0x75: {  	v1 =	vld.idx.msk [tilespmem:v3+s10+$0x0], $0xffff  }
0x76: {  	v2 =	vld.idx.msk [tilespmem:v52+s11+$0x0], $0xffff;
	_ =	sdelay $0x2  }
0x77: {  	v3 =	vor.u32 s22, v18;
	_ =	sdelay $0x1  }
0x78: {  	v1 =	vadd.f32 v2, v1;
	_ =	sdelay $0x1  }
0x79: {  	[tilespmem:s21+$0xFFFFFAC0] =	vst v1  }
0x7a: {  	v1 =	vld.idx.msk [tilespmem:v3+s10+$0x0], $0xffff  }
0x7b: {  	v2 =	vld.idx.msk [tilespmem:v52+s11+$0x0], $0xffff;
	_ =	sdelay $0x2  }
0x7c: {  	v3 =	vor.u32 s22, v19;
	_ =	sdelay $0x1  }
0x7d: {  	v1 =	vadd.f32 v2, v1;
	_ =	sdelay $0x1  }
0x7e: {  	[tilespmem:s21+$0xFFFFFAD0] =	vst v1  }
0x7f: {  	v1 =	vld.idx.msk [tilespmem:v3+s10+$0x0], $0xffff  }
0x80: {  	v2 =	vld.idx.msk [tilespmem:v52+s11+$0x0], $0xffff;
	_ =	sdelay $0x2  }
0x81: {  	v3 =	vor.u32 s22, v20;
	_ =	sdelay $0x1  }
0x82: {  	v1 =	vadd.f32 v2, v1;
	_ =	sdelay $0x1  }
0x83: {  	[tilespmem:s21+$0xFFFFFAE0] =	vst v1  }
0x84: {  	v1 =	vld.idx.msk [tilespmem:v3+s10+$0x0], $0xffff  }
0x85: {  	v2 =	vld.idx.msk [tilespmem:v52+s11+$0x0], $0xffff;
	_ =	sdelay $0x2  }
0x86: {  	v3 =	vor.u32 s22, v21;
	_ =	sdelay $0x1  }
0x87: {  	v1 =	vadd.f32 v2, v1;
	_ =	sdelay $0x1  }
0x88: {  	[tilespmem:s21+$0xFFFFFAF0] =	vst v1  }
0x89: {  	v1 =	vld.idx.msk [tilespmem:v3+s10+$0x0], $0xffff  }
0x8a: {  	v2 =	vld.idx.msk [tilespmem:v52+s11+$0x0], $0xffff;
	_ =	sdelay $0x2  }
0x8b: {  	v3 =	vor.u32 s22, v22;
	_ =	sdelay $0x1  }
0x8c: {  	v1 =	vadd.f32 v2, v1;
	_ =	sdelay $0x1  }
0x8d: {  	[tilespmem:s21+$0xFFFFFB00] =	vst v1  }
0x8e: {  	v1 =	vld.idx.msk [tilespmem:v3+s10+$0x0], $0xffff  }
0x8f: {  	v2 =	vld.idx.msk [tilespmem:v52+s11+$0x0], $0xffff;
	_ =	sdelay $0x2  }
0x90: {  	v3 =	vor.u32 s22, v23;
	_ =	sdelay $0x1  }
0x91: {  	v1 =	vadd.f32 v2, v1;
	_ =	sdelay $0x1  }
0x92: {  	[tilespmem:s21+$0xFFFFFB10] =	vst v1  }
0x93: {  	v1 =	vld.idx.msk [tilespmem:v3+s10+$0x0], $0xffff  }
0x94: {  	v2 =	vld.idx.msk [tilespmem:v52+s11+$0x0], $0xffff;
	_ =	sdelay $0x2  }
0x95: {  	v3 =	vor.u32 s22, v24;
	_ =	sdelay $0x1  }
0x96: {  	v1 =	vadd.f32 v2, v1;
	_ =	sdelay $0x1  }
0x97: {  	[tilespmem:s21+$0xFFFFFB20] =	vst v1  }
0x98: {  	v1 =	vld.idx.msk [tilespmem:v3+s10+$0x0], $0xffff  }
0x99: {  	v2 =	vld.idx.msk [tilespmem:v52+s11+$0x0], $0xffff;
	_ =	sdelay $0x2  }
0x9a: {  	v3 =	vor.u32 s22, v25;
	_ =	sdelay $0x1  }
0x9b: {  	v1 =	vadd.f32 v2, v1;
	_ =	sdelay $0x1  }
0x9c: {  	[tilespmem:s21+$0xFFFFFB30] =	vst v1  }
0x9d: {  	v1 =	vld.idx.msk [tilespmem:v3+s10+$0x0], $0xffff  }
0x9e: {  	v2 =	vld.idx.msk [tilespmem:v52+s11+$0x0], $0xffff;
	_ =	sdelay $0x2  }
0x9f: {  	v3 =	vor.u32 s22, v26;
	_ =	sdelay $0x1  }
0xa0: {  	v1 =	vadd.f32 v2, v1;
	_ =	sdelay $0x1  }
0xa1: {  	[tilespmem:s21+$0xFFFFFB40] =	vst v1  }
0xa2: {  	v1 =	vld.idx.msk [tilespmem:v3+s10+$0x0], $0xffff  }
0xa3: {  	v2 =	vld.idx.msk [tilespmem:v52+s11+$0x0], $0xffff;
	_ =	sdelay $0x2  }
0xa4: {  	v3 =	vor.u32 s22, v27;
	_ =	sdelay $0x1  }
0xa5: {  	v1 =	vadd.f32 v2, v1;
	_ =	sdelay $0x1  }
0xa6: {  	[tilespmem:s21+$0xFFFFFB50] =	vst v1  }
0xa7: {  	v1 =	vld.idx.msk [tilespmem:v3+s10+$0x0], $0xffff  }
0xa8: {  	v2 =	vld.idx.msk [tilespmem:v52+s11+$0x0], $0xffff;
	_ =	sdelay $0x2  }
0xa9: {  	v3 =	vor.u32 s22, v28;
	_ =	sdelay $0x1  }
0xaa: {  	v1 =	vadd.f32 v2, v1;
	_ =	sdelay $0x1  }
0xab: {  	[tilespmem:s21+$0xFFFFFB60] =	vst v1  }
0xac: {  	v1 =	vld.idx.msk [tilespmem:v3+s10+$0x0], $0xffff  }
0xad: {  	v2 =	vld.idx.msk [tilespmem:v52+s11+$0x0], $0xffff;
	_ =	sdelay $0x2  }
0xae: {  	v3 =	vor.u32 s22, v29;
	_ =	sdelay $0x1  }
0xaf: {  	v1 =	vadd.f32 v2, v1;
	_ =	sdelay $0x1  }
0xb0: {  	[tilespmem:s21+$0xFFFFFB70] =	vst v1  }
0xb1: {  	v1 =	vld.idx.msk [tilespmem:v3+s10+$0x0], $0xffff  }
0xb2: {  	v2 =	vld.idx.msk [tilespmem:v52+s11+$0x0], $0xffff;
	_ =	sdelay $0x2  }
0xb3: {  	v3 =	vor.u32 s22, v30;
	_ =	sdelay $0x1  }
0xb4: {  	v1 =	vadd.f32 v2, v1;
	_ =	sdelay $0x1  }
0xb5: {  	[tilespmem:s21+$0xFFFFFB80] =	vst v1  }
0xb6: {  	v1 =	vld.idx.msk [tilespmem:v3+s10+$0x0], $0xffff  }
0xb7: {  	v2 =	vld.idx.msk [tilespmem:v52+s11+$0x0], $0xffff;
	_ =	sdelay $0x2  }
0xb8: {  	v3 =	vor.u32 s22, v31;
	_ =	sdelay $0x1  }
0xb9: {  	v1 =	vadd.f32 v2, v1;
	_ =	sdelay $0x1  }
0xba: {  	[tilespmem:s21+$0xFFFFFB90] =	vst v1  }
0xbb: {  	v1 =	vld.idx.msk [tilespmem:v3+s10+$0x0], $0xffff  }
0xbc: {  	v2 =	vld.idx.msk [tilespmem:v52+s11+$0x0], $0xffff;
	_ =	sdelay $0x2  }
0xbd: {  	v3 =	vor.u32 s22, v32;
	_ =	sdelay $0x1  }
0xbe: {  	v1 =	vadd.f32 v2, v1;
	_ =	sdelay $0x1  }
0xbf: {  	[tilespmem:s21+$0xFFFFFBA0] =	vst v1  }
0xc0: {  	v1 =	vld.idx.msk [tilespmem:v3+s10+$0x0], $0xffff  }
0xc1: {  	v2 =	vld.idx.msk [tilespmem:v52+s11+$0x0], $0xffff;
	_ =	sdelay $0x2  }
0xc2: {  	v3 =	vor.u32 s22, v33;
	_ =	sdelay $0x1  }
0xc3: {  	v1 =	vadd.f32 v2, v1;
	_ =	sdelay $0x1  }
0xc4: {  	[tilespmem:s21+$0xFFFFFBB0] =	vst v1  }
0xc5: {  	v1 =	vld.idx.msk [tilespmem:v3+s10+$0x0], $0xffff  }
0xc6: {  	v2 =	vld.idx.msk [tilespmem:v52+s11+$0x0], $0xffff;
	_ =	sdelay $0x2  }
0xc7: {  	v3 =	vor.u32 s22, v34  }
0xc8: {  	s25 =	sadd.s32 $0x1, s22  }
0xc9: {  	v53 =	vor.u32 s25, v4;
	v1 =	vadd.f32 v2, v1  }
0xca: {  	s23 =	sadd.s32 $0x2, s22;
	v2 =	vor.u32 s25, v0  }
0xcb: {  	v54 =	vor.u32 s23, v4;
	[tilespmem:s21+$0xFFFFFBC0] =	vst v1  }
0xcc: {  	s24 =	sadd.s32 $0x3, s22;
	v1 =	vor.u32 s23, v0;
	v56 =	vld.idx.msk [tilespmem:v3+s10+$0x0], $0xffff  }
0xcd: {  	v55 =	vor.u32 s24, v4;
	v57 =	vld.idx.msk [tilespmem:v52+s11+$0x0], $0xffff  }
0xce: {  	v3 =	vor.u32 s24, v0;
	v4 =	vld.idx.msk [tilespmem:v53+s11+$0x0], $0xffff  }
0xcf: {  	v2 =	vld.idx.msk [tilespmem:v2+s10+$0x0], $0xffff  }
0xd0: {  	v5 =	vld.idx.msk [tilespmem:v54+s11+$0x0], $0xffff  }
0xd1: {  	v1 =	vld.idx.msk [tilespmem:v1+s10+$0x0], $0xffff  }
0xd2: {  	v6 =	vor.u32 s25, v8;
	v7 =	vld.idx.msk [tilespmem:v55+s11+$0x0], $0xffff  }
0xd3: {  	v3 =	vld.idx.msk [tilespmem:v3+s10+$0x0], $0xffff  }
0xd4: {  	v2 =	vadd.f32 v4, v2;
	v4 =	vor.u32 s23, v8;
	_ =	sdelay $0x1  }
0xd5: {  	[tilespmem:s21+$0xFFFFFCE0] =	vst v2;
	v1 =	vadd.f32 v5, v1;
	v2 =	vor.u32 s24, v8  }
0xd6: {  	v5 =	vld.idx.msk [tilespmem:v6+s10+$0x0], $0xffff  }
0xd7: {  	v6 =	vld.idx.msk [tilespmem:v53+s11+$0x0], $0xffff;
	[tilespmem:s21+$0x0] =	vst v1;
	v1 =	vadd.f32 v7, v3  }
0xd8: {  	v3 =	vld.idx.msk [tilespmem:v4+s10+$0x0], $0xffff  }
0xd9: {  	v4 =	vld.idx.msk [tilespmem:v54+s11+$0x0], $0xffff;
	[tilespmem:s21+$0x320] =	vst v1  }
0xda: {  	v1 =	vor.u32 s25, v9;
	v2 =	vld.idx.msk [tilespmem:v2+s10+$0x0], $0xffff  }
0xdb: {  	v7 =	vld.idx.msk [tilespmem:v55+s11+$0x0], $0xffff  }
0xdc: {  	s26 =	sadd.s32 $0xFFFFF6E0, s20;
	v5 =	vadd.f32 v6, v5;
	v6 =	vor.u32 s23, v9  }
0xdd: {  	s28 =	sor.u32 $0x30, s26  }
0xde: {  	s29 =	sadd.s32 $0xFFFFFA00, s20;
	v9 =	vor.u32 s24, v9;
	[tilespmem:s28+$0x6400] =	vst v5;
	v3 =	vadd.f32 v4, v3  }
0xdf: {  	s30 =	sor.u32 $0x50, s29;
	v1 =	vld.idx.msk [tilespmem:v1+s10+$0x0], $0xffff  }
0xe0: {  	s28 =	sadd.s32 $0xFFFFFD20, s20;
	v5 =	vld.idx.msk [tilespmem:v53+s11+$0x0], $0xffff;
	[tilespmem:s30+$0x6400] =	vst v3;
	v2 =	vadd.f32 v7, v2  }
0xe1: {  	s30 =	sor.u32 $0x70, s28;
	v3 =	vld.idx.msk [tilespmem:v6+s10+$0x0], $0xffff  }
0xe2: {  	v6 =	vld.idx.msk [tilespmem:v54+s11+$0x0], $0xffff;
	[tilespmem:s30+$0x6400] =	vst v2  }
0xe3: {  	v2 =	vor.u32 s25, v10;
	v4 =	vld.idx.msk [tilespmem:v9+s10+$0x0], $0xffff  }
0xe4: {  	v7 =	vld.idx.msk [tilespmem:v55+s11+$0x0], $0xffff  }
0xe5: {  	v9 =	vor.u32 s23, v10;
	v1 =	vadd.f32 v5, v1;
	_ =	sdelay $0x1  }
0xe6: {  	[tilespmem:s21+$0xFFFFFD00] =	vst v1;
	v1 =	vadd.f32 v6, v3;
	v3 =	vor.u32 s24, v10  }
0xe7: {  	s31 =	sor.u32 $0x60, s29;
	v2 =	vld.idx.msk [tilespmem:v2+s10+$0x0], $0xffff  }
0xe8: {  	v10 =	vld.idx.msk [tilespmem:v53+s11+$0x0], $0xffff;
	[tilespmem:s31+$0x6400] =	vst v1;
	v1 =	vadd.f32 v7, v4  }
0xe9: {  	v4 =	vld.idx.msk [tilespmem:v9+s10+$0x0], $0xffff  }
0xea: {  	v9 =	vld.idx.msk [tilespmem:v54+s11+$0x0], $0xffff;
	[tilespmem:s21+$0x340] =	vst v1  }
0xeb: {  	v1 =	vor.u32 s25, v11;
	v3 =	vld.idx.msk [tilespmem:v3+s10+$0x0], $0xffff  }
0xec: {  	v7 =	vld.idx.msk [tilespmem:v55+s11+$0x0], $0xffff  }
0xed: {  	s31 =	sadd.s32 $0xFFFFF700, s20;
	v2 =	vadd.f32 v10, v2;
	v10 =	vor.u32 s23, v11  }
0xee: {  	s30 =	sor.u32 $0x50, s31  }
0xef: {  	v11 =	vor.u32 s24, v11;
	[tilespmem:s30+$0x6400] =	vst v2;
	v2 =	vadd.f32 v9, v4  }
0xf0: {  	s29 =	sor.u32 $0x70, s29;
	v1 =	vld.idx.msk [tilespmem:v1+s10+$0x0], $0xffff  }
0xf1: {  	v9 =	vld.idx.msk [tilespmem:v53+s11+$0x0], $0xffff;
	[tilespmem:s29+$0x6400] =	vst v2;
	v2 =	vadd.f32 v7, v3  }
0xf2: {  	v3 =	vld.idx.msk [tilespmem:v10+s10+$0x0], $0xffff  }
0xf3: {  	v10 =	vld.idx.msk [tilespmem:v54+s11+$0x0], $0xffff;
	[tilespmem:s21+$0x350] =	vst v2  }
0xf4: {  	v2 =	vor.u32 s25, v12;
	v4 =	vld.idx.msk [tilespmem:v11+s10+$0x0], $0xffff  }
0xf5: {  	v11 =	vld.idx.msk [tilespmem:v55+s11+$0x0], $0xffff  }
0xf6: {  	v1 =	vadd.f32 v9, v1;
	v9 =	vor.u32 s23, v12  }
0xf7: {  	s30 =	sor.u32 $0x60, s26  }
0xf8: {  	[tilespmem:s30+$0x6400] =	vst v1;
	v1 =	vadd.f32 v10, v3;
	v3 =	vor.u32 s24, v12  }
0xf9: {  	v2 =	vld.idx.msk [tilespmem:v2+s10+$0x0], $0xffff  }
0xfa: {  	v10 =	vld.idx.msk [tilespmem:v53+s11+$0x0], $0xffff;
	[tilespmem:s21+$0x40] =	vst v1;
	v1 =	vadd.f32 v11, v4  }
0xfb: {  	v11 =	vld.idx.msk [tilespmem:v9+s10+$0x0], $0xffff  }
0xfc: {  	v12 =	vld.idx.msk [tilespmem:v54+s11+$0x0], $0xffff;
	[tilespmem:s21+$0x360] =	vst v1  }
0xfd: {  	v1 =	vor.u32 s25, v13;
	v3 =	vld.idx.msk [tilespmem:v3+s10+$0x0], $0xffff  }
0xfe: {  	v9 =	vld.idx.msk [tilespmem:v55+s11+$0x0], $0xffff  }
0xff: {  	v2 =	vadd.f32 v10, v2;
	v10 =	vor.u32 s23, v13  }
0x100: {  	s26 =	sor.u32 $0x70, s26  }
0x101: {  	[tilespmem:s26+$0x6400] =	vst v2;
	v2 =	vadd.f32 v12, v11;
	v11 =	vor.u32 s24, v13  }
0x102: {  	v1 =	vld.idx.msk [tilespmem:v1+s10+$0x0], $0xffff  }
0x103: {  	v12 =	vld.idx.msk [tilespmem:v53+s11+$0x0], $0xffff;
	[tilespmem:s21+$0x50] =	vst v2;
	v2 =	vadd.f32 v9, v3  }
0x104: {  	s26 =	sor.u32 $0x30, s28;
	v3 =	vld.idx.msk [tilespmem:v10+s10+$0x0], $0xffff  }
0x105: {  	v13 =	vld.idx.msk [tilespmem:v54+s11+$0x0], $0xffff;
	[tilespmem:s26+$0x6440] =	vst v2  }
0x106: {  	v2 =	vor.u32 s25, v14;
	v4 =	vld.idx.msk [tilespmem:v11+s10+$0x0], $0xffff  }
0x107: {  	v9 =	vld.idx.msk [tilespmem:v55+s11+$0x0], $0xffff  }
0x108: {  	v10 =	vor.u32 s23, v14;
	v1 =	vadd.f32 v12, v1;
	_ =	sdelay $0x1  }
0x109: {  	[tilespmem:s21+$0xFFFFFD40] =	vst v1;
	v1 =	vadd.f32 v13, v3;
	v3 =	vor.u32 s24, v14  }
0x10a: {  	v2 =	vld.idx.msk [tilespmem:v2+s10+$0x0], $0xffff  }
0x10b: {  	v11 =	vld.idx.msk [tilespmem:v53+s11+$0x0], $0xffff;
	[tilespmem:s21+$0x60] =	vst v1;
	v1 =	vadd.f32 v9, v4  }
0x10c: {  	v12 =	vld.idx.msk [tilespmem:v10+s10+$0x0], $0xffff  }
0x10d: {  	v13 =	vld.idx.msk [tilespmem:v54+s11+$0x0], $0xffff;
	[tilespmem:s21+$0x380] =	vst v1  }
0x10e: {  	v1 =	vor.u32 s25, v15;
	v3 =	vld.idx.msk [tilespmem:v3+s10+$0x0], $0xffff  }
0x10f: {  	v14 =	vld.idx.msk [tilespmem:v55+s11+$0x0], $0xffff  }
0x110: {  	v9 =	vor.u32 s23, v15;
	v2 =	vadd.f32 v11, v2;
	_ =	sdelay $0x1  }
0x111: {  	v10 =	vor.u32 s24, v15;
	[tilespmem:s21+$0xFFFFFD50] =	vst v2;
	v2 =	vadd.f32 v13, v12  }
0x112: {  	v1 =	vld.idx.msk [tilespmem:v1+s10+$0x0], $0xffff  }
0x113: {  	s31 =	sadd.s32 $0xFFFFFD80, s20;
	v11 =	vld.idx.msk [tilespmem:v53+s11+$0x0], $0xffff;
	[tilespmem:s21+$0x70] =	vst v2;
	v2 =	vadd.f32 v14, v3  }
0x114: {  	s28 =	sor.u32 $0x50, s31;
	v3 =	vld.idx.msk [tilespmem:v9+s10+$0x0], $0xffff  }
0x115: {  	v12 =	vld.idx.msk [tilespmem:v54+s11+$0x0], $0xffff;
	[tilespmem:s28+$0x6400] =	vst v2  }
0x116: {  	v2 =	vor.u32 s25, v58;
	v4 =	vld.idx.msk [tilespmem:v10+s10+$0x0], $0xffff  }
0x117: {  	v13 =	vld.idx.msk [tilespmem:v55+s11+$0x0], $0xffff  }
0x118: {  	v14 =	vor.u32 s23, v58;
	v1 =	vadd.f32 v11, v1;
	_ =	sdelay $0x1  }
0x119: {  	[tilespmem:s21+$0xFFFFFD60] =	vst v1;
	v1 =	vadd.f32 v12, v3;
	v3 =	vor.u32 s24, v58  }
0x11a: {  	v2 =	vld.idx.msk [tilespmem:v2+s10+$0x0], $0xffff  }
0x11b: {  	v58 =	vld.idx.msk [tilespmem:v53+s11+$0x0], $0xffff;
	[tilespmem:s21+$0x80] =	vst v1;
	v1 =	vadd.f32 v13, v4  }
0x11c: {  	v9 =	vld.idx.msk [tilespmem:v14+s10+$0x0], $0xffff  }
0x11d: {  	v10 =	vld.idx.msk [tilespmem:v54+s11+$0x0], $0xffff;
	[tilespmem:s21+$0x3A0] =	vst v1  }
0x11e: {  	v1 =	vor.u32 s25, v59;
	v3 =	vld.idx.msk [tilespmem:v3+s10+$0x0], $0xffff  }
0x11f: {  	v11 =	vld.idx.msk [tilespmem:v55+s11+$0x0], $0xffff  }
0x120: {  	v12 =	vor.u32 s23, v59;
	v2 =	vadd.f32 v58, v2;
	_ =	sdelay $0x1  }
0x121: {  	v13 =	vor.u32 s24, v59;
	[tilespmem:s21+$0xFFFFFD70] =	vst v2;
	v2 =	vadd.f32 v10, v9  }
0x122: {  	v1 =	vld.idx.msk [tilespmem:v1+s10+$0x0], $0xffff  }
0x123: {  	v14 =	vld.idx.msk [tilespmem:v53+s11+$0x0], $0xffff;
	[tilespmem:s21+$0x90] =	vst v2;
	v2 =	vadd.f32 v11, v3  }
0x124: {  	v3 =	vld.idx.msk [tilespmem:v12+s10+$0x0], $0xffff  }
0x125: {  	v58 =	vld.idx.msk [tilespmem:v54+s11+$0x0], $0xffff;
	[tilespmem:s21+$0x3B0] =	vst v2  }
0x126: {  	v2 =	vor.u32 s25, v60;
	v4 =	vld.idx.msk [tilespmem:v13+s10+$0x0], $0xffff  }
0x127: {  	v59 =	vld.idx.msk [tilespmem:v55+s11+$0x0], $0xffff  }
0x128: {  	v9 =	vor.u32 s23, v60;
	v1 =	vadd.f32 v14, v1;
	_ =	sdelay $0x1  }
0x129: {  	[tilespmem:s21+$0xFFFFFD80] =	vst v1;
	v1 =	vadd.f32 v58, v3;
	v3 =	vor.u32 s24, v60  }
0x12a: {  	v2 =	vld.idx.msk [tilespmem:v2+s10+$0x0], $0xffff  }
0x12b: {  	v10 =	vld.idx.msk [tilespmem:v53+s11+$0x0], $0xffff;
	[tilespmem:s21+$0xA0] =	vst v1;
	v1 =	vadd.f32 v59, v4  }
0x12c: {  	v11 =	vld.idx.msk [tilespmem:v9+s10+$0x0], $0xffff  }
0x12d: {  	v12 =	vld.idx.msk [tilespmem:v54+s11+$0x0], $0xffff;
	[tilespmem:s21+$0x3C0] =	vst v1  }
0x12e: {  	v1 =	vor.u32 s25, v61;
	v3 =	vld.idx.msk [tilespmem:v3+s10+$0x0], $0xffff  }
0x12f: {  	v13 =	vld.idx.msk [tilespmem:v55+s11+$0x0], $0xffff  }
0x130: {  	s29 =	sadd.s32 $0xFFFFF780, s20;
	v14 =	vor.u32 s23, v61;
	v2 =	vadd.f32 v10, v2  }
0x131: {  	s28 =	sor.u32 $0x50, s29  }
0x132: {  	v58 =	vor.u32 s24, v61;
	[tilespmem:s28+$0x6400] =	vst v2;
	v2 =	vadd.f32 v12, v11  }
0x133: {  	v1 =	vld.idx.msk [tilespmem:v1+s10+$0x0], $0xffff  }
0x134: {  	v59 =	vld.idx.msk [tilespmem:v53+s11+$0x0], $0xffff;
	[tilespmem:s21+$0xB0] =	vst v2;
	v2 =	vadd.f32 v13, v3  }
0x135: {  	v3 =	vld.idx.msk [tilespmem:v14+s10+$0x0], $0xffff  }
0x136: {  	v60 =	vld.idx.msk [tilespmem:v54+s11+$0x0], $0xffff;
	[tilespmem:s21+$0x3D0] =	vst v2  }
0x137: {  	v2 =	vor.u32 s25, v62;
	v4 =	vld.idx.msk [tilespmem:v58+s10+$0x0], $0xffff  }
0x138: {  	v61 =	vld.idx.msk [tilespmem:v55+s11+$0x0], $0xffff  }
0x139: {  	v9 =	vor.u32 s23, v62;
	v1 =	vadd.f32 v59, v1;
	_ =	sdelay $0x1  }
0x13a: {  	[tilespmem:s21+$0xFFFFFDA0] =	vst v1;
	v1 =	vadd.f32 v60, v3;
	v3 =	vor.u32 s24, v62  }
0x13b: {  	v2 =	vld.idx.msk [tilespmem:v2+s10+$0x0], $0xffff  }
0x13c: {  	v10 =	vld.idx.msk [tilespmem:v53+s11+$0x0], $0xffff;
	[tilespmem:s21+$0xC0] =	vst v1;
	v1 =	vadd.f32 v61, v4  }
0x13d: {  	v11 =	vld.idx.msk [tilespmem:v9+s10+$0x0], $0xffff  }
0x13e: {  	v12 =	vld.idx.msk [tilespmem:v54+s11+$0x0], $0xffff;
	[tilespmem:s21+$0x3E0] =	vst v1  }
0x13f: {  	v1 =	vor.u32 s25, v63;
	v3 =	vld.idx.msk [tilespmem:v3+s10+$0x0], $0xffff  }
0x140: {  	v13 =	vld.idx.msk [tilespmem:v55+s11+$0x0], $0xffff  }
0x141: {  	s30 =	sadd.s32 $0xFFFFF7A0, s20;
	v14 =	vor.u32 s23, v63;
	v2 =	vadd.f32 v10, v2  }
0x142: {  	s28 =	sor.u32 $0x70, s30  }
0x143: {  	v58 =	vor.u32 s24, v63;
	[tilespmem:s28+$0x6400] =	vst v2;
	v2 =	vadd.f32 v12, v11  }
0x144: {  	v1 =	vld.idx.msk [tilespmem:v1+s10+$0x0], $0xffff  }
0x145: {  	v59 =	vld.idx.msk [tilespmem:v53+s11+$0x0], $0xffff;
	[tilespmem:s21+$0xD0] =	vst v2;
	v2 =	vadd.f32 v13, v3  }
0x146: {  	v3 =	vld.idx.msk [tilespmem:v14+s10+$0x0], $0xffff  }
0x147: {  	v60 =	vld.idx.msk [tilespmem:v54+s11+$0x0], $0xffff;
	[tilespmem:s26+$0x64C0] =	vst v2  }
0x148: {  	v2 =	vor.u32 s25, v16;
	v4 =	vld.idx.msk [tilespmem:v58+s10+$0x0], $0xffff  }
0x149: {  	v61 =	vld.idx.msk [tilespmem:v55+s11+$0x0], $0xffff  }
0x14a: {  	v62 =	vor.u32 s23, v16;
	v1 =	vadd.f32 v59, v1;
	_ =	sdelay $0x1  }
0x14b: {  	[tilespmem:s21+$0xFFFFFDC0] =	vst v1;
	v1 =	vadd.f32 v60, v3;
	v3 =	vor.u32 s24, v16  }
0x14c: {  	v2 =	vld.idx.msk [tilespmem:v2+s10+$0x0], $0xffff  }
0x14d: {  	v63 =	vld.idx.msk [tilespmem:v53+s11+$0x0], $0xffff;
	[tilespmem:s21+$0xE0] =	vst v1;
	v1 =	vadd.f32 v61, v4  }
0x14e: {  	v9 =	vld.idx.msk [tilespmem:v62+s10+$0x0], $0xffff  }
0x14f: {  	v10 =	vld.idx.msk [tilespmem:v54+s11+$0x0], $0xffff;
	[tilespmem:s21+$0x400] =	vst v1  }
0x150: {  	v1 =	vor.u32 s25, v17;
	v3 =	vld.idx.msk [tilespmem:v3+s10+$0x0], $0xffff  }
0x151: {  	v11 =	vld.idx.msk [tilespmem:v55+s11+$0x0], $0xffff  }
0x152: {  	v12 =	vor.u32 s23, v17;
	v2 =	vadd.f32 v63, v2;
	_ =	sdelay $0x1  }
0x153: {  	v13 =	vor.u32 s24, v17;
	[tilespmem:s21+$0xFFFFFDD0] =	vst v2;
	v2 =	vadd.f32 v10, v9  }
0x154: {  	v1 =	vld.idx.msk [tilespmem:v1+s10+$0x0], $0xffff  }
0x155: {  	s31 =	sadd.s32 $0xFFFFFE00, s20;
	v14 =	vld.idx.msk [tilespmem:v53+s11+$0x0], $0xffff;
	[tilespmem:s21+$0xF0] =	vst v2;
	v2 =	vadd.f32 v11, v3  }
0x156: {  	s28 =	sor.u32 $0x50, s31;
	v3 =	vld.idx.msk [tilespmem:v12+s10+$0x0], $0xffff  }
0x157: {  	v58 =	vld.idx.msk [tilespmem:v54+s11+$0x0], $0xffff;
	[tilespmem:s28+$0x6400] =	vst v2  }
0x158: {  	v2 =	vor.u32 s25, v18;
	v4 =	vld.idx.msk [tilespmem:v13+s10+$0x0], $0xffff  }
0x159: {  	v59 =	vld.idx.msk [tilespmem:v55+s11+$0x0], $0xffff  }
0x15a: {  	v60 =	vor.u32 s23, v18;
	v1 =	vadd.f32 v14, v1;
	_ =	sdelay $0x1  }
0x15b: {  	[tilespmem:s21+$0xFFFFFDE0] =	vst v1;
	v1 =	vadd.f32 v58, v3;
	v3 =	vor.u32 s24, v18  }
0x15c: {  	v2 =	vld.idx.msk [tilespmem:v2+s10+$0x0], $0xffff  }
0x15d: {  	v61 =	vld.idx.msk [tilespmem:v53+s11+$0x0], $0xffff;
	[tilespmem:s21+$0x100] =	vst v1;
	v1 =	vadd.f32 v59, v4  }
0x15e: {  	v62 =	vld.idx.msk [tilespmem:v60+s10+$0x0], $0xffff  }
0x15f: {  	v63 =	vld.idx.msk [tilespmem:v54+s11+$0x0], $0xffff;
	[tilespmem:s21+$0x420] =	vst v1  }
0x160: {  	v1 =	vor.u32 s25, v19;
	v3 =	vld.idx.msk [tilespmem:v3+s10+$0x0], $0xffff  }
0x161: {  	v9 =	vld.idx.msk [tilespmem:v55+s11+$0x0], $0xffff  }
0x162: {  	v10 =	vor.u32 s23, v19;
	v2 =	vadd.f32 v61, v2;
	_ =	sdelay $0x1  }
0x163: {  	v11 =	vor.u32 s24, v19;
	[tilespmem:s21+$0xFFFFFDF0] =	vst v2;
	v2 =	vadd.f32 v63, v62  }
0x164: {  	v1 =	vld.idx.msk [tilespmem:v1+s10+$0x0], $0xffff  }
0x165: {  	v12 =	vld.idx.msk [tilespmem:v53+s11+$0x0], $0xffff;
	[tilespmem:s21+$0x110] =	vst v2;
	v2 =	vadd.f32 v9, v3  }
0x166: {  	v3 =	vld.idx.msk [tilespmem:v10+s10+$0x0], $0xffff  }
0x167: {  	v13 =	vld.idx.msk [tilespmem:v54+s11+$0x0], $0xffff;
	[tilespmem:s21+$0x430] =	vst v2  }
0x168: {  	v2 =	vor.u32 s25, v20;
	v4 =	vld.idx.msk [tilespmem:v11+s10+$0x0], $0xffff  }
0x169: {  	v14 =	vld.idx.msk [tilespmem:v55+s11+$0x0], $0xffff  }
0x16a: {  	v58 =	vor.u32 s23, v20;
	v1 =	vadd.f32 v12, v1;
	_ =	sdelay $0x1  }
0x16b: {  	[tilespmem:s21+$0xFFFFFE00] =	vst v1;
	v1 =	vadd.f32 v13, v3;
	v3 =	vor.u32 s24, v20  }
0x16c: {  	v2 =	vld.idx.msk [tilespmem:v2+s10+$0x0], $0xffff  }
0x16d: {  	v59 =	vld.idx.msk [tilespmem:v53+s11+$0x0], $0xffff;
	[tilespmem:s21+$0x120] =	vst v1;
	v1 =	vadd.f32 v14, v4  }
0x16e: {  	v60 =	vld.idx.msk [tilespmem:v58+s10+$0x0], $0xffff  }
0x16f: {  	v61 =	vld.idx.msk [tilespmem:v54+s11+$0x0], $0xffff;
	[tilespmem:s21+$0x440] =	vst v1  }
0x170: {  	v1 =	vor.u32 s25, v21;
	v3 =	vld.idx.msk [tilespmem:v3+s10+$0x0], $0xffff  }
0x171: {  	v62 =	vld.idx.msk [tilespmem:v55+s11+$0x0], $0xffff  }
0x172: {  	s29 =	sadd.s32 $0xFFFFF800, s20;
	v63 =	vor.u32 s23, v21;
	v2 =	vadd.f32 v59, v2  }
0x173: {  	s28 =	sor.u32 $0x50, s29  }
0x174: {  	v9 =	vor.u32 s24, v21;
	[tilespmem:s28+$0x6400] =	vst v2;
	v2 =	vadd.f32 v61, v60  }
0x175: {  	v1 =	vld.idx.msk [tilespmem:v1+s10+$0x0], $0xffff  }
0x176: {  	v10 =	vld.idx.msk [tilespmem:v53+s11+$0x0], $0xffff;
	[tilespmem:s21+$0x130] =	vst v2;
	v2 =	vadd.f32 v62, v3  }
0x177: {  	v3 =	vld.idx.msk [tilespmem:v63+s10+$0x0], $0xffff  }
0x178: {  	v11 =	vld.idx.msk [tilespmem:v54+s11+$0x0], $0xffff;
	[tilespmem:s21+$0x450] =	vst v2  }
0x179: {  	v2 =	vor.u32 s25, v22;
	v4 =	vld.idx.msk [tilespmem:v9+s10+$0x0], $0xffff  }
0x17a: {  	v12 =	vld.idx.msk [tilespmem:v55+s11+$0x0], $0xffff  }
0x17b: {  	v13 =	vor.u32 s23, v22;
	v1 =	vadd.f32 v10, v1;
	_ =	sdelay $0x1  }
0x17c: {  	[tilespmem:s21+$0xFFFFFE20] =	vst v1;
	v1 =	vadd.f32 v11, v3;
	v3 =	vor.u32 s24, v22  }
0x17d: {  	v2 =	vld.idx.msk [tilespmem:v2+s10+$0x0], $0xffff  }
0x17e: {  	v14 =	vld.idx.msk [tilespmem:v53+s11+$0x0], $0xffff;
	[tilespmem:s21+$0x140] =	vst v1;
	v1 =	vadd.f32 v12, v4  }
0x17f: {  	v58 =	vld.idx.msk [tilespmem:v13+s10+$0x0], $0xffff  }
0x180: {  	v59 =	vld.idx.msk [tilespmem:v54+s11+$0x0], $0xffff;
	[tilespmem:s21+$0x460] =	vst v1  }
0x181: {  	v1 =	vor.u32 s25, v23;
	v3 =	vld.idx.msk [tilespmem:v3+s10+$0x0], $0xffff  }
0x182: {  	v60 =	vld.idx.msk [tilespmem:v55+s11+$0x0], $0xffff  }
0x183: {  	s30 =	sadd.s32 $0xFFFFF820, s20;
	v61 =	vor.u32 s23, v23;
	v2 =	vadd.f32 v14, v2  }
0x184: {  	s28 =	sor.u32 $0x70, s30  }
0x185: {  	v62 =	vor.u32 s24, v23;
	[tilespmem:s28+$0x6400] =	vst v2;
	v2 =	vadd.f32 v59, v58  }
0x186: {  	v1 =	vld.idx.msk [tilespmem:v1+s10+$0x0], $0xffff  }
0x187: {  	v63 =	vld.idx.msk [tilespmem:v53+s11+$0x0], $0xffff;
	[tilespmem:s21+$0x150] =	vst v2;
	v2 =	vadd.f32 v60, v3  }
0x188: {  	v3 =	vld.idx.msk [tilespmem:v61+s10+$0x0], $0xffff  }
0x189: {  	v9 =	vld.idx.msk [tilespmem:v54+s11+$0x0], $0xffff;
	[tilespmem:s26+$0x6540] =	vst v2  }
0x18a: {  	v2 =	vor.u32 s25, v24;
	v4 =	vld.idx.msk [tilespmem:v62+s10+$0x0], $0xffff  }
0x18b: {  	v10 =	vld.idx.msk [tilespmem:v55+s11+$0x0], $0xffff  }
0x18c: {  	v11 =	vor.u32 s23, v24;
	v1 =	vadd.f32 v63, v1;
	_ =	sdelay $0x1  }
0x18d: {  	[tilespmem:s21+$0xFFFFFE40] =	vst v1;
	v1 =	vadd.f32 v9, v3;
	v3 =	vor.u32 s24, v24  }
0x18e: {  	v2 =	vld.idx.msk [tilespmem:v2+s10+$0x0], $0xffff  }
0x18f: {  	v12 =	vld.idx.msk [tilespmem:v53+s11+$0x0], $0xffff;
	[tilespmem:s21+$0x160] =	vst v1;
	v1 =	vadd.f32 v10, v4  }
0x190: {  	v13 =	vld.idx.msk [tilespmem:v11+s10+$0x0], $0xffff  }
0x191: {  	v14 =	vld.idx.msk [tilespmem:v54+s11+$0x0], $0xffff;
	[tilespmem:s21+$0x480] =	vst v1  }
0x192: {  	v1 =	vor.u32 s25, v25;
	v3 =	vld.idx.msk [tilespmem:v3+s10+$0x0], $0xffff  }
0x193: {  	v58 =	vld.idx.msk [tilespmem:v55+s11+$0x0], $0xffff  }
0x194: {  	v59 =	vor.u32 s23, v25;
	v2 =	vadd.f32 v12, v2;
	_ =	sdelay $0x1  }
0x195: {  	v60 =	vor.u32 s24, v25;
	[tilespmem:s21+$0xFFFFFE50] =	vst v2;
	v2 =	vadd.f32 v14, v13  }
0x196: {  	v1 =	vld.idx.msk [tilespmem:v1+s10+$0x0], $0xffff  }
0x197: {  	s31 =	sadd.s32 $0xFFFFFE80, s20;
	v61 =	vld.idx.msk [tilespmem:v53+s11+$0x0], $0xffff;
	[tilespmem:s21+$0x170] =	vst v2;
	v2 =	vadd.f32 v58, v3  }
0x198: {  	s28 =	sor.u32 $0x50, s31;
	v3 =	vld.idx.msk [tilespmem:v59+s10+$0x0], $0xffff  }
0x199: {  	v62 =	vld.idx.msk [tilespmem:v54+s11+$0x0], $0xffff;
	[tilespmem:s28+$0x6400] =	vst v2  }
0x19a: {  	v2 =	vor.u32 s25, v26;
	v4 =	vld.idx.msk [tilespmem:v60+s10+$0x0], $0xffff  }
0x19b: {  	v63 =	vld.idx.msk [tilespmem:v55+s11+$0x0], $0xffff  }
0x19c: {  	v9 =	vor.u32 s23, v26;
	v1 =	vadd.f32 v61, v1;
	_ =	sdelay $0x1  }
0x19d: {  	[tilespmem:s21+$0xFFFFFE60] =	vst v1;
	v1 =	vadd.f32 v62, v3;
	v3 =	vor.u32 s24, v26  }
0x19e: {  	v2 =	vld.idx.msk [tilespmem:v2+s10+$0x0], $0xffff  }
0x19f: {  	v10 =	vld.idx.msk [tilespmem:v53+s11+$0x0], $0xffff;
	[tilespmem:s21+$0x180] =	vst v1;
	v1 =	vadd.f32 v63, v4  }
0x1a0: {  	v11 =	vld.idx.msk [tilespmem:v9+s10+$0x0], $0xffff  }
0x1a1: {  	v12 =	vld.idx.msk [tilespmem:v54+s11+$0x0], $0xffff;
	[tilespmem:s21+$0x4A0] =	vst v1  }
0x1a2: {  	v1 =	vor.u32 s25, v27;
	v3 =	vld.idx.msk [tilespmem:v3+s10+$0x0], $0xffff  }
0x1a3: {  	v13 =	vld.idx.msk [tilespmem:v55+s11+$0x0], $0xffff  }
0x1a4: {  	v14 =	vor.u32 s23, v27;
	v2 =	vadd.f32 v10, v2;
	_ =	sdelay $0x1  }
0x1a5: {  	v58 =	vor.u32 s24, v27;
	[tilespmem:s21+$0xFFFFFE70] =	vst v2;
	v2 =	vadd.f32 v12, v11  }
0x1a6: {  	v1 =	vld.idx.msk [tilespmem:v1+s10+$0x0], $0xffff  }
0x1a7: {  	v59 =	vld.idx.msk [tilespmem:v53+s11+$0x0], $0xffff;
	[tilespmem:s21+$0x190] =	vst v2;
	v2 =	vadd.f32 v13, v3  }
0x1a8: {  	v3 =	vld.idx.msk [tilespmem:v14+s10+$0x0], $0xffff  }
0x1a9: {  	v60 =	vld.idx.msk [tilespmem:v54+s11+$0x0], $0xffff;
	[tilespmem:s21+$0x4B0] =	vst v2  }
0x1aa: {  	v2 =	vor.u32 s25, v28;
	v4 =	vld.idx.msk [tilespmem:v58+s10+$0x0], $0xffff  }
0x1ab: {  	v61 =	vld.idx.msk [tilespmem:v55+s11+$0x0], $0xffff  }
0x1ac: {  	v62 =	vor.u32 s23, v28;
	v1 =	vadd.f32 v59, v1;
	_ =	sdelay $0x1  }
0x1ad: {  	[tilespmem:s21+$0xFFFFFE80] =	vst v1;
	v1 =	vadd.f32 v60, v3;
	v3 =	vor.u32 s24, v28  }
0x1ae: {  	v2 =	vld.idx.msk [tilespmem:v2+s10+$0x0], $0xffff  }
0x1af: {  	v63 =	vld.idx.msk [tilespmem:v53+s11+$0x0], $0xffff;
	[tilespmem:s21+$0x1A0] =	vst v1;
	v1 =	vadd.f32 v61, v4  }
0x1b0: {  	v9 =	vld.idx.msk [tilespmem:v62+s10+$0x0], $0xffff  }
0x1b1: {  	v10 =	vld.idx.msk [tilespmem:v54+s11+$0x0], $0xffff;
	[tilespmem:s21+$0x4C0] =	vst v1  }
0x1b2: {  	v1 =	vor.u32 s25, v29;
	v3 =	vld.idx.msk [tilespmem:v3+s10+$0x0], $0xffff  }
0x1b3: {  	v11 =	vld.idx.msk [tilespmem:v55+s11+$0x0], $0xffff  }
0x1b4: {  	s29 =	sadd.s32 $0xFFFFF880, s20;
	v12 =	vor.u32 s23, v29;
	v2 =	vadd.f32 v63, v2  }
0x1b5: {  	s28 =	sor.u32 $0x50, s29  }
0x1b6: {  	v13 =	vor.u32 s24, v29;
	[tilespmem:s28+$0x6400] =	vst v2;
	v2 =	vadd.f32 v10, v9  }
0x1b7: {  	v1 =	vld.idx.msk [tilespmem:v1+s10+$0x0], $0xffff  }
0x1b8: {  	v14 =	vld.idx.msk [tilespmem:v53+s11+$0x0], $0xffff;
	[tilespmem:s21+$0x1B0] =	vst v2;
	v2 =	vadd.f32 v11, v3  }
0x1b9: {  	v3 =	vld.idx.msk [tilespmem:v12+s10+$0x0], $0xffff  }
0x1ba: {  	v58 =	vld.idx.msk [tilespmem:v54+s11+$0x0], $0xffff;
	[tilespmem:s21+$0x4D0] =	vst v2  }
0x1bb: {  	v2 =	vor.u32 s25, v30;
	v4 =	vld.idx.msk [tilespmem:v13+s10+$0x0], $0xffff  }
0x1bc: {  	v59 =	vld.idx.msk [tilespmem:v55+s11+$0x0], $0xffff  }
0x1bd: {  	v60 =	vor.u32 s23, v30;
	v1 =	vadd.f32 v14, v1;
	_ =	sdelay $0x1  }
0x1be: {  	[tilespmem:s21+$0xFFFFFEA0] =	vst v1;
	v1 =	vadd.f32 v58, v3;
	v3 =	vor.u32 s24, v30  }
0x1bf: {  	v2 =	vld.idx.msk [tilespmem:v2+s10+$0x0], $0xffff  }
0x1c0: {  	v61 =	vld.idx.msk [tilespmem:v53+s11+$0x0], $0xffff;
	[tilespmem:s21+$0x1C0] =	vst v1;
	v1 =	vadd.f32 v59, v4  }
0x1c1: {  	v62 =	vld.idx.msk [tilespmem:v60+s10+$0x0], $0xffff  }
0x1c2: {  	v63 =	vld.idx.msk [tilespmem:v54+s11+$0x0], $0xffff;
	[tilespmem:s21+$0x4E0] =	vst v1  }
0x1c3: {  	v1 =	vor.u32 s25, v31;
	v3 =	vld.idx.msk [tilespmem:v3+s10+$0x0], $0xffff  }
0x1c4: {  	v9 =	vld.idx.msk [tilespmem:v55+s11+$0x0], $0xffff  }
0x1c5: {  	s30 =	sadd.s32 $0xFFFFF8A0, s20;
	v10 =	vor.u32 s23, v31;
	v2 =	vadd.f32 v61, v2  }
0x1c6: {  	s28 =	sor.u32 $0x70, s30  }
0x1c7: {  	v11 =	vor.u32 s24, v31;
	[tilespmem:s28+$0x6400] =	vst v2;
	v2 =	vadd.f32 v63, v62  }
0x1c8: {  	v1 =	vld.idx.msk [tilespmem:v1+s10+$0x0], $0xffff  }
0x1c9: {  	v12 =	vld.idx.msk [tilespmem:v53+s11+$0x0], $0xffff;
	[tilespmem:s21+$0x1D0] =	vst v2;
	v2 =	vadd.f32 v9, v3  }
0x1ca: {  	v3 =	vld.idx.msk [tilespmem:v10+s10+$0x0], $0xffff  }
0x1cb: {  	v13 =	vld.idx.msk [tilespmem:v54+s11+$0x0], $0xffff;
	[tilespmem:s26+$0x65C0] =	vst v2  }
0x1cc: {  	v2 =	vor.u32 s25, v32;
	v4 =	vld.idx.msk [tilespmem:v11+s10+$0x0], $0xffff  }
0x1cd: {  	v14 =	vld.idx.msk [tilespmem:v55+s11+$0x0], $0xffff  }
0x1ce: {  	v58 =	vor.u32 s23, v32;
	v1 =	vadd.f32 v12, v1;
	_ =	sdelay $0x1  }
0x1cf: {  	[tilespmem:s21+$0xFFFFFEC0] =	vst v1;
	v1 =	vadd.f32 v13, v3;
	v3 =	vor.u32 s24, v32  }
0x1d0: {  	v2 =	vld.idx.msk [tilespmem:v2+s10+$0x0], $0xffff  }
0x1d1: {  	v59 =	vld.idx.msk [tilespmem:v53+s11+$0x0], $0xffff;
	[tilespmem:s21+$0x1E0] =	vst v1;
	v1 =	vadd.f32 v14, v4  }
0x1d2: {  	v60 =	vld.idx.msk [tilespmem:v58+s10+$0x0], $0xffff  }
0x1d3: {  	v61 =	vld.idx.msk [tilespmem:v54+s11+$0x0], $0xffff;
	[tilespmem:s21+$0x500] =	vst v1  }
0x1d4: {  	v1 =	vor.u32 s25, v33;
	v3 =	vld.idx.msk [tilespmem:v3+s10+$0x0], $0xffff  }
0x1d5: {  	v62 =	vld.idx.msk [tilespmem:v55+s11+$0x0], $0xffff  }
0x1d6: {  	v63 =	vor.u32 s23, v33;
	v2 =	vadd.f32 v59, v2;
	_ =	sdelay $0x1  }
0x1d7: {  	v9 =	vor.u32 s24, v33;
	[tilespmem:s21+$0xFFFFFED0] =	vst v2;
	v2 =	vadd.f32 v61, v60  }
0x1d8: {  	v1 =	vld.idx.msk [tilespmem:v1+s10+$0x0], $0xffff  }
0x1d9: {  	s31 =	sadd.s32 $0xFFFFFF00, s20;
	v10 =	vld.idx.msk [tilespmem:v53+s11+$0x0], $0xffff;
	[tilespmem:s21+$0x1F0] =	vst v2;
	v2 =	vadd.f32 v62, v3  }
0x1da: {  	s28 =	sor.u32 $0x50, s31;
	v3 =	vld.idx.msk [tilespmem:v63+s10+$0x0], $0xffff  }
0x1db: {  	v11 =	vld.idx.msk [tilespmem:v54+s11+$0x0], $0xffff;
	[tilespmem:s28+$0x6400] =	vst v2  }
0x1dc: {  	v2 =	vor.u32 s25, v34;
	v4 =	vld.idx.msk [tilespmem:v9+s10+$0x0], $0xffff  }
0x1dd: {  	v12 =	vld.idx.msk [tilespmem:v55+s11+$0x0], $0xffff  }
0x1de: {  	v13 =	vor.u32 s23, v34;
	v1 =	vadd.f32 v10, v1;
	_ =	sdelay $0x1  }
0x1df: {  	[tilespmem:s21+$0xFFFFFEE0] =	vst v1;
	v1 =	vadd.f32 v11, v3;
	v3 =	vor.u32 s24, v34  }
0x1e0: {  	v2 =	vld.idx.msk [tilespmem:v2+s10+$0x0], $0xffff  }
0x1e1: {  	v14 =	vld.idx.msk [tilespmem:v53+s11+$0x0], $0xffff;
	[tilespmem:s21+$0x200] =	vst v1;
	v1 =	vadd.f32 v12, v4  }
0x1e2: {  	v60 =	vor.u32 s22, v35;
	v5 =	vld.idx.msk [tilespmem:v13+s10+$0x0], $0xffff  }
0x1e3: {  	v61 =	vld.idx.msk [tilespmem:v54+s11+$0x0], $0xffff;
	[tilespmem:s21+$0x520] =	vst v1  }
0x1e4: {  	v62 =	vor.u32 s25, v35;
	v1 =	vadd.f32 v57, v56;
	v3 =	vld.idx.msk [tilespmem:v3+s10+$0x0], $0xffff  }
0x1e5: {  	v63 =	vld.idx.msk [tilespmem:v55+s11+$0x0], $0xffff  }
0x1e6: {  	[tilespmem:s21+$0xFFFFFBD0] =	vst v1;
	v1 =	vadd.f32 v14, v2;
	v2 =	vor.u32 s23, v35  }
0x1e7: {  	v4 =	vld.idx.msk [tilespmem:v60+s10+$0x0], $0xffff  }
0x1e8: {  	v13 =	vor.u32 s24, v35;
	v12 =	vld.idx.msk [tilespmem:v52+s11+$0x0], $0xffff;
	[tilespmem:s21+$0xFFFFFEF0] =	vst v1;
	v1 =	vadd.f32 v61, v5  }
0x1e9: {  	v14 =	vld.idx.msk [tilespmem:v62+s10+$0x0], $0xffff  }
0x1ea: {  	v60 =	vld.idx.msk [tilespmem:v53+s11+$0x0], $0xffff;
	[tilespmem:s21+$0x210] =	vst v1;
	v1 =	vadd.f32 v63, v3  }
0x1eb: {  	v3 =	vor.u32 s22, v36;
	v2 =	vld.idx.msk [tilespmem:v2+s10+$0x0], $0xffff  }
0x1ec: {  	v61 =	vld.idx.msk [tilespmem:v54+s11+$0x0], $0xffff;
	[tilespmem:s21+$0x530] =	vst v1  }
0x1ed: {  	v62 =	vor.u32 s25, v36;
	v1 =	vadd.f32 v12, v4;
	v5 =	vld.idx.msk [tilespmem:v13+s10+$0x0], $0xffff  }
0x1ee: {  	v63 =	vld.idx.msk [tilespmem:v55+s11+$0x0], $0xffff  }
0x1ef: {  	v12 =	vor.u32 s23, v36;
	[tilespmem:s21+$0xFFFFFBE0] =	vst v1;
	v1 =	vadd.f32 v60, v14  }
0x1f0: {  	v3 =	vld.idx.msk [tilespmem:v3+s10+$0x0], $0xffff  }
0x1f1: {  	v13 =	vld.idx.msk [tilespmem:v52+s11+$0x0], $0xffff;
	[tilespmem:s21+$0xFFFFFF00] =	vst v1;
	v1 =	vadd.f32 v61, v2;
	v2 =	vor.u32 s24, v36  }
0x1f2: {  	v4 =	vld.idx.msk [tilespmem:v62+s10+$0x0], $0xffff  }
0x1f3: {  	v14 =	vld.idx.msk [tilespmem:v53+s11+$0x0], $0xffff;
	[tilespmem:s21+$0x220] =	vst v1;
	v1 =	vadd.f32 v63, v5  }
0x1f4: {  	v60 =	vor.u32 s22, v37;
	v61 =	vld.idx.msk [tilespmem:v12+s10+$0x0], $0xffff  }
0x1f5: {  	v62 =	vld.idx.msk [tilespmem:v54+s11+$0x0], $0xffff;
	[tilespmem:s21+$0x540] =	vst v1  }
0x1f6: {  	v1 =	vadd.f32 v13, v3;
	v3 =	vor.u32 s25, v37;
	v2 =	vld.idx.msk [tilespmem:v2+s10+$0x0], $0xffff  }
0x1f7: {  	v63 =	vld.idx.msk [tilespmem:v55+s11+$0x0], $0xffff  }
0x1f8: {  	s29 =	sadd.s32 $0xFFFFF900, s20;
	v11 =	vor.u32 s23, v37;
	[tilespmem:s21+$0xFFFFFBF0] =	vst v1;
	v1 =	vadd.f32 v14, v4  }
0x1f9: {  	s28 =	sor.u32 $0x50, s29;
	v5 =	vld.idx.msk [tilespmem:v60+s10+$0x0], $0xffff  }
0x1fa: {  	v13 =	vor.u32 s24, v37;
	v12 =	vld.idx.msk [tilespmem:v52+s11+$0x0], $0xffff;
	[tilespmem:s28+$0x6400] =	vst v1;
	v1 =	vadd.f32 v62, v61  }
0x1fb: {  	v3 =	vld.idx.msk [tilespmem:v3+s10+$0x0], $0xffff  }
0x1fc: {  	v14 =	vld.idx.msk [tilespmem:v53+s11+$0x0], $0xffff;
	[tilespmem:s21+$0x230] =	vst v1;
	v1 =	vadd.f32 v63, v2  }
0x1fd: {  	v2 =	vor.u32 s22, v38;
	v4 =	vld.idx.msk [tilespmem:v11+s10+$0x0], $0xffff  }
0x1fe: {  	v60 =	vld.idx.msk [tilespmem:v54+s11+$0x0], $0xffff;
	[tilespmem:s21+$0x550] =	vst v1  }
0x1ff: {  	v61 =	vor.u32 s25, v38;
	v1 =	vadd.f32 v12, v5;
	v6 =	vld.idx.msk [tilespmem:v13+s10+$0x0], $0xffff  }
0x200: {  	v62 =	vld.idx.msk [tilespmem:v55+s11+$0x0], $0xffff  }
0x201: {  	[tilespmem:s21+$0xFFFFFC00] =	vst v1;
	v1 =	vadd.f32 v14, v3;
	v3 =	vor.u32 s23, v38  }
0x202: {  	v2 =	vld.idx.msk [tilespmem:v2+s10+$0x0], $0xffff  }
0x203: {  	v12 =	vor.u32 s24, v38;
	v63 =	vld.idx.msk [tilespmem:v52+s11+$0x0], $0xffff;
	[tilespmem:s21+$0xFFFFFF20] =	vst v1;
	v1 =	vadd.f32 v60, v4  }
0x204: {  	v5 =	vld.idx.msk [tilespmem:v61+s10+$0x0], $0xffff  }
0x205: {  	v13 =	vld.idx.msk [tilespmem:v53+s11+$0x0], $0xffff;
	[tilespmem:s21+$0x240] =	vst v1;
	v1 =	vadd.f32 v62, v6  }
0x206: {  	v14 =	vor.u32 s22, v39;
	v3 =	vld.idx.msk [tilespmem:v3+s10+$0x0], $0xffff  }
0x207: {  	v60 =	vld.idx.msk [tilespmem:v54+s11+$0x0], $0xffff;
	[tilespmem:s21+$0x560] =	vst v1  }
0x208: {  	v1 =	vadd.f32 v63, v2;
	v2 =	vor.u32 s25, v39;
	v4 =	vld.idx.msk [tilespmem:v12+s10+$0x0], $0xffff  }
0x209: {  	v61 =	vld.idx.msk [tilespmem:v55+s11+$0x0], $0xffff  }
0x20a: {  	s30 =	sadd.s32 $0xFFFFF920, s20;
	v62 =	vor.u32 s23, v39;
	[tilespmem:s21+$0xFFFFFC10] =	vst v1;
	v1 =	vadd.f32 v13, v5  }
0x20b: {  	s28 =	sor.u32 $0x70, s30;
	v6 =	vld.idx.msk [tilespmem:v14+s10+$0x0], $0xffff  }
0x20c: {  	v63 =	vld.idx.msk [tilespmem:v52+s11+$0x0], $0xffff;
	[tilespmem:s28+$0x6400] =	vst v1;
	v1 =	vadd.f32 v60, v3;
	v3 =	vor.u32 s24, v39  }
0x20d: {  	v2 =	vld.idx.msk [tilespmem:v2+s10+$0x0], $0xffff  }
0x20e: {  	v12 =	vld.idx.msk [tilespmem:v53+s11+$0x0], $0xffff;
	[tilespmem:s21+$0x250] =	vst v1;
	v1 =	vadd.f32 v61, v4  }
0x20f: {  	v13 =	vor.u32 s22, v40;
	v5 =	vld.idx.msk [tilespmem:v62+s10+$0x0], $0xffff  }
0x210: {  	v14 =	vld.idx.msk [tilespmem:v54+s11+$0x0], $0xffff;
	[tilespmem:s26+$0x6640] =	vst v1  }
0x211: {  	v60 =	vor.u32 s25, v40;
	v1 =	vadd.f32 v63, v6;
	v3 =	vld.idx.msk [tilespmem:v3+s10+$0x0], $0xffff  }
0x212: {  	v61 =	vld.idx.msk [tilespmem:v55+s11+$0x0], $0xffff  }
0x213: {  	[tilespmem:s21+$0xFFFFFC20] =	vst v1;
	v1 =	vadd.f32 v12, v2;
	v2 =	vor.u32 s23, v40  }
0x214: {  	v4 =	vld.idx.msk [tilespmem:v13+s10+$0x0], $0xffff  }
0x215: {  	v63 =	vor.u32 s24, v40;
	v62 =	vld.idx.msk [tilespmem:v52+s11+$0x0], $0xffff;
	[tilespmem:s21+$0xFFFFFF40] =	vst v1;
	v1 =	vadd.f32 v14, v5  }
0x216: {  	v6 =	vld.idx.msk [tilespmem:v60+s10+$0x0], $0xffff  }
0x217: {  	v12 =	vld.idx.msk [tilespmem:v53+s11+$0x0], $0xffff;
	[tilespmem:s21+$0x260] =	vst v1;
	v1 =	vadd.f32 v61, v3  }
0x218: {  	v3 =	vor.u32 s22, v41;
	v2 =	vld.idx.msk [tilespmem:v2+s10+$0x0], $0xffff  }
0x219: {  	v13 =	vld.idx.msk [tilespmem:v54+s11+$0x0], $0xffff;
	[tilespmem:s21+$0x580] =	vst v1  }
0x21a: {  	v14 =	vor.u32 s25, v41;
	v1 =	vadd.f32 v62, v4;
	v5 =	vld.idx.msk [tilespmem:v63+s10+$0x0], $0xffff  }
0x21b: {  	v60 =	vld.idx.msk [tilespmem:v55+s11+$0x0], $0xffff  }
0x21c: {  	v61 =	vor.u32 s23, v41;
	[tilespmem:s21+$0xFFFFFC30] =	vst v1;
	v1 =	vadd.f32 v12, v6  }
0x21d: {  	v3 =	vld.idx.msk [tilespmem:v3+s10+$0x0], $0xffff  }
0x21e: {  	v62 =	vld.idx.msk [tilespmem:v52+s11+$0x0], $0xffff;
	[tilespmem:s21+$0xFFFFFF50] =	vst v1;
	v1 =	vadd.f32 v13, v2;
	v2 =	vor.u32 s24, v41  }
0x21f: {  	v4 =	vld.idx.msk [tilespmem:v14+s10+$0x0], $0xffff  }
0x220: {  	s31 =	sadd.s32 $0xFFFFFF80, s20;
	v63 =	vld.idx.msk [tilespmem:v53+s11+$0x0], $0xffff;
	[tilespmem:s21+$0x270] =	vst v1;
	v1 =	vadd.f32 v60, v5  }
0x221: {  	v11 =	vor.u32 s22, v42;
	s28 =	sor.u32 $0x50, s31;
	v6 =	vld.idx.msk [tilespmem:v61+s10+$0x0], $0xffff  }
0x222: {  	v12 =	vld.idx.msk [tilespmem:v54+s11+$0x0], $0xffff;
	[tilespmem:s28+$0x6400] =	vst v1  }
0x223: {  	v1 =	vadd.f32 v62, v3;
	v3 =	vor.u32 s25, v42;
	v2 =	vld.idx.msk [tilespmem:v2+s10+$0x0], $0xffff  }
0x224: {  	v13 =	vld.idx.msk [tilespmem:v55+s11+$0x0], $0xffff  }
0x225: {  	v14 =	vor.u32 s23, v42;
	[tilespmem:s21+$0xFFFFFC40] =	vst v1;
	v1 =	vadd.f32 v63, v4  }
0x226: {  	v5 =	vld.idx.msk [tilespmem:v11+s10+$0x0], $0xffff  }
0x227: {  	v61 =	vor.u32 s24, v42;
	v60 =	vld.idx.msk [tilespmem:v52+s11+$0x0], $0xffff;
	[tilespmem:s21+$0xFFFFFF60] =	vst v1;
	v1 =	vadd.f32 v12, v6  }
0x228: {  	v3 =	vld.idx.msk [tilespmem:v3+s10+$0x0], $0xffff  }
0x229: {  	v62 =	vld.idx.msk [tilespmem:v53+s11+$0x0], $0xffff;
	[tilespmem:s21+$0x280] =	vst v1;
	v1 =	vadd.f32 v13, v2  }
0x22a: {  	v2 =	vor.u32 s22, v43;
	v4 =	vld.idx.msk [tilespmem:v14+s10+$0x0], $0xffff  }
0x22b: {  	v63 =	vld.idx.msk [tilespmem:v54+s11+$0x0], $0xffff;
	[tilespmem:s21+$0x5A0] =	vst v1  }
0x22c: {  	v12 =	vor.u32 s25, v43;
	v1 =	vadd.f32 v60, v5;
	v6 =	vld.idx.msk [tilespmem:v61+s10+$0x0], $0xffff  }
0x22d: {  	v13 =	vld.idx.msk [tilespmem:v55+s11+$0x0], $0xffff  }
0x22e: {  	[tilespmem:s21+$0xFFFFFC50] =	vst v1;
	v1 =	vadd.f32 v62, v3;
	v3 =	vor.u32 s23, v43  }
0x22f: {  	v2 =	vld.idx.msk [tilespmem:v2+s10+$0x0], $0xffff  }
0x230: {  	v60 =	vor.u32 s24, v43;
	v14 =	vld.idx.msk [tilespmem:v52+s11+$0x0], $0xffff;
	[tilespmem:s21+$0xFFFFFF70] =	vst v1;
	v1 =	vadd.f32 v63, v4  }
0x231: {  	v5 =	vld.idx.msk [tilespmem:v12+s10+$0x0], $0xffff  }
0x232: {  	v61 =	vld.idx.msk [tilespmem:v53+s11+$0x0], $0xffff;
	[tilespmem:s21+$0x290] =	vst v1;
	v1 =	vadd.f32 v13, v6  }
0x233: {  	v62 =	vor.u32 s22, v44;
	v3 =	vld.idx.msk [tilespmem:v3+s10+$0x0], $0xffff  }
0x234: {  	v63 =	vld.idx.msk [tilespmem:v54+s11+$0x0], $0xffff;
	[tilespmem:s21+$0x5B0] =	vst v1  }
0x235: {  	v1 =	vadd.f32 v14, v2;
	v2 =	vor.u32 s25, v44;
	v4 =	vld.idx.msk [tilespmem:v60+s10+$0x0], $0xffff  }
0x236: {  	v12 =	vld.idx.msk [tilespmem:v55+s11+$0x0], $0xffff  }
0x237: {  	v13 =	vor.u32 s23, v44;
	[tilespmem:s21+$0xFFFFFC60] =	vst v1;
	v1 =	vadd.f32 v61, v5  }
0x238: {  	v6 =	vld.idx.msk [tilespmem:v62+s10+$0x0], $0xffff  }
0x239: {  	v14 =	vld.idx.msk [tilespmem:v52+s11+$0x0], $0xffff;
	[tilespmem:s21+$0xFFFFFF80] =	vst v1;
	v1 =	vadd.f32 v63, v3;
	v3 =	vor.u32 s24, v44  }
0x23a: {  	v2 =	vld.idx.msk [tilespmem:v2+s10+$0x0], $0xffff  }
0x23b: {  	v60 =	vld.idx.msk [tilespmem:v53+s11+$0x0], $0xffff;
	[tilespmem:s21+$0x2A0] =	vst v1;
	v1 =	vadd.f32 v12, v4  }
0x23c: {  	v61 =	vor.u32 s22, v45;
	v5 =	vld.idx.msk [tilespmem:v13+s10+$0x0], $0xffff  }
0x23d: {  	v62 =	vld.idx.msk [tilespmem:v54+s11+$0x0], $0xffff;
	[tilespmem:s21+$0x5C0] =	vst v1  }
0x23e: {  	v63 =	vor.u32 s25, v45;
	v1 =	vadd.f32 v14, v6;
	v3 =	vld.idx.msk [tilespmem:v3+s10+$0x0], $0xffff  }
0x23f: {  	v12 =	vld.idx.msk [tilespmem:v55+s11+$0x0], $0xffff  }
0x240: {  	s29 =	sadd.s32 $0xFFFFF980, s20;
	[tilespmem:s21+$0xFFFFFC70] =	vst v1;
	v1 =	vadd.f32 v60, v2;
	v2 =	vor.u32 s23, v45  }
0x241: {  	s28 =	sor.u32 $0x50, s29;
	v4 =	vld.idx.msk [tilespmem:v61+s10+$0x0], $0xffff  }
0x242: {  	v14 =	vor.u32 s24, v45;
	v13 =	vld.idx.msk [tilespmem:v52+s11+$0x0], $0xffff;
	[tilespmem:s28+$0x6400] =	vst v1;
	v1 =	vadd.f32 v62, v5  }
0x243: {  	v6 =	vld.idx.msk [tilespmem:v63+s10+$0x0], $0xffff  }
0x244: {  	v60 =	vld.idx.msk [tilespmem:v53+s11+$0x0], $0xffff;
	[tilespmem:s21+$0x2B0] =	vst v1;
	v1 =	vadd.f32 v12, v3  }
0x245: {  	v3 =	vor.u32 s22, v46;
	v2 =	vld.idx.msk [tilespmem:v2+s10+$0x0], $0xffff  }
0x246: {  	v61 =	vld.idx.msk [tilespmem:v54+s11+$0x0], $0xffff;
	[tilespmem:s21+$0x5D0] =	vst v1  }
0x247: {  	v62 =	vor.u32 s25, v46;
	v1 =	vadd.f32 v13, v4;
	v5 =	vld.idx.msk [tilespmem:v14+s10+$0x0], $0xffff  }
0x248: {  	v63 =	vld.idx.msk [tilespmem:v55+s11+$0x0], $0xffff  }
0x249: {  	v12 =	vor.u32 s23, v46;
	[tilespmem:s21+$0xFFFFFC80] =	vst v1;
	v1 =	vadd.f32 v60, v6  }
0x24a: {  	v3 =	vld.idx.msk [tilespmem:v3+s10+$0x0], $0xffff  }
0x24b: {  	v13 =	vld.idx.msk [tilespmem:v52+s11+$0x0], $0xffff;
	[tilespmem:s21+$0xFFFFFFA0] =	vst v1;
	v1 =	vadd.f32 v61, v2;
	v2 =	vor.u32 s24, v46  }
0x24c: {  	v4 =	vld.idx.msk [tilespmem:v62+s10+$0x0], $0xffff  }
0x24d: {  	v14 =	vld.idx.msk [tilespmem:v53+s11+$0x0], $0xffff;
	[tilespmem:s21+$0x2C0] =	vst v1;
	v1 =	vadd.f32 v63, v5  }
0x24e: {  	v60 =	vor.u32 s22, v47;
	v6 =	vld.idx.msk [tilespmem:v12+s10+$0x0], $0xffff  }
0x24f: {  	v61 =	vld.idx.msk [tilespmem:v54+s11+$0x0], $0xffff;
	[tilespmem:s21+$0x5E0] =	vst v1  }
0x250: {  	v1 =	vadd.f32 v13, v3;
	v3 =	vor.u32 s25, v47;
	v2 =	vld.idx.msk [tilespmem:v2+s10+$0x0], $0xffff  }
0x251: {  	v62 =	vld.idx.msk [tilespmem:v55+s11+$0x0], $0xffff  }
0x252: {  	s30 =	sadd.s32 $0xFFFFF9A0, s20;
	v63 =	vor.u32 s23, v47;
	[tilespmem:s21+$0xFFFFFC90] =	vst v1;
	v1 =	vadd.f32 v14, v4  }
0x253: {  	s28 =	sor.u32 $0x70, s30;
	v5 =	vld.idx.msk [tilespmem:v60+s10+$0x0], $0xffff  }
0x254: {  	v12 =	vor.u32 s24, v47;
	[tilespmem:s28+$0x6400] =	vst v1;
	v1 =	vld.idx.msk [tilespmem:v52+s11+$0x0], $0xffff;
	v6 =	vadd.f32 v61, v6  }
0x255: {  	v3 =	vld.idx.msk [tilespmem:v3+s10+$0x0], $0xffff  }
0x256: {  	v13 =	vld.idx.msk [tilespmem:v53+s11+$0x0], $0xffff;
	[tilespmem:s21+$0x2D0] =	vst v6;
	v2 =	vadd.f32 v62, v2  }
0x257: {  	v14 =	vor.u32 s22, v48;
	v4 =	vld.idx.msk [tilespmem:v63+s10+$0x0], $0xffff  }
0x258: {  	v60 =	vld.idx.msk [tilespmem:v54+s11+$0x0], $0xffff;
	[tilespmem:s26+$0x66C0] =	vst v2  }
0x259: {  	v2 =	vor.u32 s25, v48;
	v1 =	vadd.f32 v1, v5;
	v61 =	vld.idx.msk [tilespmem:v12+s10+$0x0], $0xffff  }
0x25a: {  	v62 =	vld.idx.msk [tilespmem:v55+s11+$0x0], $0xffff  }
0x25b: {  	[tilespmem:s21+$0xFFFFFCA0] =	vst v1;
	v1 =	vadd.f32 v13, v3;
	v3 =	vor.u32 s23, v48  }
0x25c: {  	v6 =	vld.idx.msk [tilespmem:v14+s10+$0x0], $0xffff  }
0x25d: {  	v11 =	vor.u32 s24, v48;
	v63 =	vld.idx.msk [tilespmem:v52+s11+$0x0], $0xffff;
	[tilespmem:s21+$0xFFFFFFC0] =	vst v1;
	v1 =	vadd.f32 v60, v4  }
0x25e: {  	v2 =	vld.idx.msk [tilespmem:v2+s10+$0x0], $0xffff  }
0x25f: {  	v12 =	vld.idx.msk [tilespmem:v53+s11+$0x0], $0xffff;
	[tilespmem:s21+$0x2E0] =	vst v1;
	v1 =	vadd.f32 v62, v61  }
0x260: {  	v13 =	vor.u32 s22, v49;
	v3 =	vld.idx.msk [tilespmem:v3+s10+$0x0], $0xffff  }
0x261: {  	v14 =	vld.idx.msk [tilespmem:v54+s11+$0x0], $0xffff;
	[tilespmem:s21+$0x600] =	vst v1  }
0x262: {  	v60 =	vor.u32 s25, v49;
	v1 =	vadd.f32 v63, v6;
	v4 =	vld.idx.msk [tilespmem:v11+s10+$0x0], $0xffff  }
0x263: {  	v61 =	vld.idx.msk [tilespmem:v55+s11+$0x0], $0xffff  }
0x264: {  	[tilespmem:s21+$0xFFFFFCB0] =	vst v1;
	v1 =	vadd.f32 v12, v2;
	v2 =	vor.u32 s23, v49  }
0x265: {  	v5 =	vld.idx.msk [tilespmem:v13+s10+$0x0], $0xffff  }
0x266: {  	v62 =	vld.idx.msk [tilespmem:v52+s11+$0x0], $0xffff;
	[tilespmem:s21+$0xFFFFFFD0] =	vst v1;
	v1 =	vadd.f32 v14, v3;
	v3 =	vor.u32 s24, v49  }
0x267: {  	v6 =	vld.idx.msk [tilespmem:v60+s10+$0x0], $0xffff  }
0x268: {  	v63 =	vld.idx.msk [tilespmem:v53+s11+$0x0], $0xffff;
	[tilespmem:s21+$0x2F0] =	vst v1;
	v1 =	vadd.f32 v61, v4  }
0x269: {  	s31 =	sor.u32 $0x50, s20;
	v12 =	vor.u32 s22, v50;
	v2 =	vld.idx.msk [tilespmem:v2+s10+$0x0], $0xffff  }
0x26a: {  	[tilespmem:s31+$0x6400] =	vst v1;
	v1 =	vld.idx.msk [tilespmem:v54+s11+$0x0], $0xffff  }
0x26b: {  	v13 =	vor.u32 s25, v50;
	v5 =	vadd.f32 v62, v5;
	v3 =	vld.idx.msk [tilespmem:v3+s10+$0x0], $0xffff  }
0x26c: {  	v14 =	vld.idx.msk [tilespmem:v55+s11+$0x0], $0xffff  }
0x26d: {  	v60 =	vor.u32 s23, v50;
	[tilespmem:s21+$0xFFFFFCC0] =	vst v5;
	v59 =	vadd.f32 v63, v6  }
0x26e: {  	v4 =	vld.idx.msk [tilespmem:v12+s10+$0x0], $0xffff  }
0x26f: {  	v61 =	vld.idx.msk [tilespmem:v52+s11+$0x0], $0xffff;
	[tilespmem:s21+$0xFFFFFFE0] =	vst v59;
	v1 =	vadd.f32 v1, v2;
	v2 =	vor.u32 s24, v50  }
0x270: {  	v62 =	vld.idx.msk [tilespmem:v13+s10+$0x0], $0xffff  }
0x271: {  	[tilespmem:s21+$0x300] =	vst v1;
	v1 =	vadd.f32 v14, v3;
	v3 =	vld.idx.msk [tilespmem:v53+s11+$0x0], $0xffff  }
0x272: {  	v6 =	vld.idx.msk [tilespmem:v60+s10+$0x0], $0xffff  }
0x273: {  	[tilespmem:s21+$0x620] =	vst v1;
	v1 =	vld.idx.msk [tilespmem:v54+s11+$0x0], $0xffff  }
0x274: {  	v2 =	vld.idx.msk [tilespmem:v2+s10+$0x0], $0xffff  }
0x275: {  	v63 =	vld.idx.msk [tilespmem:v55+s11+$0x0], $0xffff;
	_ =	sdelay $0x1  }
0x276: {  	p0 =	slt.u32 s22, $0x3C;
	v4 =	vadd.f32 v61, v4  }
.Ltmp0:
0x277: {  	v3 =	vadd.f32 v3, v62;
	(pc) =	sbr.rel @p0 .LBB2_2-.Ltmp0, $4  }
0x278: {  	[tilespmem:s21+$0xFFFFFCD0] =	vst v4;
	v1 =	vadd.f32 v1, v6  }
0x279: {  	[tilespmem:s21+$0xFFFFFFF0] =	vst v3;
	v2 =	vadd.f32 v63, v2  }
0x27a: {  	s20 =	sadd.s32 $0xC80, s20;
	[tilespmem:s21+$0x310] =	vst v1  }
0x27b: {  	s22 =	sadd.s32 $0x4, s22;
	s23 =	simm.s32 $0x0;
	[tilespmem:s21+$0x630] =	vst v2;
	s21 =	sadd.s32 $0xC80, s21  }
.LBB2_3:
0x27c: {  	s20 =	sshll.u32 s23, $0x1  }
0x27d: {  	p0 =	seq.s32 s23, $0x0;
	v1 =	vadd.s32 s20, v51  }
0x27e: {  	s21 =	simm.s32 @!p0 $0x1  }
0x27f: {  	_ =	swait.ge @!p0 [sflag:s21], $0x2000  }
0x280: {  	[sflag:s21] =	ssyncset.done @!p0 $0x0  }
0x281: {  	[sflag:s21] =	ssyncadd.s32 @!p0 $0xFFFFE000  }
0x282: {  	s24 =	sadd.s32 $0xC80, s20;
	v1 =	vld.idx.msk [tilespmem:v1+s3+$0x0], $0xffff  }
0x283: {  	s25 =	sor.u32 $0x1900, s20;
	v2 =	vadd.s32 s24, v51  }
0x284: {  	s26 =	sadd.s32 $0x2580, s20;
	v3 =	vadd.s32 s25, v51  }
0x285: {  	s28 =	sor.u32 $0x3200, s20;
	v4 =	vadd.s32 s26, v51  }
0x286: {  	s29 =	sadd.s32 $0x3E80, s20;
	s24 =	sshll.u32 s23, $0x3;
	v5 =	vadd.s32 s28, v51  }
0x287: {  	v6 =	vadd.s32 s29, v51;
	v1 =	vadd.s32 s24, v1  }
0x288: {  	v2 =	vld.idx.msk [tilespmem:v2+s3+$0x0], $0xffff;
	v7 =	vadd.s32 $0x960, v1  }
0x289: {  	v3 =	vld.idx.msk [tilespmem:v3+s3+$0x0], $0xffff;
	v8 =	vadd.s32 $0x320, v1  }
0x28a: {  	s30 =	sor.u32 $0x4B00, s20;
	v4 =	vld.idx.msk [tilespmem:v4+s3+$0x0], $0xffff;
	v52 =	vadd.s32 $0x640, v1  }
0x28b: {  	v53 =	vadd.s32 s30, v51;
	v5 =	vld.idx.msk [tilespmem:v5+s3+$0x0], $0xffff  }
0x28c: {  	s31 =	sadd.s32 $0x5780, s20;
	v6 =	vld.idx.msk [tilespmem:v6+s3+$0x0], $0xffff  }
0x28d: {  	v54 =	vadd.s32 s31, v51;
	v2 =	vadd.s32 s24, v2;
	v7 =	vld.idx.msk [tilespmem:v7+s12+$0x0], $0xffff  }
0x28e: {  	v55 =	vadd.s32 $0x960, v2;
	v8 =	vld.idx.msk [tilespmem:v8+s12+$0x0], $0xffff  }
0x28f: {  	v56 =	vadd.s32 $0x320, v2;
	v52 =	vld.idx.msk [tilespmem:v52+s12+$0x0], $0xffff  }
0x290: {  	v53 =	vld.idx.msk [tilespmem:v53+s3+$0x0], $0xffff;
	v57 =	vadd.s32 $0x640, v2  }
0x291: {  	s21 =	simm.s32 $0x16000;
	v58 =	vld.idx.msk [tilespmem:v1+s12+$0x0], $0xffff  }
0x292: {  	v54 =	vld.idx.msk [tilespmem:v54+s3+$0x0], $0xffff;
	[tilespmem:s21+$0x80] =	vst v7  }
0x293: {  	v3 =	vadd.s32 s24, v3;
	[tilespmem:s21+$0xFFFFFF80] =	vst v8;
	v7 =	vld.idx.msk [tilespmem:v55+s12+$0x0], $0xffff  }
0x294: {  	v63 =	vadd.s32 $0x960, v3;
	[tilespmem:s21+$0x0] =	vst v52;
	v8 =	vld.idx.msk [tilespmem:v56+s12+$0x0], $0xffff  }
0x295: {  	v12 =	vadd.s32 $0x320, v3;
	v13 =	vld.idx.msk [tilespmem:v57+s12+$0x0], $0xffff  }
0x296: {  	v14 =	vadd.s32 $0x640, v3;
	[tilespmem:s21+$0xFFFFFF00] =	vst v58  }
0x297: {  	v58 =	vld.idx.msk [tilespmem:v2+s12+$0x0], $0xffff  }
0x298: {  	[tilespmem:s21+$0x90] =	vst v7  }
0x299: {  	v4 =	vadd.s32 s24, v4;
	[tilespmem:s21+$0xFFFFFF90] =	vst v8;
	v7 =	vld.idx.msk [tilespmem:v63+s12+$0x0], $0xffff  }
0x29a: {  	v60 =	vadd.s32 $0x960, v4;
	[tilespmem:s21+$0x10] =	vst v13;
	v8 =	vld.idx.msk [tilespmem:v12+s12+$0x0], $0xffff  }
0x29b: {  	v61 =	vadd.s32 $0x320, v4;
	v56 =	vld.idx.msk [tilespmem:v14+s12+$0x0], $0xffff  }
0x29c: {  	v62 =	vadd.s32 $0x640, v4;
	[tilespmem:s21+$0xFFFFFF10] =	vst v58  }
0x29d: {  	v58 =	vld.idx.msk [tilespmem:v3+s12+$0x0], $0xffff  }
0x29e: {  	v1 =	vadd.s32 $0xC80, v1;
	[tilespmem:s21+$0xA0] =	vst v7  }
0x29f: {  	v5 =	vadd.s32 s24, v5;
	v14 =	vadd.s32 $0x640, v1;
	[tilespmem:s21+$0xFFFFFFA0] =	vst v8;
	v7 =	vld.idx.msk [tilespmem:v60+s12+$0x0], $0xffff  }
0x2a0: {  	v63 =	vadd.s32 $0x960, v5;
	[tilespmem:s21+$0x20] =	vst v56;
	v8 =	vld.idx.msk [tilespmem:v61+s12+$0x0], $0xffff  }
0x2a1: {  	v12 =	vadd.s32 $0x320, v5;
	v56 =	vld.idx.msk [tilespmem:v62+s12+$0x0], $0xffff  }
0x2a2: {  	v13 =	vadd.s32 $0x640, v5;
	[tilespmem:s21+$0xFFFFFF20] =	vst v58  }
0x2a3: {  	v58 =	vld.idx.msk [tilespmem:v4+s12+$0x0], $0xffff  }
0x2a4: {  	v59 =	vadd.s32 $0x960, v1;
	v52 =	vld.idx.msk [tilespmem:v14+s12+$0x0], $0xffff;
	[tilespmem:s21+$0xB0] =	vst v7  }
0x2a5: {  	v7 =	vadd.s32 $0x320, v1;
	[tilespmem:s21+$0xFFFFFFB0] =	vst v8;
	v8 =	vld.idx.msk [tilespmem:v63+s12+$0x0], $0xffff  }
0x2a6: {  	v2 =	vadd.s32 $0xC80, v2;
	[tilespmem:s21+$0x30] =	vst v56;
	v55 =	vld.idx.msk [tilespmem:v12+s12+$0x0], $0xffff  }
0x2a7: {  	v6 =	vadd.s32 s24, v6;
	v56 =	vld.idx.msk [tilespmem:v13+s12+$0x0], $0xffff;
	v13 =	vadd.s32 $0x640, v2  }
0x2a8: {  	v60 =	vld.idx.msk [tilespmem:v1+s12+$0x0], $0xffff;
	v12 =	vadd.s32 $0x960, v6  }
0x2a9: {  	s22 =	simm.s32 $0x16200;
	v59 =	vld.idx.msk [tilespmem:v59+s12+$0x0], $0xffff;
	v61 =	vadd.s32 $0x320, v6;
	[tilespmem:s21+$0xFFFFFF30] =	vst v58  }
0x2aa: {  	[tilespmem:s22+$0x0] =	vst v52;
	v7 =	vld.idx.msk [tilespmem:v7+s12+$0x0], $0xffff  }
0x2ab: {  	v62 =	vadd.s32 $0x640, v6;
	[tilespmem:s21+$0xFFFFFFC0] =	vst v55;
	v55 =	vld.idx.msk [tilespmem:v5+s12+$0x0], $0xffff  }
0x2ac: {  	v63 =	vadd.s32 $0x960, v2;
	[tilespmem:s21+$0xC0] =	vst v8;
	v52 =	vld.idx.msk [tilespmem:v13+s12+$0x0], $0xffff  }
0x2ad: {  	v3 =	vadd.s32 $0xC80, v3;
	[tilespmem:s22+$0xFFFFFF00] =	vst v60;
	v8 =	vadd.s32 $0x320, v2;
	v57 =	vld.idx.msk [tilespmem:v12+s12+$0x0], $0xffff  }
0x2ae: {  	v53 =	vadd.s32 s24, v53;
	[tilespmem:s21+$0x40] =	vst v56;
	v13 =	vadd.s32 $0x640, v3;
	v56 =	vld.idx.msk [tilespmem:v61+s12+$0x0], $0xffff  }
0x2af: {  	[tilespmem:s22+$0x80] =	vst v59;
	v14 =	vadd.s32 $0x960, v53;
	v61 =	vld.idx.msk [tilespmem:v2+s12+$0x0], $0xffff  }
0x2b0: {  	v59 =	vld.idx.msk [tilespmem:v62+s12+$0x0], $0xffff;
	[tilespmem:s22+$0xFFFFFF80] =	vst v7  }
0x2b1: {  	v62 =	vadd.s32 $0x320, v53;
	v7 =	vld.idx.msk [tilespmem:v63+s12+$0x0], $0xffff;
	[tilespmem:s21+$0xFFFFFF40] =	vst v55  }
0x2b2: {  	v58 =	vadd.s32 $0x960, v3;
	v8 =	vld.idx.msk [tilespmem:v8+s12+$0x0], $0xffff;
	[tilespmem:s22+$0x10] =	vst v52  }
0x2b3: {  	v4 =	vadd.s32 $0xC80, v4;
	v12 =	vadd.s32 $0x320, v3;
	[tilespmem:s21+$0xD0] =	vst v57;
	v52 =	vld.idx.msk [tilespmem:v13+s12+$0x0], $0xffff  }
0x2b4: {  	v57 =	vadd.s32 s24, v54;
	[tilespmem:s22+$0xFFFFFF10] =	vst v61;
	v61 =	vadd.s32 $0x640, v4;
	v60 =	vld.idx.msk [tilespmem:v14+s12+$0x0], $0xffff  }
0x2b5: {  	v55 =	vld.idx.msk [tilespmem:v6+s12+$0x0], $0xffff;
	[tilespmem:s21+$0xFFFFFFD0] =	vst v56;
	v14 =	vadd.s32 $0x960, v57  }
0x2b6: {  	[tilespmem:s22+$0x90] =	vst v7;
	v7 =	vld.idx.msk [tilespmem:v62+s12+$0x0], $0xffff  }
0x2b7: {  	v62 =	vadd.s32 $0x640, v53;
	[tilespmem:s22+$0xFFFFFF90] =	vst v8;
	v8 =	vld.idx.msk [tilespmem:v58+s12+$0x0], $0xffff  }
0x2b8: {  	v58 =	vld.idx.msk [tilespmem:v12+s12+$0x0], $0xffff;
	[tilespmem:s22+$0x20] =	vst v52  }
0x2b9: {  	v12 =	vadd.s32 $0x960, v4;
	[tilespmem:s21+$0xE0] =	vst v60;
	v61 =	vld.idx.msk [tilespmem:v61+s12+$0x0], $0xffff  }
0x2ba: {  	v13 =	vadd.s32 $0x320, v4;
	v56 =	vld.idx.msk [tilespmem:v14+s12+$0x0], $0xffff  }
0x2bb: {  	[tilespmem:s21+$0x50] =	vst v59;
	v59 =	vadd.s32 $0x320, v57;
	v14 =	vld.idx.msk [tilespmem:v3+s12+$0x0], $0xffff  }
0x2bc: {  	[tilespmem:s21+$0xFFFFFF50] =	vst v55;
	v55 =	vld.idx.msk [tilespmem:v62+s12+$0x0], $0xffff  }
0x2bd: {  	v62 =	vadd.s32 $0x640, v57;
	[tilespmem:s22+$0xA0] =	vst v8;
	v8 =	vld.idx.msk [tilespmem:v53+s12+$0x0], $0xffff  }
0x2be: {  	v1 =	vadd.s32 $0xC80, v1;
	v5 =	vadd.s32 $0xC80, v5;
	[tilespmem:s22+$0xFFFFFFA0] =	vst v58;
	v54 =	vld.idx.msk [tilespmem:v12+s12+$0x0], $0xffff  }
0x2bf: {  	[tilespmem:s21+$0xFFFFFFE0] =	vst v7;
	v12 =	vadd.s32 $0x960, v5;
	v58 =	vld.idx.msk [tilespmem:v13+s12+$0x0], $0xffff  }
0x2c0: {  	v7 =	vld.idx.msk [tilespmem:v59+s12+$0x0], $0xffff;
	v13 =	vadd.s32 $0x320, v5;
	[tilespmem:s22+$0xFFFFFF20] =	vst v14  }
0x2c1: {  	v14 =	vadd.s32 $0x640, v5;
	v9 =	vld.idx.msk [tilespmem:v4+s12+$0x0], $0xffff;
	[tilespmem:s21+$0x60] =	vst v55  }
0x2c2: {  	v55 =	vadd.s32 $0x960, v1;
	v59 =	vld.idx.msk [tilespmem:v62+s12+$0x0], $0xffff;
	[tilespmem:s21+$0xFFFFFF60] =	vst v8  }
0x2c3: {  	v8 =	vld.idx.msk [tilespmem:v1+s12+$0x0], $0xffff;
	[tilespmem:s22+$0xB0] =	vst v54;
	v54 =	vadd.s32 $0x320, v1  }
0x2c4: {  	v52 =	vadd.s32 $0xC80, v6;
	[tilespmem:s22+$0xFFFFFFB0] =	vst v58;
	v58 =	vld.idx.msk [tilespmem:v12+s12+$0x0], $0xffff;
	v12 =	vadd.s32 $0x640, v1  }
0x2c5: {  	[tilespmem:s22+$0x30] =	vst v61;
	v60 =	vld.idx.msk [tilespmem:v13+s12+$0x0], $0xffff;
	v13 =	vadd.s32 $0x960, v52  }
0x2c6: {  	[tilespmem:s21+$0xF0] =	vst v56;
	v6 =	vld.idx.msk [tilespmem:v14+s12+$0x0], $0xffff  }
0x2c7: {  	v14 =	vadd.s32 $0x320, v52;
	[tilespmem:s22+$0xFFFFFF30] =	vst v9;
	v9 =	vld.idx.msk [tilespmem:v55+s12+$0x0], $0xffff  }
0x2c8: {  	[tilespmem:s21+$0xFFFFFFF0] =	vst v7;
	v55 =	vadd.s32 $0x640, v52;
	v7 =	vld.idx.msk [tilespmem:v54+s12+$0x0], $0xffff;
	v54 =	vadd.s32 $0xC80, v2  }
0x2c9: {  	v2 =	vld.idx.msk [tilespmem:v12+s12+$0x0], $0xffff;
	v62 =	vadd.s32 $0x960, v54;
	[tilespmem:s22+$0xC0] =	vst v58  }
0x2ca: {  	[tilespmem:s21+$0x70] =	vst v59;
	v58 =	vadd.s32 $0x320, v54;
	v12 =	vld.idx.msk [tilespmem:v13+s12+$0x0], $0xffff  }
0x2cb: {  	v53 =	vadd.s32 $0xC80, v53;
	v13 =	vadd.s32 $0x640, v54;
	[tilespmem:s22+$0xFFFFFFC0] =	vst v60;
	v60 =	vld.idx.msk [tilespmem:v5+s12+$0x0], $0xffff  }
0x2cc: {  	s24 =	simm.s32 $0x16400;
	[tilespmem:s22+$0x40] =	vst v6;
	v6 =	vld.idx.msk [tilespmem:v14+s12+$0x0], $0xffff;
	v14 =	vadd.s32 $0x960, v53  }
0x2cd: {  	[tilespmem:s24+$0x80] =	vst v9;
	v9 =	vld.idx.msk [tilespmem:v55+s12+$0x0], $0xffff  }
0x2ce: {  	[tilespmem:s24+$0xFFFFFF80] =	vst v7;
	v7 =	vld.idx.msk [tilespmem:v62+s12+$0x0], $0xffff  }
0x2cf: {  	v56 =	vadd.s32 $0xC80, v3;
	v62 =	vadd.s32 $0x320, v53;
	v58 =	vld.idx.msk [tilespmem:v58+s12+$0x0], $0xffff;
	[tilespmem:s24+$0x0] =	vst v2  }
0x2d0: {  	v3 =	vadd.s32 $0x960, v56;
	v2 =	vld.idx.msk [tilespmem:v13+s12+$0x0], $0xffff;
	[tilespmem:s22+$0xD0] =	vst v12  }
0x2d1: {  	[tilespmem:s24+$0xFFFFFF00] =	vst v8;
	v12 =	vadd.s32 $0x320, v56;
	v8 =	vld.idx.msk [tilespmem:v14+s12+$0x0], $0xffff  }
0x2d2: {  	v55 =	vadd.s32 $0xC80, v57;
	v13 =	vadd.s32 $0x640, v56;
	[tilespmem:s22+$0xFFFFFF40] =	vst v60;
	v14 =	vld.idx.msk [tilespmem:v54+s12+$0x0], $0xffff  }
0x2d3: {  	v60 =	vld.idx.msk [tilespmem:v52+s12+$0x0], $0xffff;
	[tilespmem:s22+$0xFFFFFFD0] =	vst v6;
	v6 =	vadd.s32 $0x960, v55  }
0x2d4: {  	[tilespmem:s24+$0x90] =	vst v7;
	v10 =	vld.idx.msk [tilespmem:v62+s12+$0x0], $0xffff  }
0x2d5: {  	[tilespmem:s24+$0xFFFFFF90] =	vst v58;
	v3 =	vld.idx.msk [tilespmem:v3+s12+$0x0], $0xffff  }
0x2d6: {  	v7 =	vadd.s32 $0x640, v53;
	v58 =	vadd.s32 $0xC80, v4;
	v59 =	vld.idx.msk [tilespmem:v12+s12+$0x0], $0xffff;
	[tilespmem:s24+$0x10] =	vst v2  }
0x2d7: {  	v2 =	vadd.s32 $0x960, v58;
	v4 =	vld.idx.msk [tilespmem:v13+s12+$0x0], $0xffff;
	[tilespmem:s22+$0xE0] =	vst v8  }
0x2d8: {  	v62 =	vadd.s32 $0x640, v58;
	[tilespmem:s24+$0xFFFFFF10] =	vst v14;
	v61 =	vld.idx.msk [tilespmem:v6+s12+$0x0], $0xffff  }
0x2d9: {  	v8 =	vadd.s32 $0x320, v58;
	[tilespmem:s22+$0xFFFFFF50] =	vst v60;
	v11 =	vld.idx.msk [tilespmem:v56+s12+$0x0], $0xffff  }
0x2da: {  	[tilespmem:s22+$0x50] =	vst v9;
	v12 =	vadd.s32 $0x320, v55;
	v63 =	vld.idx.msk [tilespmem:v53+s12+$0x0], $0xffff  }
0x2db: {  	v9 =	vld.idx.msk [tilespmem:v7+s12+$0x0], $0xffff;
	[tilespmem:s24+$0xA0] =	vst v3  }
0x2dc: {  	v6 =	vld.idx.msk [tilespmem:v2+s12+$0x0], $0xffff;
	[tilespmem:s24+$0x20] =	vst v4  }
0x2dd: {  	[tilespmem:s24+$0xFFFFFFA0] =	vst v59;
	v59 =	vadd.s32 $0xC80, v5;
	v3 =	vld.idx.msk [tilespmem:v62+s12+$0x0], $0xffff;
	v62 =	vadd.s32 $0x640, v55  }
0x2de: {  	[tilespmem:s22+$0xFFFFFFE0] =	vst v10;
	v2 =	vld.idx.msk [tilespmem:v8+s12+$0x0], $0xffff;
	v8 =	vadd.s32 $0x960, v59  }
0x2df: {  	v60 =	vadd.s32 $0xC80, v1;
	v1 =	vld.idx.msk [tilespmem:v12+s12+$0x0], $0xffff;
	v7 =	vadd.s32 $0x320, v59;
	[tilespmem:s22+$0xF0] =	vst v61  }
0x2e0: {  	v5 =	vadd.s32 $0x640, v59;
	[tilespmem:s24+$0xFFFFFF20] =	vst v11;
	v61 =	vld.idx.msk [tilespmem:v57+s12+$0x0], $0xffff  }
0x2e1: {  	s25 =	simm.s32 $0x8;
	v57 =	vmov v55;
	v4 =	vld.idx.msk [tilespmem:v58+s12+$0x0], $0xffff;
	[tilespmem:s22+$0x60] =	vst v9  }
.LBB2_4:
0x2e2: {  	v9 =	vadd.s32 $0x320, v60;
	v10 =	vadd.s32 $0x640, v60;
	v11 =	vadd.s32 $0x960, v60;
	s25 =	sadd.s32 $0x4, s25;
	[tilespmem:s24+$0xB0] =	vst v6;
	v6 =	vld.idx.msk [tilespmem:v62+s12+$0x0], $0xffff  }
0x2e3: {  	p1 =	slt.u32 s25, $0x3C;
	[tilespmem:s24+$0xFFFFFFB0] =	vst v2;
	v2 =	vld.idx.msk [tilespmem:v8+s12+$0x0], $0xffff  }
0x2e4: {  	v52 =	vadd.s32 $0xC80, v52;
	v7 =	vld.idx.msk [tilespmem:v7+s12+$0x0], $0xffff;
	[tilespmem:s24+$0x30] =	vst v3  }
0x2e5: {  	v8 =	vadd.s32 $0x640, v52;
	v12 =	vadd.s32 $0x960, v52;
	v3 =	vadd.s32 $0x320, v52;
	v5 =	vld.idx.msk [tilespmem:v5+s12+$0x0], $0xffff;
	[tilespmem:s22+$0xFFFFFF60] =	vst v63  }
0x2e6: {  	v62 =	vld.idx.msk [tilespmem:v60+s12+$0x0], $0xffff;
	[tilespmem:s24+$0xFFFFFF30] =	vst v4  }
0x2e7: {  	v4 =	vld.idx.msk [tilespmem:v11+s12+$0x0], $0xffff;
	[tilespmem:s22+$0xFFFFFFF0] =	vst v1  }
0x2e8: {  	v54 =	vadd.s32 $0xC80, v54;
	v1 =	vld.idx.msk [tilespmem:v9+s12+$0x0], $0xffff;
	[tilespmem:s22+$0x70] =	vst v6  }
0x2e9: {  	v11 =	vadd.s32 $0x960, v54;
	v6 =	vadd.s32 $0x320, v54;
	v9 =	vadd.s32 $0x640, v54;
	v10 =	vld.idx.msk [tilespmem:v10+s12+$0x0], $0xffff;
	[tilespmem:s24+$0xC0] =	vst v2  }
0x2ea: {  	[tilespmem:s24+$0xFFFFFFC0] =	vst v7;
	v2 =	vld.idx.msk [tilespmem:v12+s12+$0x0], $0xffff  }
0x2eb: {  	v53 =	vadd.s32 $0xC80, v53;
	v7 =	vld.idx.msk [tilespmem:v59+s12+$0x0], $0xffff;
	[tilespmem:s24+$0x40] =	vst v5  }
0x2ec: {  	v63 =	vadd.s32 $0x960, v53;
	v12 =	vadd.s32 $0x640, v53;
	v5 =	vadd.s32 $0x320, v53;
	v3 =	vld.idx.msk [tilespmem:v3+s12+$0x0], $0xffff;
	[tilespmem:s21+$0xFFFFFF70] =	vst v61;
	s21 =	smov.u32 s22;
	s22 =	smov.u32 s24;
	s24 =	sadd.s32 $0x200, s24  }
0x2ed: {  	[tilespmem:s24+$0x80] =	vst v4;
	v4 =	vld.idx.msk [tilespmem:v8+s12+$0x0], $0xffff  }
0x2ee: {  	[tilespmem:s24+$0xFFFFFF80] =	vst v1;
	v1 =	vld.idx.msk [tilespmem:v11+s12+$0x0], $0xffff  }
0x2ef: {  	v56 =	vadd.s32 $0xC80, v56;
	v6 =	vld.idx.msk [tilespmem:v6+s12+$0x0], $0xffff;
	[tilespmem:s24+$0x0] =	vst v10  }
0x2f0: {  	v8 =	vadd.s32 $0x320, v56;
	v11 =	vadd.s32 $0x960, v56;
	v10 =	vadd.s32 $0x640, v56;
	v9 =	vld.idx.msk [tilespmem:v9+s12+$0x0], $0xffff;
	[tilespmem:s22+$0xD0] =	vst v2  }
0x2f1: {  	[tilespmem:s24+$0xFFFFFF00] =	vst v62;
	v2 =	vld.idx.msk [tilespmem:v63+s12+$0x0], $0xffff  }
0x2f2: {  	v55 =	vadd.s32 $0xC80, v55;
	v61 =	vld.idx.msk [tilespmem:v54+s12+$0x0], $0xffff;
	[tilespmem:s22+$0xFFFFFF40] =	vst v7  }
0x2f3: {  	v13 =	vadd.s32 $0x320, v55;
	v62 =	vadd.s32 $0x640, v55;
	v7 =	vld.idx.msk [tilespmem:v52+s12+$0x0], $0xffff;
	[tilespmem:s22+$0xFFFFFFD0] =	vst v3;
	v3 =	vadd.s32 $0x960, v55  }
0x2f4: {  	[tilespmem:s24+$0x90] =	vst v1;
	v1 =	vld.idx.msk [tilespmem:v5+s12+$0x0], $0xffff  }
0x2f5: {  	[tilespmem:s24+$0xFFFFFF90] =	vst v6;
	v5 =	vld.idx.msk [tilespmem:v11+s12+$0x0], $0xffff  }
0x2f6: {  	v58 =	vadd.s32 $0xC80, v58;
	v6 =	vld.idx.msk [tilespmem:v8+s12+$0x0], $0xffff;
	[tilespmem:s24+$0x10] =	vst v9  }
0x2f7: {  	v11 =	vadd.s32 $0x960, v58;
	v8 =	vadd.s32 $0x320, v58;
	v9 =	vadd.s32 $0x640, v58;
	v10 =	vld.idx.msk [tilespmem:v10+s12+$0x0], $0xffff;
	[tilespmem:s22+$0xE0] =	vst v2  }
0x2f8: {  	[tilespmem:s24+$0xFFFFFF10] =	vst v61;
	v61 =	vld.idx.msk [tilespmem:v3+s12+$0x0], $0xffff  }
0x2f9: {  	v14 =	vld.idx.msk [tilespmem:v56+s12+$0x0], $0xffff;
	[tilespmem:s22+$0x50] =	vst v4  }
0x2fa: {  	[tilespmem:s22+$0xFFFFFF50] =	vst v7;
	v12 =	vld.idx.msk [tilespmem:v12+s12+$0x0], $0xffff  }
0x2fb: {  	[tilespmem:s24+$0xA0] =	vst v5;
	v63 =	vld.idx.msk [tilespmem:v53+s12+$0x0], $0xffff  }
0x2fc: {  	[tilespmem:s24+$0xFFFFFFA0] =	vst v6;
	v6 =	vld.idx.msk [tilespmem:v11+s12+$0x0], $0xffff  }
.Ltmp1:
0x2fd: {  	v59 =	vadd.s32 $0xC80, v59;
	v2 =	vld.idx.msk [tilespmem:v8+s12+$0x0], $0xffff;
	[tilespmem:s24+$0x20] =	vst v10;
	(pc) =	sbr.rel @p1 .LBB2_4-.Ltmp1, $4  }
0x2fe: {  	v7 =	vadd.s32 $0x320, v59;
	v5 =	vadd.s32 $0x640, v59;
	v8 =	vadd.s32 $0x960, v59;
	v3 =	vld.idx.msk [tilespmem:v9+s12+$0x0], $0xffff;
	[tilespmem:s22+$0xF0] =	vst v61  }
0x2ff: {  	[tilespmem:s24+$0xFFFFFF20] =	vst v14;
	v61 =	vld.idx.msk [tilespmem:v57+s12+$0x0], $0xffff;
	v57 =	vmov v55  }
0x300: {  	v4 =	vld.idx.msk [tilespmem:v58+s12+$0x0], $0xffff;
	[tilespmem:s22+$0xFFFFFFE0] =	vst v1  }
0x301: {  	v60 =	vadd.s32 $0xC80, v60;
	v1 =	vld.idx.msk [tilespmem:v13+s12+$0x0], $0xffff;
	[tilespmem:s22+$0x60] =	vst v12  }
0x302: {  	_ =	sdelay $0x2  }
0x303: {  	[tilespmem:s24+$0xB0] =	vst v6  }
0x304: {  	[tilespmem:s24+$0xFFFFFFB0] =	vst v2;
	v6 =	vadd.s32 $0xC80, v52;
	v2 =	vld.idx.msk [tilespmem:v8+s12+$0x0], $0xffff  }
0x305: {  	v7 =	vld.idx.msk [tilespmem:v7+s12+$0x0], $0xffff;
	[tilespmem:s24+$0x30] =	vst v3;
	v3 =	vadd.s32 $0x960, v6  }
0x306: {  	v8 =	vadd.s32 $0x320, v6;
	v5 =	vld.idx.msk [tilespmem:v5+s12+$0x0], $0xffff  }
0x307: {  	[tilespmem:s24+$0xFFFFFF30] =	vst v4  }
0x308: {  	v9 =	vadd.s32 $0x640, v6;
	v4 =	vld.idx.msk [tilespmem:v59+s12+$0x0], $0xffff  }
0x309: {  	[tilespmem:s24+$0xC0] =	vst v2  }
0x30a: {  	[tilespmem:s24+$0xFFFFFFC0] =	vst v7;
	v2 =	vld.idx.msk [tilespmem:v3+s12+$0x0], $0xffff;
	v3 =	vadd.s32 $0xC80, v53  }
0x30b: {  	[tilespmem:s24+$0x40] =	vst v5;
	v5 =	vld.idx.msk [tilespmem:v8+s12+$0x0], $0xffff;
	v7 =	vadd.s32 $0x960, v3  }
0x30c: {  	v8 =	vadd.s32 $0x320, v3  }
0x30d: {  	v9 =	vld.idx.msk [tilespmem:v9+s12+$0x0], $0xffff;
	[tilespmem:s24+$0xFFFFFF40] =	vst v4  }
0x30e: {  	v10 =	vadd.s32 $0x640, v3;
	v4 =	vld.idx.msk [tilespmem:v6+s12+$0x0], $0xffff  }
0x30f: {  	[tilespmem:s24+$0xD0] =	vst v2  }
0x310: {  	v6 =	vadd.s32 $0xC80, v55;
	[tilespmem:s24+$0xFFFFFFD0] =	vst v5;
	v2 =	vld.idx.msk [tilespmem:v7+s12+$0x0], $0xffff  }
0x311: {  	[tilespmem:s22+$0xFFFFFF60] =	vst v63;
	v5 =	vadd.s32 $0x960, v6;
	v7 =	vld.idx.msk [tilespmem:v8+s12+$0x0], $0xffff  }
0x312: {  	[tilespmem:s24+$0x50] =	vst v9;
	v8 =	vadd.s32 $0x320, v6  }
0x313: {  	v9 =	vld.idx.msk [tilespmem:v10+s12+$0x0], $0xffff;
	[tilespmem:s24+$0xFFFFFF50] =	vst v4  }
0x314: {  	[tilespmem:s22+$0xFFFFFFF0] =	vst v1;
	v11 =	vadd.s32 $0x640, v6;
	v1 =	vld.idx.msk [tilespmem:v3+s12+$0x0], $0xffff  }
0x315: {  	v10 =	vld.idx.msk [tilespmem:v62+s12+$0x0], $0xffff;
	[tilespmem:s24+$0xE0] =	vst v2  }
0x316: {  	[tilespmem:s24+$0xFFFFFFE0] =	vst v7;
	v2 =	vld.idx.msk [tilespmem:v5+s12+$0x0], $0xffff  }
0x317: {  	[tilespmem:s21+$0xFFFFFF70] =	vst v61;
	v3 =	vld.idx.msk [tilespmem:v8+s12+$0x0], $0xffff  }
0x318: {  	[tilespmem:s24+$0x60] =	vst v9;
	v5 =	vld.idx.msk [tilespmem:v57+s12+$0x0], $0xffff  }
0x319: {  	v4 =	vld.idx.msk [tilespmem:v11+s12+$0x0], $0xffff;
	[tilespmem:s24+$0xFFFFFF60] =	vst v1  }
0x31a: {  	[tilespmem:s22+$0x70] =	vst v10;
	v1 =	vld.idx.msk [tilespmem:v6+s12+$0x0], $0xffff  }
0x31b: {  	s29 =	sshll.u32 s23, $0x13;
	[tilespmem:s24+$0xF0] =	vst v2  }
0x31c: {  	s21 =	sor.u32 s7, s29;
	[tilespmem:s24+$0xFFFFFFF0] =	vst v3  }
0x31d: {  	s21 =	sshrl.u32 s21, $0x3;
	[tilespmem:s22+$0xFFFFFF70] =	vst v5  }
0x31e: {  	s30 =	sadd.s32 s2, s21;
	s21 =	sor.u32 $0x1, s20;
	[tilespmem:s24+$0x70] =	vst v4  }
0x31f: {  	s22 =	simm.s32 @!p0 $0x2;
	[tilespmem:s24+$0xFFFFFF70] =	vst v1;
	v1 =	vadd.s32 s21, v51  }
0x320: {  	[hbm4b:s30+s13] =	stream.strided.scatter [tilespmem:s15], [sflag:$0x1], $0x2000, s14, s13, $0x38;
	[tilespmem:$0x19F00] =	vst v63  }
0x321: {  	_ =	swait.ge @!p0 [sflag:s22], $0x2000  }
0x322: {  	[sflag:s22] =	ssyncset.done @!p0 $0x0  }
0x323: {  	[sflag:s22] =	ssyncadd.s32 @!p0 $0xFFFFE000  }
0x324: {  	s31 =	sadd.s32 $0xC81, s20;
	v1 =	vld.idx.msk [tilespmem:v1+s3+$0x0], $0xffff  }
0x325: {  	s25 =	sadd.s32 $0x2581, s20;
	v2 =	vadd.s32 s31, v51  }
0x326: {  	s26 =	sor.u32 $0x3201, s20;
	v4 =	vadd.s32 s25, v51  }
0x327: {  	s29 =	sadd.s32 $0x3E81, s20;
	v5 =	vadd.s32 s26, v51  }
0x328: {  	s28 =	sshll.u32 s21, $0x2;
	v6 =	vadd.s32 s29, v51;
	s24 =	sor.u32 $0x1901, s20  }
0x329: {  	v3 =	vadd.s32 s24, v51;
	v1 =	vadd.s32 s28, v1  }
0x32a: {  	v2 =	vld.idx.msk [tilespmem:v2+s3+$0x0], $0xffff;
	v7 =	vadd.s32 $0x960, v1  }
0x32b: {  	v4 =	vld.idx.msk [tilespmem:v4+s3+$0x0], $0xffff;
	v8 =	vadd.s32 $0x320, v1  }
0x32c: {  	s31 =	sadd.s32 $0x5781, s20;
	v5 =	vld.idx.msk [tilespmem:v5+s3+$0x0], $0xffff;
	v9 =	vadd.s32 $0x640, v1  }
0x32d: {  	v11 =	vadd.s32 s31, v51;
	s30 =	sor.u32 $0x4B01, s20;
	v6 =	vld.idx.msk [tilespmem:v6+s3+$0x0], $0xffff  }
0x32e: {  	v10 =	vadd.s32 s30, v51;
	v3 =	vld.idx.msk [tilespmem:v3+s3+$0x0], $0xffff  }
0x32f: {  	v2 =	vadd.s32 s28, v2;
	v7 =	vld.idx.msk [tilespmem:v7+s12+$0x0], $0xffff  }
0x330: {  	v12 =	vadd.s32 $0x960, v2;
	v8 =	vld.idx.msk [tilespmem:v8+s12+$0x0], $0xffff  }
0x331: {  	v13 =	vadd.s32 $0x320, v2;
	v9 =	vld.idx.msk [tilespmem:v9+s12+$0x0], $0xffff  }
0x332: {  	v11 =	vld.idx.msk [tilespmem:v11+s3+$0x0], $0xffff  }
0x333: {  	s20 =	simm.s32 $0x18000;
	v10 =	vld.idx.msk [tilespmem:v10+s3+$0x0], $0xffff;
	v14 =	vadd.s32 $0x640, v2  }
0x334: {  	v61 =	vld.idx.msk [tilespmem:v1+s12+$0x0], $0xffff;
	[tilespmem:s20+$0x80] =	vst v7  }
0x335: {  	v3 =	vadd.s32 s28, v3;
	[tilespmem:s20+$0xFFFFFF80] =	vst v8;
	v7 =	vld.idx.msk [tilespmem:v12+s12+$0x0], $0xffff  }
0x336: {  	[tilespmem:s20+$0x0] =	vst v9;
	v9 =	vadd.s32 $0x960, v3;
	v8 =	vld.idx.msk [tilespmem:v13+s12+$0x0], $0xffff  }
0x337: {  	v62 =	vadd.s32 $0x320, v3  }
0x338: {  	v63 =	vld.idx.msk [tilespmem:v14+s12+$0x0], $0xffff  }
0x339: {  	v56 =	vadd.s32 $0x640, v3;
	[tilespmem:s20+$0xFFFFFF00] =	vst v61  }
0x33a: {  	v52 =	vld.idx.msk [tilespmem:v2+s12+$0x0], $0xffff;
	[tilespmem:s20+$0x90] =	vst v7  }
0x33b: {  	v4 =	vadd.s32 s28, v4;
	[tilespmem:s20+$0xFFFFFF90] =	vst v8;
	v7 =	vld.idx.msk [tilespmem:v9+s12+$0x0], $0xffff  }
0x33c: {  	v8 =	vld.idx.msk [tilespmem:v62+s12+$0x0], $0xffff;
	v9 =	vadd.s32 $0x960, v4  }
0x33d: {  	v57 =	vadd.s32 $0x320, v4;
	[tilespmem:s20+$0x10] =	vst v63  }
0x33e: {  	v13 =	vld.idx.msk [tilespmem:v56+s12+$0x0], $0xffff  }
0x33f: {  	v58 =	vadd.s32 $0x640, v4;
	[tilespmem:s20+$0xFFFFFF10] =	vst v52  }
0x340: {  	v1 =	vadd.s32 $0xC80, v1;
	v52 =	vld.idx.msk [tilespmem:v3+s12+$0x0], $0xffff;
	[tilespmem:s20+$0xA0] =	vst v7  }
0x341: {  	v5 =	vadd.s32 s28, v5;
	[tilespmem:s20+$0xFFFFFFA0] =	vst v8;
	v7 =	vld.idx.msk [tilespmem:v9+s12+$0x0], $0xffff  }
0x342: {  	v8 =	vld.idx.msk [tilespmem:v57+s12+$0x0], $0xffff;
	v9 =	vadd.s32 $0x960, v5  }
0x343: {  	v59 =	vadd.s32 $0x320, v5;
	[tilespmem:s20+$0x20] =	vst v13  }
0x344: {  	v61 =	vadd.s32 $0x960, v1;
	v13 =	vld.idx.msk [tilespmem:v58+s12+$0x0], $0xffff  }
0x345: {  	v60 =	vadd.s32 $0x640, v5;
	v54 =	vld.idx.msk [tilespmem:v1+s12+$0x0], $0xffff;
	[tilespmem:s20+$0xFFFFFF20] =	vst v52  }
0x346: {  	v52 =	vld.idx.msk [tilespmem:v4+s12+$0x0], $0xffff;
	[tilespmem:s20+$0xB0] =	vst v7;
	v7 =	vadd.s32 $0x320, v1  }
0x347: {  	[tilespmem:s20+$0xFFFFFFB0] =	vst v8;
	v8 =	vld.idx.msk [tilespmem:v9+s12+$0x0], $0xffff;
	v9 =	vadd.s32 $0x640, v1  }
0x348: {  	v6 =	vadd.s32 s28, v6;
	v12 =	vld.idx.msk [tilespmem:v59+s12+$0x0], $0xffff  }
0x349: {  	v53 =	vld.idx.msk [tilespmem:v61+s12+$0x0], $0xffff;
	v62 =	vadd.s32 $0x960, v6;
	[tilespmem:s20+$0x30] =	vst v13  }
0x34a: {  	v63 =	vadd.s32 $0x320, v6;
	v13 =	vld.idx.msk [tilespmem:v60+s12+$0x0], $0xffff  }
0x34b: {  	v2 =	vadd.s32 $0xC80, v2;
	v56 =	vadd.s32 $0x640, v6;
	[tilespmem:s20+$0xFFFFFF30] =	vst v52;
	v7 =	vld.idx.msk [tilespmem:v7+s12+$0x0], $0xffff  }
0x34c: {  	v60 =	vadd.s32 $0x960, v2;
	v9 =	vld.idx.msk [tilespmem:v9+s12+$0x0], $0xffff;
	[tilespmem:s20+$0xC0] =	vst v8  }
0x34d: {  	s22 =	simm.s32 $0x18200;
	v8 =	vadd.s32 $0x320, v2;
	[tilespmem:s20+$0xFFFFFFC0] =	vst v12;
	v12 =	vld.idx.msk [tilespmem:v5+s12+$0x0], $0xffff  }
0x34e: {  	v61 =	vadd.s32 $0x640, v2;
	[tilespmem:s22+$0xFFFFFF00] =	vst v54;
	v14 =	vld.idx.msk [tilespmem:v62+s12+$0x0], $0xffff  }
0x34f: {  	[tilespmem:s20+$0x40] =	vst v13;
	v13 =	vld.idx.msk [tilespmem:v63+s12+$0x0], $0xffff  }
0x350: {  	v10 =	vadd.s32 s28, v10;
	[tilespmem:s22+$0x80] =	vst v53;
	v53 =	vld.idx.msk [tilespmem:v56+s12+$0x0], $0xffff  }
0x351: {  	v62 =	vadd.s32 $0x960, v10;
	[tilespmem:s22+$0xFFFFFF80] =	vst v7;
	v7 =	vld.idx.msk [tilespmem:v60+s12+$0x0], $0xffff  }
0x352: {  	v3 =	vadd.s32 $0xC80, v3;
	v63 =	vadd.s32 $0x320, v10;
	v8 =	vld.idx.msk [tilespmem:v8+s12+$0x0], $0xffff;
	[tilespmem:s22+$0x0] =	vst v9  }
0x353: {  	v52 =	vadd.s32 $0x960, v3;
	[tilespmem:s20+$0xFFFFFF40] =	vst v12;
	v9 =	vld.idx.msk [tilespmem:v61+s12+$0x0], $0xffff  }
0x354: {  	[tilespmem:s20+$0xD0] =	vst v14;
	v14 =	vadd.s32 $0x320, v3;
	v61 =	vld.idx.msk [tilespmem:v2+s12+$0x0], $0xffff  }
0x355: {  	v57 =	vadd.s32 s28, v11;
	v11 =	vadd.s32 $0x640, v3;
	v12 =	vld.idx.msk [tilespmem:v6+s12+$0x0], $0xffff  }
0x356: {  	[tilespmem:s20+$0xFFFFFFD0] =	vst v13;
	v60 =	vld.idx.msk [tilespmem:v62+s12+$0x0], $0xffff  }
0x357: {  	v62 =	vadd.s32 $0x960, v57;
	[tilespmem:s22+$0x90] =	vst v7;
	v7 =	vld.idx.msk [tilespmem:v63+s12+$0x0], $0xffff  }
0x358: {  	v63 =	vadd.s32 $0x640, v10;
	[tilespmem:s22+$0xFFFFFF90] =	vst v8;
	v8 =	vld.idx.msk [tilespmem:v52+s12+$0x0], $0xffff  }
0x359: {  	v4 =	vadd.s32 $0xC80, v4;
	v14 =	vld.idx.msk [tilespmem:v14+s12+$0x0], $0xffff;
	[tilespmem:s22+$0x10] =	vst v9  }
0x35a: {  	[tilespmem:s22+$0xFFFFFF10] =	vst v61;
	v9 =	vld.idx.msk [tilespmem:v11+s12+$0x0], $0xffff;
	v11 =	vadd.s32 $0x960, v4  }
0x35b: {  	v52 =	vadd.s32 $0x320, v4;
	[tilespmem:s20+$0xE0] =	vst v60;
	v55 =	vld.idx.msk [tilespmem:v3+s12+$0x0], $0xffff  }
0x35c: {  	[tilespmem:s20+$0x50] =	vst v53;
	v60 =	vadd.s32 $0x640, v4;
	v13 =	vld.idx.msk [tilespmem:v62+s12+$0x0], $0xffff  }
0x35d: {  	[tilespmem:s20+$0xFFFFFF50] =	vst v12;
	v61 =	vld.idx.msk [tilespmem:v63+s12+$0x0], $0xffff  }
0x35e: {  	v62 =	vadd.s32 $0x320, v57;
	[tilespmem:s22+$0xA0] =	vst v8;
	v8 =	vld.idx.msk [tilespmem:v10+s12+$0x0], $0xffff  }
0x35f: {  	v5 =	vadd.s32 $0xC80, v5;
	v63 =	vadd.s32 $0x640, v57;
	[tilespmem:s22+$0xFFFFFFA0] =	vst v14;
	v11 =	vld.idx.msk [tilespmem:v11+s12+$0x0], $0xffff  }
0x360: {  	v14 =	vld.idx.msk [tilespmem:v52+s12+$0x0], $0xffff;
	[tilespmem:s22+$0x20] =	vst v9;
	v9 =	vadd.s32 $0x960, v5  }
0x361: {  	v52 =	vadd.s32 $0x320, v5;
	[tilespmem:s22+$0xFFFFFF20] =	vst v55;
	v54 =	vld.idx.msk [tilespmem:v60+s12+$0x0], $0xffff  }
0x362: {  	[tilespmem:s20+$0xFFFFFFE0] =	vst v7;
	v60 =	vadd.s32 $0x640, v5;
	v58 =	vld.idx.msk [tilespmem:v4+s12+$0x0], $0xffff  }
0x363: {  	v1 =	vadd.s32 $0xC80, v1;
	v7 =	vld.idx.msk [tilespmem:v62+s12+$0x0], $0xffff;
	[tilespmem:s20+$0x60] =	vst v61  }
0x364: {  	v62 =	vadd.s32 $0x320, v1;
	[tilespmem:s22+$0xB0] =	vst v11;
	v11 =	vld.idx.msk [tilespmem:v63+s12+$0x0], $0xffff  }
0x365: {  	v61 =	vadd.s32 $0x960, v1;
	[tilespmem:s22+$0xFFFFFFB0] =	vst v14;
	v9 =	vld.idx.msk [tilespmem:v9+s12+$0x0], $0xffff  }
0x366: {  	v63 =	vadd.s32 $0x640, v1;
	v56 =	vld.idx.msk [tilespmem:v52+s12+$0x0], $0xffff;
	[tilespmem:s22+$0x30] =	vst v54;
	v52 =	vadd.s32 $0xC80, v6  }
0x367: {  	[tilespmem:s20+$0xF0] =	vst v13;
	v6 =	vld.idx.msk [tilespmem:v60+s12+$0x0], $0xffff;
	v60 =	vadd.s32 $0x960, v52  }
0x368: {  	[tilespmem:s20+$0xFFFFFF60] =	vst v8;
	v8 =	vld.idx.msk [tilespmem:v1+s12+$0x0], $0xffff  }
0x369: {  	[tilespmem:s20+$0xFFFFFFF0] =	vst v7;
	v7 =	vld.idx.msk [tilespmem:v62+s12+$0x0], $0xffff;
	v55 =	vadd.s32 $0x320, v52  }
0x36a: {  	[tilespmem:s22+$0xFFFFFF30] =	vst v58;
	v54 =	vadd.s32 $0xC80, v2;
	v12 =	vld.idx.msk [tilespmem:v61+s12+$0x0], $0xffff;
	v61 =	vadd.s32 $0x640, v52  }
0x36b: {  	v62 =	vadd.s32 $0x960, v54;
	v2 =	vld.idx.msk [tilespmem:v63+s12+$0x0], $0xffff;
	[tilespmem:s22+$0xC0] =	vst v9  }
0x36c: {  	[tilespmem:s20+$0x70] =	vst v11;
	v9 =	vadd.s32 $0x320, v54;
	v11 =	vld.idx.msk [tilespmem:v60+s12+$0x0], $0xffff  }
0x36d: {  	v63 =	vadd.s32 $0x640, v54;
	[tilespmem:s22+$0xFFFFFFC0] =	vst v56;
	v60 =	vld.idx.msk [tilespmem:v5+s12+$0x0], $0xffff  }
0x36e: {  	s24 =	simm.s32 $0x18400;
	v53 =	vadd.s32 $0xC80, v10;
	[tilespmem:s22+$0x40] =	vst v6;
	v6 =	vld.idx.msk [tilespmem:v55+s12+$0x0], $0xffff  }
0x36f: {  	v10 =	vadd.s32 $0x960, v53;
	[tilespmem:s24+$0x80] =	vst v12;
	v61 =	vld.idx.msk [tilespmem:v61+s12+$0x0], $0xffff  }
0x370: {  	[tilespmem:s24+$0xFFFFFF80] =	vst v7;
	v7 =	vld.idx.msk [tilespmem:v62+s12+$0x0], $0xffff  }
0x371: {  	v62 =	vadd.s32 $0x320, v53;
	[tilespmem:s24+$0x0] =	vst v2;
	v9 =	vld.idx.msk [tilespmem:v9+s12+$0x0], $0xffff  }
0x372: {  	[tilespmem:s24+$0xFFFFFF00] =	vst v8;
	v56 =	vadd.s32 $0xC80, v3;
	v2 =	vld.idx.msk [tilespmem:v63+s12+$0x0], $0xffff  }
0x373: {  	v3 =	vadd.s32 $0x960, v56;
	v63 =	vld.idx.msk [tilespmem:v54+s12+$0x0], $0xffff;
	[tilespmem:s22+$0xD0] =	vst v11  }
0x374: {  	v11 =	vadd.s32 $0x320, v56;
	[tilespmem:s22+$0xFFFFFF40] =	vst v60;
	v8 =	vld.idx.msk [tilespmem:v10+s12+$0x0], $0xffff  }
0x375: {  	[tilespmem:s22+$0xFFFFFFD0] =	vst v6;
	v59 =	vld.idx.msk [tilespmem:v52+s12+$0x0], $0xffff  }
0x376: {  	v10 =	vadd.s32 $0x640, v56;
	[tilespmem:s24+$0x90] =	vst v7;
	v14 =	vld.idx.msk [tilespmem:v62+s12+$0x0], $0xffff  }
0x377: {  	v55 =	vadd.s32 $0xC80, v57;
	v7 =	vadd.s32 $0x640, v53;
	[tilespmem:s22+$0x50] =	vst v61;
	v61 =	vld.idx.msk [tilespmem:v57+s12+$0x0], $0xffff  }
0x378: {  	v6 =	vadd.s32 $0x960, v55;
	v3 =	vld.idx.msk [tilespmem:v3+s12+$0x0], $0xffff;
	[tilespmem:s24+$0xFFFFFF90] =	vst v9  }
0x379: {  	v58 =	vadd.s32 $0xC80, v4;
	[tilespmem:s24+$0xFFFFFF10] =	vst v63;
	v9 =	vld.idx.msk [tilespmem:v11+s12+$0x0], $0xffff  }
0x37a: {  	[tilespmem:s24+$0x10] =	vst v2;
	v2 =	vadd.s32 $0x960, v58;
	v13 =	vld.idx.msk [tilespmem:v56+s12+$0x0], $0xffff  }
0x37b: {  	v4 =	vld.idx.msk [tilespmem:v10+s12+$0x0], $0xffff;
	[tilespmem:s22+$0xE0] =	vst v8;
	v8 =	vadd.s32 $0x320, v58  }
0x37c: {  	v11 =	vadd.s32 $0x640, v58;
	[tilespmem:s22+$0xFFFFFF50] =	vst v59;
	v12 =	vld.idx.msk [tilespmem:v7+s12+$0x0], $0xffff  }
0x37d: {  	v15 =	vadd.s32 $0x320, v55;
	[tilespmem:s22+$0xFFFFFFE0] =	vst v14;
	v10 =	vld.idx.msk [tilespmem:v6+s12+$0x0], $0xffff  }
0x37e: {  	[tilespmem:s24+$0xA0] =	vst v3;
	v63 =	vld.idx.msk [tilespmem:v53+s12+$0x0], $0xffff  }
0x37f: {  	v62 =	vadd.s32 $0x640, v55;
	v59 =	vadd.s32 $0xC80, v5;
	v6 =	vld.idx.msk [tilespmem:v2+s12+$0x0], $0xffff;
	[tilespmem:s24+$0xFFFFFFA0] =	vst v9  }
0x380: {  	v2 =	vld.idx.msk [tilespmem:v8+s12+$0x0], $0xffff;
	[tilespmem:s24+$0x20] =	vst v4;
	v8 =	vadd.s32 $0x960, v59  }
0x381: {  	v7 =	vadd.s32 $0x320, v59;
	[tilespmem:s24+$0xFFFFFF20] =	vst v13;
	v3 =	vld.idx.msk [tilespmem:v11+s12+$0x0], $0xffff  }
0x382: {  	v60 =	vadd.s32 $0xC80, v1;
	v5 =	vadd.s32 $0x640, v59;
	v1 =	vld.idx.msk [tilespmem:v15+s12+$0x0], $0xffff;
	[tilespmem:s22+$0x60] =	vst v12  }
0x383: {  	s25 =	simm.s32 $0x8;
	v57 =	vmov v55;
	v4 =	vld.idx.msk [tilespmem:v58+s12+$0x0], $0xffff;
	[tilespmem:s22+$0xF0] =	vst v10  }
.LBB2_6:
0x384: {  	v9 =	vadd.s32 $0x320, v60;
	v10 =	vadd.s32 $0x640, v60;
	v11 =	vadd.s32 $0x960, v60;
	s25 =	sadd.s32 $0x4, s25;
	[tilespmem:s24+$0xB0] =	vst v6;
	v6 =	vld.idx.msk [tilespmem:v62+s12+$0x0], $0xffff  }
0x385: {  	p0 =	slt.u32 s25, $0x3C;
	[tilespmem:s24+$0xFFFFFFB0] =	vst v2;
	v2 =	vld.idx.msk [tilespmem:v8+s12+$0x0], $0xffff  }
0x386: {  	v52 =	vadd.s32 $0xC80, v52;
	v7 =	vld.idx.msk [tilespmem:v7+s12+$0x0], $0xffff;
	[tilespmem:s24+$0x30] =	vst v3  }
0x387: {  	v8 =	vadd.s32 $0x640, v52;
	v12 =	vadd.s32 $0x960, v52;
	v3 =	vadd.s32 $0x320, v52;
	v5 =	vld.idx.msk [tilespmem:v5+s12+$0x0], $0xffff;
	[tilespmem:s22+$0xFFFFFF60] =	vst v63  }
0x388: {  	v13 =	vld.idx.msk [tilespmem:v60+s12+$0x0], $0xffff;
	[tilespmem:s24+$0xFFFFFF30] =	vst v4  }
0x389: {  	v4 =	vld.idx.msk [tilespmem:v11+s12+$0x0], $0xffff;
	[tilespmem:s22+$0xFFFFFFF0] =	vst v1  }
0x38a: {  	v54 =	vadd.s32 $0xC80, v54;
	v1 =	vld.idx.msk [tilespmem:v9+s12+$0x0], $0xffff;
	[tilespmem:s22+$0x70] =	vst v6  }
0x38b: {  	v11 =	vadd.s32 $0x960, v54;
	v6 =	vadd.s32 $0x320, v54;
	v9 =	vadd.s32 $0x640, v54;
	v10 =	vld.idx.msk [tilespmem:v10+s12+$0x0], $0xffff;
	[tilespmem:s24+$0xC0] =	vst v2  }
0x38c: {  	[tilespmem:s24+$0xFFFFFFC0] =	vst v7;
	v2 =	vld.idx.msk [tilespmem:v12+s12+$0x0], $0xffff  }
0x38d: {  	v53 =	vadd.s32 $0xC80, v53;
	v7 =	vld.idx.msk [tilespmem:v59+s12+$0x0], $0xffff;
	[tilespmem:s24+$0x40] =	vst v5  }
0x38e: {  	v14 =	vadd.s32 $0x960, v53;
	v12 =	vadd.s32 $0x640, v53;
	v5 =	vadd.s32 $0x320, v53;
	v3 =	vld.idx.msk [tilespmem:v3+s12+$0x0], $0xffff;
	[tilespmem:s20+$0xFFFFFF70] =	vst v61;
	s20 =	smov.u32 s22;
	s22 =	smov.u32 s24;
	s24 =	sadd.s32 $0x200, s24  }
0x38f: {  	[tilespmem:s24+$0x80] =	vst v4;
	v4 =	vld.idx.msk [tilespmem:v8+s12+$0x0], $0xffff  }
0x390: {  	[tilespmem:s24+$0xFFFFFF80] =	vst v1;
	v1 =	vld.idx.msk [tilespmem:v11+s12+$0x0], $0xffff  }
0x391: {  	v56 =	vadd.s32 $0xC80, v56;
	v6 =	vld.idx.msk [tilespmem:v6+s12+$0x0], $0xffff;
	[tilespmem:s24+$0x0] =	vst v10  }
0x392: {  	v8 =	vadd.s32 $0x320, v56;
	v11 =	vadd.s32 $0x960, v56;
	v10 =	vadd.s32 $0x640, v56;
	v9 =	vld.idx.msk [tilespmem:v9+s12+$0x0], $0xffff;
	[tilespmem:s22+$0xD0] =	vst v2  }
0x393: {  	[tilespmem:s24+$0xFFFFFF00] =	vst v13;
	v2 =	vld.idx.msk [tilespmem:v14+s12+$0x0], $0xffff  }
0x394: {  	v55 =	vadd.s32 $0xC80, v55;
	v13 =	vld.idx.msk [tilespmem:v54+s12+$0x0], $0xffff;
	[tilespmem:s22+$0xFFFFFF40] =	vst v7  }
0x395: {  	v62 =	vadd.s32 $0x640, v55;
	v14 =	vadd.s32 $0x320, v55;
	v7 =	vld.idx.msk [tilespmem:v52+s12+$0x0], $0xffff;
	[tilespmem:s22+$0xFFFFFFD0] =	vst v3;
	v3 =	vadd.s32 $0x960, v55  }
0x396: {  	[tilespmem:s24+$0x90] =	vst v1;
	v1 =	vld.idx.msk [tilespmem:v5+s12+$0x0], $0xffff  }
0x397: {  	[tilespmem:s24+$0xFFFFFF90] =	vst v6;
	v5 =	vld.idx.msk [tilespmem:v11+s12+$0x0], $0xffff  }
0x398: {  	v58 =	vadd.s32 $0xC80, v58;
	v6 =	vld.idx.msk [tilespmem:v8+s12+$0x0], $0xffff;
	[tilespmem:s24+$0x10] =	vst v9  }
0x399: {  	v11 =	vadd.s32 $0x960, v58;
	v8 =	vadd.s32 $0x320, v58;
	v9 =	vadd.s32 $0x640, v58;
	v10 =	vld.idx.msk [tilespmem:v10+s12+$0x0], $0xffff;
	[tilespmem:s22+$0xE0] =	vst v2  }
0x39a: {  	[tilespmem:s24+$0xFFFFFF10] =	vst v13;
	v13 =	vld.idx.msk [tilespmem:v3+s12+$0x0], $0xffff  }
0x39b: {  	v15 =	vld.idx.msk [tilespmem:v56+s12+$0x0], $0xffff;
	[tilespmem:s22+$0x50] =	vst v4  }
0x39c: {  	[tilespmem:s22+$0xFFFFFF50] =	vst v7;
	v12 =	vld.idx.msk [tilespmem:v12+s12+$0x0], $0xffff  }
0x39d: {  	[tilespmem:s24+$0xA0] =	vst v5;
	v63 =	vld.idx.msk [tilespmem:v53+s12+$0x0], $0xffff  }
0x39e: {  	[tilespmem:s24+$0xFFFFFFA0] =	vst v6;
	v6 =	vld.idx.msk [tilespmem:v11+s12+$0x0], $0xffff  }
.Ltmp2:
0x39f: {  	v59 =	vadd.s32 $0xC80, v59;
	v2 =	vld.idx.msk [tilespmem:v8+s12+$0x0], $0xffff;
	[tilespmem:s24+$0x20] =	vst v10;
	(pc) =	sbr.rel @p0 .LBB2_6-.Ltmp2, $4  }
0x3a0: {  	v7 =	vadd.s32 $0x320, v59;
	v5 =	vadd.s32 $0x640, v59;
	v8 =	vadd.s32 $0x960, v59;
	v3 =	vld.idx.msk [tilespmem:v9+s12+$0x0], $0xffff;
	[tilespmem:s22+$0xF0] =	vst v13  }
0x3a1: {  	[tilespmem:s24+$0xFFFFFF20] =	vst v15;
	v61 =	vld.idx.msk [tilespmem:v57+s12+$0x0], $0xffff;
	v57 =	vmov v55  }
0x3a2: {  	v4 =	vld.idx.msk [tilespmem:v58+s12+$0x0], $0xffff;
	[tilespmem:s22+$0xFFFFFFE0] =	vst v1  }
0x3a3: {  	v60 =	vadd.s32 $0xC80, v60;
	v1 =	vld.idx.msk [tilespmem:v14+s12+$0x0], $0xffff;
	[tilespmem:s22+$0x60] =	vst v12  }
0x3a4: {  	_ =	sdelay $0x2  }
0x3a5: {  	[tilespmem:s24+$0xB0] =	vst v6  }
0x3a6: {  	[tilespmem:s24+$0xFFFFFFB0] =	vst v2;
	v13 =	vadd.s32 $0xC80, v52;
	v2 =	vld.idx.msk [tilespmem:v8+s12+$0x0], $0xffff  }
0x3a7: {  	v7 =	vld.idx.msk [tilespmem:v7+s12+$0x0], $0xffff;
	[tilespmem:s24+$0x30] =	vst v3;
	v3 =	vadd.s32 $0x960, v13  }
0x3a8: {  	v14 =	vadd.s32 $0x320, v13;
	v5 =	vld.idx.msk [tilespmem:v5+s12+$0x0], $0xffff;
	[tilespmem:s24+$0xFFFFFF30] =	vst v4  }
0x3a9: {  	v9 =	vadd.s32 $0x640, v13;
	v4 =	vld.idx.msk [tilespmem:v59+s12+$0x0], $0xffff;
	_ =	sdelay $0x1  }
0x3aa: {  	[tilespmem:s24+$0xC0] =	vst v2  }
0x3ab: {  	[tilespmem:s24+$0xFFFFFFC0] =	vst v7;
	v2 =	vld.idx.msk [tilespmem:v3+s12+$0x0], $0xffff;
	v3 =	vadd.s32 $0xC80, v53  }
0x3ac: {  	[tilespmem:s24+$0x40] =	vst v5;
	v52 =	vld.idx.msk [tilespmem:v14+s12+$0x0], $0xffff;
	v53 =	vadd.s32 $0x960, v3  }
0x3ad: {  	v54 =	vadd.s32 $0x320, v3;
	v9 =	vld.idx.msk [tilespmem:v9+s12+$0x0], $0xffff;
	[tilespmem:s24+$0xFFFFFF40] =	vst v4  }
0x3ae: {  	v10 =	vadd.s32 $0x640, v3;
	v4 =	vld.idx.msk [tilespmem:v13+s12+$0x0], $0xffff  }
0x3af: {  	[tilespmem:s22+$0xFFFFFF60] =	vst v63  }
0x3b0: {  	[tilespmem:s24+$0xD0] =	vst v2  }
0x3b1: {  	v55 =	vadd.s32 $0xC80, v55;
	[tilespmem:s24+$0xFFFFFFD0] =	vst v52;
	v2 =	vld.idx.msk [tilespmem:v53+s12+$0x0], $0xffff  }
0x3b2: {  	v56 =	vadd.s32 $0x960, v55;
	v58 =	vld.idx.msk [tilespmem:v54+s12+$0x0], $0xffff;
	[tilespmem:s24+$0x50] =	vst v9  }
0x3b3: {  	v59 =	vadd.s32 $0x320, v55;
	v9 =	vld.idx.msk [tilespmem:v10+s12+$0x0], $0xffff;
	[tilespmem:s24+$0xFFFFFF50] =	vst v4  }
0x3b4: {  	v11 =	vadd.s32 $0x640, v55;
	[tilespmem:s22+$0xFFFFFFF0] =	vst v1;
	v1 =	vld.idx.msk [tilespmem:v3+s12+$0x0], $0xffff  }
0x3b5: {  	v60 =	vld.idx.msk [tilespmem:v62+s12+$0x0], $0xffff;
	[tilespmem:s20+$0xFFFFFF70] =	vst v61  }
0x3b6: {  	v63 =	vld.idx.msk [tilespmem:v57+s12+$0x0], $0xffff;
	[tilespmem:s24+$0xE0] =	vst v2  }
0x3b7: {  	[tilespmem:s24+$0xFFFFFFE0] =	vst v58;
	v2 =	vld.idx.msk [tilespmem:v56+s12+$0x0], $0xffff  }
0x3b8: {  	v3 =	vld.idx.msk [tilespmem:v59+s12+$0x0], $0xffff;
	[tilespmem:s24+$0x60] =	vst v9  }
0x3b9: {  	v62 =	vld.idx.msk [tilespmem:v11+s12+$0x0], $0xffff;
	[tilespmem:s24+$0xFFFFFF60] =	vst v1  }
0x3ba: {  	s23 =	sadd.s32 $0x1, s23;
	[tilespmem:s22+$0x70] =	vst v60;
	v1 =	vld.idx.msk [tilespmem:v55+s12+$0x0], $0xffff  }
0x3bb: {  	p0 =	sne.s32 s23, $0x64;
	[tilespmem:s22+$0xFFFFFF70] =	vst v63  }
.Ltmp3:
0x3bc: {  	s31 =	sshll.u32 s21, $0x12;
	[tilespmem:s24+$0xF0] =	vst v2;
	(pc) =	sbr.rel @p0 .LBB2_3-.Ltmp3, $4  }
0x3bd: {  	s20 =	sor.u32 s7, s31;
	[tilespmem:s24+$0xFFFFFFF0] =	vst v3  }
0x3be: {  	s20 =	sshrl.u32 s20, $0x3;
	[tilespmem:s24+$0x70] =	vst v62  }
0x3bf: {  	s20 =	sadd.s32 s2, s20;
	[tilespmem:s24+$0xFFFFFF70] =	vst v1  }
0x3c0: {  	[hbm4b:s20+s13] =	stream.strided.scatter [tilespmem:s16], [sflag:$0x2], $0x2000, s14, s13, $0x38;
	[tilespmem:$0x19F00] =	vst v63  }
0x3c1: {  	s19 =	sadd.s32 $0x1, s19  }
0x3c2: {  	_ =	swait.ge [sflag:s17], $0x2000;
	p0 =	sne.s32 s19, s8  }
.Ltmp4:
0x3c3: {  	[sflag:s17] =	ssyncset.done $0x0;
	(pc) =	sbr.rel @p0 .LBB2_1-.Ltmp4, $4  }
0x3c4: {  	[sflag:s17] =	ssyncadd.s32 $0xFFFFE000  }
0x3c5: {  	_ =	swait.ge [sflag:s18], $0x2000  }
0x3c6: {  	[sflag:s18] =	ssyncset.done $0x0  }
0x3c7: {  	[sflag:s18] =	ssyncadd.s32 $0xFFFFE000  }
0x3c8: {  	_ =	sfence.sel $0x180000  }
0x3c9: {  	[bflag:$0x0] =	sbarrier.arrive $0xFFFF  }
0x3ca: {  	p0 =	sne.s32 s0, $0x0;
	_ =	strace $0x90000047  }
0x3cb: {  	s0 =	sadd.s32 @!p0 $0x100000, s1;
	[bflag:$0x2] =	sbarrier.arrive $0xFFFF  }
0x3cc: {  	[sflag:s0] =	ssyncadd.tile.s32 @!p0 $0x1;
	_ =	shalt  }
.Lfunc_end2:
_tile_overlayer_lowered:
.L_overlay_start_2:
0x3cd: {  	(tag) =	ssettag $0x2  }
0x3ce: {  	s0 =	rddreg [dreg:$0x0];
	s2 =	stileid.u32  }
0x3cf: {  	s1 =	rddreg [dreg:$0x1];
	p0 =	sne.s32 s2, $0x0  }
0x3d0: {  	s3 =	rddreg [dreg:$0x2];
	[bflag:$0x3] =	sbarrier.arrive $0xFFFF;
	s2 =	simm.s32 @!p0 $0x1C03  }
0x3d1: {  	[timem:s3], [sflag:s2] =	dma.local @!p0 [hbm:s0], s1  }
0x3d2: {  	s0 =	simm.s32 @!p0 $0x3  }
0x3d3: {  	_ =	swait.ge @!p0 [sflag:s0], s1  }
0x3d4: {  	s1 =	ssub.s32 @!p0 $0x0, s1;
	[sflag:s0] =	ssyncset.done @!p0 $0x0  }
0x3d5: {  	[sflag:s0] =	ssyncadd.s32 @!p0 s1  }
0x3d6: {  	[bflag:$0x3] =	sbarrier.arrive $0xFFFF  }
0x3d7: {  	_ =	shalt  }

</sc_bundles>
